<compile_context>
chip_gen: v7x
topology: tpu7x:2x2x1
jax: 0.10.2.dev20260603
libtpu: 0.0.44.dev20260713+nightly
codegen_flags: <defaults>
</compile_context>

<pallas_src>
import functools

import jax
import jax.numpy as jnp
from jax import lax
from jax.experimental import pallas as pl
from jax.experimental.pallas import tpu as pltpu
from jax.experimental.pallas import tpu_sc as plsc

VOCAB = 1000000
EMBED = 64
B = 16384
L = 50

NC = 2
NS = 16
LANES = 16
NW = NC * NS
BPW = B // NW
C = 16
CHUNKS = BPW // C
NGRP = 4


def _sc_body(center_hbm, ctx_hbm, v_hbm, u_hbm, out_hbm,
             cidx_v, uidx_v, v_rows, u_rows, out_buf, sem_v, sem_u, sem_o):
    wid = lax.axis_index("s") * NC + lax.axis_index("c")

    lane = lax.iota(jnp.int32, LANES)

    def chunk_body(chunk, _):
        base = wid * BPW + chunk * C
        pltpu.sync_copy(center_hbm.at[pl.ds(base, C)], cidx_v)
        pltpu.sync_copy(ctx_hbm.at[pl.ds(base, C)], uidx_v)
        pltpu.async_copy(v_hbm.at[cidx_v], v_rows, sem_v)
        for b in range(C):
            pltpu.async_copy(u_hbm.at[uidx_v.at[b]],
                             u_rows.at[pl.ds(b * L, L)], sem_u)
        pltpu.make_async_copy(v_hbm.at[cidx_v], v_rows, sem_v).wait()
        for b in range(C):
            pltpu.make_async_copy(u_hbm.at[uidx_v.at[b]],
                                  u_rows.at[pl.ds(b * L, L)], sem_u).wait()

        for b in range(C):
            rows = []
            masks = []
            for g in range(NGRP):
                lv = g * LANES + lane
                rows.append(b * L + lv)
                masks.append(lv < L)

            bv = jnp.full((LANES,), b, dtype=jnp.int32)

            def e_body(e, accs):
                ev = jnp.full((LANES,), e, dtype=jnp.int32)
                s = plsc.load_gather(v_rows, [bv, ev])
                return tuple(
                    accs[g] + s * plsc.load_gather(
                        u_rows, [rows[g], ev], mask=masks[g])
                    for g in range(NGRP))

            zero = jnp.zeros((LANES,), jnp.float32)
            accs = lax.fori_loop(0, EMBED, e_body, (zero,) * NGRP)
            for g in range(NGRP):
                lv = g * LANES + lane
                plsc.store_scatter(out_buf, [b * L + lv], accs[g],
                                   mask=masks[g])

        pltpu.async_copy(out_buf, out_hbm.at[pl.ds(base * L, C * L)], sem_o)
        pltpu.make_async_copy(out_buf, out_hbm.at[pl.ds(base * L, C * L)],
                              sem_o).wait()
        return ()

    lax.fori_loop(0, CHUNKS, chunk_body, ())


@jax.jit
def _sc_word2vec(center_flat, ctx, v_table, u_table):
    mesh = plsc.VectorSubcoreMesh(core_axis_name="c", subcore_axis_name="s")
    run = pl.kernel(
        _sc_body,
        out_type=jax.ShapeDtypeStruct((B * L,), jnp.float32),
        mesh=mesh,
        compiler_params=pltpu.CompilerParams(
            needs_layout_passes=False, use_tc_tiling_on_sc=False),
        scratch_types=[
            pltpu.VMEM((C,), jnp.int32),
            pltpu.VMEM((C, L), jnp.int32),
            pltpu.VMEM((C, EMBED), jnp.float32),
            pltpu.VMEM((C * L, EMBED), jnp.float32),
            pltpu.VMEM((C * L,), jnp.float32),
            pltpu.SemaphoreType.DMA,
            pltpu.SemaphoreType.DMA,
            pltpu.SemaphoreType.DMA,
        ],
    )
    return run(center_flat, ctx, v_table, u_table)


def kernel(center, context_negative, v_table, u_table):
    out = _sc_word2vec(center.reshape(B), context_negative, v_table, u_table)
    return out.reshape(B, 1, L)

# --- scband reference (transcript-rebuilt; emitter-appended) ---
"""Pipeline reference for scband-word2vec-26774826123714 (READ-ONLY COPY).

The authoritative reference and input builder live on the scoring server;
editing this copy changes nothing except your own understanding.
"""

import jax, jax.numpy as jnp
import numpy as np

VOCAB = 1000000
EMBED = 64
B = 16384
L = 50

def setup_inputs(seed: int = 0) -> dict:
    key = jax.random.key(seed)
    k1, k2, k3, k4 = jax.random.split(key, 4)
    center = jax.random.randint(k1, (B, 1), 0, VOCAB, dtype=jnp.int64 if jax.config.jax_enable_x64 else jnp.int32).astype(jnp.int32)
    context_negative = jax.random.randint(k2, (B, L), 0, VOCAB, dtype=jnp.int32)
    v_table = jax.random.normal(k3, (VOCAB, EMBED), dtype=jnp.float32) * 0.02
    u_table = jax.random.normal(k4, (VOCAB, EMBED), dtype=jnp.float32) * 0.02
    return {"center": center, "context_negative": context_negative, "v_table": v_table, "u_table": u_table}

def reference(center, context_negative, v_table, u_table):
    # skip_gram: v = embed_v(center) -> [B, 1, E]; u = embed_u(ctx) -> [B, L, E]
    v = jnp.take(v_table, center, axis=0)              # [B, 1, E]
    u = jnp.take(u_table, context_negative, axis=0)    # [B, L, E]
    # pred = bmm(v, u.permute(0,2,1)) -> [B, 1, L]
    pred = jnp.einsum('bie,ble->bil', v, u)
    return pred

if False:  # reference __main__ guard neutralized (emitter)
    inp = setup_inputs()
    out = reference(**inp)
    print(out.shape)

if __name__ == "__main__":
    import jax
    _d = setup_inputs()
    print(jax.jit(kernel)(*tuple(_d.values())))

</pallas_src>

<mosaic_0001>
#map = affine_map<(d0, d1) -> (0)>
#map1 = affine_map<(d0, d1) -> (0, 0)>
module attributes {stable_mosaic.version = 14 : i64} {
  func.func @_sc_body(%arg0: i32, %arg1: i32, %arg2: memref<16384xi32, #tpu.memory_space<hbm>>, %arg3: memref<16384x50xi32, #tpu.memory_space<hbm>>, %arg4: memref<1000000x64xf32, #tpu.memory_space<hbm>>, %arg5: memref<1000000x64xf32, #tpu.memory_space<hbm>>, %arg6: memref<819200xf32, #tpu.memory_space<hbm>>, %arg7: memref<16xi32, #tpu.memory_space<vmem>>, %arg8: memref<16x50xi32, #tpu.memory_space<vmem>>, %arg9: memref<16x64xf32, #tpu.memory_space<vmem>>, %arg10: memref<800x64xf32, #tpu.memory_space<vmem>>, %arg11: memref<800xf32, #tpu.memory_space<vmem>>, %arg12: memref<!tpu.dma_semaphore, #tpu.memory_space<semaphore_mem>>, %arg13: memref<!tpu.dma_semaphore, #tpu.memory_space<semaphore_mem>>, %arg14: memref<!tpu.dma_semaphore, #tpu.memory_space<semaphore_mem>>) attributes {dimension_semantics = [#tpu.dimension_semantics<core_parallel>, #tpu.dimension_semantics<subcore_parallel>], iteration_bounds = array<i64: 2, 16>, scalar_prefetch = 0 : i64, scratch_operands = 8 : i64, tpu.core_type = #tpu.core_type<sc_vector_subcore>, window_params = [{transform_indices = #map}, {transform_indices = #map1}, {transform_indices = #map1}, {transform_indices = #map1}, {transform_indices = #map}]} {
    %mul3A = arith.constant 2 : i32
    %mul3A_0 = arith.muli %arg1, %mul3A : i32
    %add3A = arith.addi %mul3A_0, %arg0 : i32
    %iota3A = tpu.iota {dimensions = array<i32: 0>} : vector<16xi32>
    %scan3A = arith.constant 0 : i32
    %scan3A_1 = arith.constant 32 : i32
    %scan3A_2 = arith.addi %scan3A, %scan3A_1 : i32
    %scan3A_3 = arith.constant 1 : i32
    scf.for %scan3A_5 = %scan3A to %scan3A_2 step %scan3A_3  : i32 {
      %mul3A_6 = arith.constant 512 : i32
      %mul3A_7 = arith.muli %add3A, %mul3A_6 : i32
      %mul3A_8 = arith.constant 16 : i32
      %mul3A_9 = arith.muli %scan3A_5, %mul3A_8 : i32
      %add3A_10 = arith.addi %mul3A_7, %mul3A_9 : i32
      "tpu.region"() ({
        %run_scoped3A = tpu.sem_alloc : memref<!tpu.dma_semaphore, #tpu.memory_space<semaphore_mem>>
        %dma_start3A_1461 = tpu.memref_slice %arg2[%add3A_10] : memref<16384xi32, #tpu.memory_space<hbm>> -> memref<16xi32, #tpu.memory_space<hbm>>
        %dma_start3A_1462 = tpu.memref_slice %arg2[%add3A_10] : memref<16384xi32, #tpu.memory_space<hbm>> -> memref<16xi32, #tpu.memory_space<hbm>>
        tpu.enqueue_dma source(%dma_start3A_1462 : memref<16xi32, #tpu.memory_space<hbm>>) target(%arg7 : memref<16xi32, #tpu.memory_space<vmem>>) target_semaphore(%run_scoped3A : memref<!tpu.dma_semaphore, #tpu.memory_space<semaphore_mem>>)
        %dma_wait3A_1463 = tpu.memref_slice %arg2[%add3A_10] : memref<16384xi32, #tpu.memory_space<hbm>> -> memref<16xi32, #tpu.memory_space<hbm>>
        %dma_wait3A_1464 = tpu.memref_slice %arg2[%add3A_10] : memref<16384xi32, #tpu.memory_space<hbm>> -> memref<16xi32, #tpu.memory_space<hbm>>
        tpu.wait_dma2 semaphore(%run_scoped3A : memref<!tpu.dma_semaphore, #tpu.memory_space<semaphore_mem>>) src(%dma_wait3A_1464 : memref<16xi32, #tpu.memory_space<hbm>>) dst(%arg7 : memref<16xi32, #tpu.memory_space<vmem>>)
        tpu.yield
      }) : () -> ()
      "tpu.region"() ({
        %run_scoped3A = tpu.sem_alloc : memref<!tpu.dma_semaphore, #tpu.memory_space<semaphore_mem>>
        %dma_start3A_1461 = arith.constant 0 : i32
        %dma_start3A_1462 = tpu.memref_slice %arg3[%add3A_10, %dma_start3A_1461] : memref<16384x50xi32, #tpu.memory_space<hbm>> -> memref<16x50xi32, #tpu.memory_space<hbm>>
        %dma_start3A_1463 = arith.constant 0 : i32
        %dma_start3A_1464 = tpu.memref_slice %arg3[%add3A_10, %dma_start3A_1463] : memref<16384x50xi32, #tpu.memory_space<hbm>> -> memref<16x50xi32, #tpu.memory_space<hbm>>
        tpu.enqueue_dma source(%dma_start3A_1464 : memref<16x50xi32, #tpu.memory_space<hbm>>) target(%arg8 : memref<16x50xi32, #tpu.memory_space<vmem>>) target_semaphore(%run_scoped3A : memref<!tpu.dma_semaphore, #tpu.memory_space<semaphore_mem>>)
        %dma_wait3A_1465 = arith.constant 0 : i32
        %dma_wait3A_1466 = tpu.memref_slice %arg3[%add3A_10, %dma_wait3A_1465] : memref<16384x50xi32, #tpu.memory_space<hbm>> -> memref<16x50xi32, #tpu.memory_space<hbm>>
        %dma_wait3A_1467 = arith.constant 0 : i32
        %dma_wait3A_1468 = tpu.memref_slice %arg3[%add3A_10, %dma_wait3A_1467] : memref<16384x50xi32, #tpu.memory_space<hbm>> -> memref<16x50xi32, #tpu.memory_space<hbm>>
        tpu.wait_dma2 semaphore(%run_scoped3A : memref<!tpu.dma_semaphore, #tpu.memory_space<semaphore_mem>>) src(%dma_wait3A_1468 : memref<16x50xi32, #tpu.memory_space<hbm>>) dst(%arg8 : memref<16x50xi32, #tpu.memory_space<vmem>>)
        tpu.yield
      }) : () -> ()
      %dma_start3A = arith.constant 0 : i32
      %dma_start3A_11 = arith.constant 0 : i32
      %dma_start3A_12 = tpu.memref_slice %arg4[%dma_start3A, %dma_start3A_11] : memref<1000000x64xf32, #tpu.memory_space<hbm>> -> memref<1000000x64xf32, #tpu.memory_space<hbm>>
      tpu.enqueue_indirect_dma source(%dma_start3A_12 : memref<1000000x64xf32, #tpu.memory_space<hbm>>) target(%arg9 : memref<16x64xf32, #tpu.memory_space<vmem>>) offsets(%arg7 : memref<16xi32, #tpu.memory_space<vmem>>) semaphore(%arg12 : memref<!tpu.dma_semaphore, #tpu.memory_space<semaphore_mem>>)
      %dma_start3A_13 = arith.constant 0 : i32
      %dma_start3A_14 = arith.constant 0 : i32
      %dma_start3A_15 = arith.constant 0 : i32
      %dma_start3A_16 = tpu.memref_slice %arg10[%dma_start3A_14, %dma_start3A_15] : memref<800x64xf32, #tpu.memory_space<vmem>> -> memref<50x64xf32, #tpu.memory_space<vmem>>
      %dma_start3A_17 = arith.constant 0 : i32
      %dma_start3A_18 = tpu.memref_slice %arg8[%dma_start3A_13, %dma_start3A_17] : memref<16x50xi32, #tpu.memory_space<vmem>> -> memref<1x50xi32, #tpu.memory_space<vmem>>
      %dma_start3A_19 = tpu.memref_squeeze %dma_start3A_18 : memref<1x50xi32, #tpu.memory_space<vmem>> -> memref<50xi32, #tpu.memory_space<vmem>>
      %dma_start3A_20 = arith.constant 0 : i32
      %dma_start3A_21 = arith.constant 0 : i32
      %dma_start3A_22 = tpu.memref_slice %arg5[%dma_start3A_20, %dma_start3A_21] : memref<1000000x64xf32, #tpu.memory_space<hbm>> -> memref<1000000x64xf32, #tpu.memory_space<hbm>>
      tpu.enqueue_indirect_dma source(%dma_start3A_22 : memref<1000000x64xf32, #tpu.memory_space<hbm>>) target(%dma_start3A_16 : memref<50x64xf32, #tpu.memory_space<vmem>>) offsets(%dma_start3A_19 : memref<50xi32, #tpu.memory_space<vmem>>) semaphore(%arg13 : memref<!tpu.dma_semaphore, #tpu.memory_space<semaphore_mem>>)
      %dma_start3A_23 = arith.constant 1 : i32
      %dma_start3A_24 = arith.constant 50 : i32
      %dma_start3A_25 = arith.constant 0 : i32
      %dma_start3A_26 = tpu.memref_slice %arg10[%dma_start3A_24, %dma_start3A_25] : memref<800x64xf32, #tpu.memory_space<vmem>> -> memref<50x64xf32, #tpu.memory_space<vmem>>
      %dma_start3A_27 = arith.constant 0 : i32
      %dma_start3A_28 = tpu.memref_slice %arg8[%dma_start3A_23, %dma_start3A_27] : memref<16x50xi32, #tpu.memory_space<vmem>> -> memref<1x50xi32, #tpu.memory_space<vmem>>
      %dma_start3A_29 = tpu.memref_squeeze %dma_start3A_28 : memref<1x50xi32, #tpu.memory_space<vmem>> -> memref<50xi32, #tpu.memory_space<vmem>>
      %dma_start3A_30 = arith.constant 0 : i32
      %dma_start3A_31 = arith.constant 0 : i32
      %dma_start3A_32 = tpu.memref_slice %arg5[%dma_start3A_30, %dma_start3A_31] : memref<1000000x64xf32, #tpu.memory_space<hbm>> -> memref<1000000x64xf32, #tpu.memory_space<hbm>>
      tpu.enqueue_indirect_dma source(%dma_start3A_32 : memref<1000000x64xf32, #tpu.memory_space<hbm>>) target(%dma_start3A_26 : memref<50x64xf32, #tpu.memory_space<vmem>>) offsets(%dma_start3A_29 : memref<50xi32, #tpu.memory_space<vmem>>) semaphore(%arg13 : memref<!tpu.dma_semaphore, #tpu.memory_space<semaphore_mem>>)
      %dma_start3A_33 = arith.constant 2 : i32
      %dma_start3A_34 = arith.constant 100 : i32
      %dma_start3A_35 = arith.constant 0 : i32
      %dma_start3A_36 = tpu.memref_slice %arg10[%dma_start3A_34, %dma_start3A_35] : memref<800x64xf32, #tpu.memory_space<vmem>> -> memref<50x64xf32, #tpu.memory_space<vmem>>
      %dma_start3A_37 = arith.constant 0 : i32
      %dma_start3A_38 = tpu.memref_slice %arg8[%dma_start3A_33, %dma_start3A_37] : memref<16x50xi32, #tpu.memory_space<vmem>> -> memref<1x50xi32, #tpu.memory_space<vmem>>
      %dma_start3A_39 = tpu.memref_squeeze %dma_start3A_38 : memref<1x50xi32, #tpu.memory_space<vmem>> -> memref<50xi32, #tpu.memory_space<vmem>>
      %dma_start3A_40 = arith.constant 0 : i32
      %dma_start3A_41 = arith.constant 0 : i32
      %dma_start3A_42 = tpu.memref_slice %arg5[%dma_start3A_40, %dma_start3A_41] : memref<1000000x64xf32, #tpu.memory_space<hbm>> -> memref<1000000x64xf32, #tpu.memory_space<hbm>>
      tpu.enqueue_indirect_dma source(%dma_start3A_42 : memref<1000000x64xf32, #tpu.memory_space<hbm>>) target(%dma_start3A_36 : memref<50x64xf32, #tpu.memory_space<vmem>>) offsets(%dma_start3A_39 : memref<50xi32, #tpu.memory_space<vmem>>) semaphore(%arg13 : memref<!tpu.dma_semaphore, #tpu.memory_space<semaphore_mem>>)
      %dma_start3A_43 = arith.constant 3 : i32
      %dma_start3A_44 = arith.constant 150 : i32
      %dma_start3A_45 = arith.constant 0 : i32
      %dma_start3A_46 = tpu.memref_slice %arg10[%dma_start3A_44, %dma_start3A_45] : memref<800x64xf32, #tpu.memory_space<vmem>> -> memref<50x64xf32, #tpu.memory_space<vmem>>
      %dma_start3A_47 = arith.constant 0 : i32
      %dma_start3A_48 = tpu.memref_slice %arg8[%dma_start3A_43, %dma_start3A_47] : memref<16x50xi32, #tpu.memory_space<vmem>> -> memref<1x50xi32, #tpu.memory_space<vmem>>
      %dma_start3A_49 = tpu.memref_squeeze %dma_start3A_48 : memref<1x50xi32, #tpu.memory_space<vmem>> -> memref<50xi32, #tpu.memory_space<vmem>>
      %dma_start3A_50 = arith.constant 0 : i32
      %dma_start3A_51 = arith.constant 0 : i32
      %dma_start3A_52 = tpu.memref_slice %arg5[%dma_start3A_50, %dma_start3A_51] : memref<1000000x64xf32, #tpu.memory_space<hbm>> -> memref<1000000x64xf32, #tpu.memory_space<hbm>>
      tpu.enqueue_indirect_dma source(%dma_start3A_52 : memref<1000000x64xf32, #tpu.memory_space<hbm>>) target(%dma_start3A_46 : memref<50x64xf32, #tpu.memory_space<vmem>>) offsets(%dma_start3A_49 : memref<50xi32, #tpu.memory_space<vmem>>) semaphore(%arg13 : memref<!tpu.dma_semaphore, #tpu.memory_space<semaphore_mem>>)
      %dma_start3A_53 = arith.constant 4 : i32
      %dma_start3A_54 = arith.constant 200 : i32
      %dma_start3A_55 = arith.constant 0 : i32
      %dma_start3A_56 = tpu.memref_slice %arg10[%dma_start3A_54, %dma_start3A_55] : memref<800x64xf32, #tpu.memory_space<vmem>> -> memref<50x64xf32, #tpu.memory_space<vmem>>
      %dma_start3A_57 = arith.constant 0 : i32
      %dma_start3A_58 = tpu.memref_slice %arg8[%dma_start3A_53, %dma_start3A_57] : memref<16x50xi32, #tpu.memory_space<vmem>> -> memref<1x50xi32, #tpu.memory_space<vmem>>
      %dma_start3A_59 = tpu.memref_squeeze %dma_start3A_58 : memref<1x50xi32, #tpu.memory_space<vmem>> -> memref<50xi32, #tpu.memory_space<vmem>>
      %dma_start3A_60 = arith.constant 0 : i32
      %dma_start3A_61 = arith.constant 0 : i32
      %dma_start3A_62 = tpu.memref_slice %arg5[%dma_start3A_60, %dma_start3A_61] : memref<1000000x64xf32, #tpu.memory_space<hbm>> -> memref<1000000x64xf32, #tpu.memory_space<hbm>>
      tpu.enqueue_indirect_dma source(%dma_start3A_62 : memref<1000000x64xf32, #tpu.memory_space<hbm>>) target(%dma_start3A_56 : memref<50x64xf32, #tpu.memory_space<vmem>>) offsets(%dma_start3A_59 : memref<50xi32, #tpu.memory_space<vmem>>) semaphore(%arg13 : memref<!tpu.dma_semaphore, #tpu.memory_space<semaphore_mem>>)
      %dma_start3A_63 = arith.constant 5 : i32
      %dma_start3A_64 = arith.constant 250 : i32
      %dma_start3A_65 = arith.constant 0 : i32
      %dma_start3A_66 = tpu.memref_slice %arg10[%dma_start3A_64, %dma_start3A_65] : memref<800x64xf32, #tpu.memory_space<vmem>> -> memref<50x64xf32, #tpu.memory_space<vmem>>
      %dma_start3A_67 = arith.constant 0 : i32
      %dma_start3A_68 = tpu.memref_slice %arg8[%dma_start3A_63, %dma_start3A_67] : memref<16x50xi32, #tpu.memory_space<vmem>> -> memref<1x50xi32, #tpu.memory_space<vmem>>
      %dma_start3A_69 = tpu.memref_squeeze %dma_start3A_68 : memref<1x50xi32, #tpu.memory_space<vmem>> -> memref<50xi32, #tpu.memory_space<vmem>>
      %dma_start3A_70 = arith.constant 0 : i32
      %dma_start3A_71 = arith.constant 0 : i32
      %dma_start3A_72 = tpu.memref_slice %arg5[%dma_start3A_70, %dma_start3A_71] : memref<1000000x64xf32, #tpu.memory_space<hbm>> -> memref<1000000x64xf32, #tpu.memory_space<hbm>>
      tpu.enqueue_indirect_dma source(%dma_start3A_72 : memref<1000000x64xf32, #tpu.memory_space<hbm>>) target(%dma_start3A_66 : memref<50x64xf32, #tpu.memory_space<vmem>>) offsets(%dma_start3A_69 : memref<50xi32, #tpu.memory_space<vmem>>) semaphore(%arg13 : memref<!tpu.dma_semaphore, #tpu.memory_space<semaphore_mem>>)
      %dma_start3A_73 = arith.constant 6 : i32
      %dma_start3A_74 = arith.constant 300 : i32
      %dma_start3A_75 = arith.constant 0 : i32
      %dma_start3A_76 = tpu.memref_slice %arg10[%dma_start3A_74, %dma_start3A_75] : memref<800x64xf32, #tpu.memory_space<vmem>> -> memref<50x64xf32, #tpu.memory_space<vmem>>
      %dma_start3A_77 = arith.constant 0 : i32
      %dma_start3A_78 = tpu.memref_slice %arg8[%dma_start3A_73, %dma_start3A_77] : memref<16x50xi32, #tpu.memory_space<vmem>> -> memref<1x50xi32, #tpu.memory_space<vmem>>
      %dma_start3A_79 = tpu.memref_squeeze %dma_start3A_78 : memref<1x50xi32, #tpu.memory_space<vmem>> -> memref<50xi32, #tpu.memory_space<vmem>>
      %dma_start3A_80 = arith.constant 0 : i32
      %dma_start3A_81 = arith.constant 0 : i32
      %dma_start3A_82 = tpu.memref_slice %arg5[%dma_start3A_80, %dma_start3A_81] : memref<1000000x64xf32, #tpu.memory_space<hbm>> -> memref<1000000x64xf32, #tpu.memory_space<hbm>>
      tpu.enqueue_indirect_dma source(%dma_start3A_82 : memref<1000000x64xf32, #tpu.memory_space<hbm>>) target(%dma_start3A_76 : memref<50x64xf32, #tpu.memory_space<vmem>>) offsets(%dma_start3A_79 : memref<50xi32, #tpu.memory_space<vmem>>) semaphore(%arg13 : memref<!tpu.dma_semaphore, #tpu.memory_space<semaphore_mem>>)
      %dma_start3A_83 = arith.constant 7 : i32
      %dma_start3A_84 = arith.constant 350 : i32
      %dma_start3A_85 = arith.constant 0 : i32
      %dma_start3A_86 = tpu.memref_slice %arg10[%dma_start3A_84, %dma_start3A_85] : memref<800x64xf32, #tpu.memory_space<vmem>> -> memref<50x64xf32, #tpu.memory_space<vmem>>
      %dma_start3A_87 = arith.constant 0 : i32
      %dma_start3A_88 = tpu.memref_slice %arg8[%dma_start3A_83, %dma_start3A_87] : memref<16x50xi32, #tpu.memory_space<vmem>> -> memref<1x50xi32, #tpu.memory_space<vmem>>
      %dma_start3A_89 = tpu.memref_squeeze %dma_start3A_88 : memref<1x50xi32, #tpu.memory_space<vmem>> -> memref<50xi32, #tpu.memory_space<vmem>>
      %dma_start3A_90 = arith.constant 0 : i32
      %dma_start3A_91 = arith.constant 0 : i32
      %dma_start3A_92 = tpu.memref_slice %arg5[%dma_start3A_90, %dma_start3A_91] : memref<1000000x64xf32, #tpu.memory_space<hbm>> -> memref<1000000x64xf32, #tpu.memory_space<hbm>>
      tpu.enqueue_indirect_dma source(%dma_start3A_92 : memref<1000000x64xf32, #tpu.memory_space<hbm>>) target(%dma_start3A_86 : memref<50x64xf32, #tpu.memory_space<vmem>>) offsets(%dma_start3A_89 : memref<50xi32, #tpu.memory_space<vmem>>) semaphore(%arg13 : memref<!tpu.dma_semaphore, #tpu.memory_space<semaphore_mem>>)
      %dma_start3A_93 = arith.constant 8 : i32
      %dma_start3A_94 = arith.constant 400 : i32
      %dma_start3A_95 = arith.constant 0 : i32
      %dma_start3A_96 = tpu.memref_slice %arg10[%dma_start3A_94, %dma_start3A_95] : memref<800x64xf32, #tpu.memory_space<vmem>> -> memref<50x64xf32, #tpu.memory_space<vmem>>
      %dma_start3A_97 = arith.constant 0 : i32
      %dma_start3A_98 = tpu.memref_slice %arg8[%dma_start3A_93, %dma_start3A_97] : memref<16x50xi32, #tpu.memory_space<vmem>> -> memref<1x50xi32, #tpu.memory_space<vmem>>
      %dma_start3A_99 = tpu.memref_squeeze %dma_start3A_98 : memref<1x50xi32, #tpu.memory_space<vmem>> -> memref<50xi32, #tpu.memory_space<vmem>>
      %dma_start3A_100 = arith.constant 0 : i32
      %dma_start3A_101 = arith.constant 0 : i32
      %dma_start3A_102 = tpu.memref_slice %arg5[%dma_start3A_100, %dma_start3A_101] : memref<1000000x64xf32, #tpu.memory_space<hbm>> -> memref<1000000x64xf32, #tpu.memory_space<hbm>>
      tpu.enqueue_indirect_dma source(%dma_start3A_102 : memref<1000000x64xf32, #tpu.memory_space<hbm>>) target(%dma_start3A_96 : memref<50x64xf32, #tpu.memory_space<vmem>>) offsets(%dma_start3A_99 : memref<50xi32, #tpu.memory_space<vmem>>) semaphore(%arg13 : memref<!tpu.dma_semaphore, #tpu.memory_space<semaphore_mem>>)
      %dma_start3A_103 = arith.constant 9 : i32
      %dma_start3A_104 = arith.constant 450 : i32
      %dma_start3A_105 = arith.constant 0 : i32
      %dma_start3A_106 = tpu.memref_slice %arg10[%dma_start3A_104, %dma_start3A_105] : memref<800x64xf32, #tpu.memory_space<vmem>> -> memref<50x64xf32, #tpu.memory_space<vmem>>
      %dma_start3A_107 = arith.constant 0 : i32
      %dma_start3A_108 = tpu.memref_slice %arg8[%dma_start3A_103, %dma_start3A_107] : memref<16x50xi32, #tpu.memory_space<vmem>> -> memref<1x50xi32, #tpu.memory_space<vmem>>
      %dma_start3A_109 = tpu.memref_squeeze %dma_start3A_108 : memref<1x50xi32, #tpu.memory_space<vmem>> -> memref<50xi32, #tpu.memory_space<vmem>>
      %dma_start3A_110 = arith.constant 0 : i32
      %dma_start3A_111 = arith.constant 0 : i32
      %dma_start3A_112 = tpu.memref_slice %arg5[%dma_start3A_110, %dma_start3A_111] : memref<1000000x64xf32, #tpu.memory_space<hbm>> -> memref<1000000x64xf32, #tpu.memory_space<hbm>>
      tpu.enqueue_indirect_dma source(%dma_start3A_112 : memref<1000000x64xf32, #tpu.memory_space<hbm>>) target(%dma_start3A_106 : memref<50x64xf32, #tpu.memory_space<vmem>>) offsets(%dma_start3A_109 : memref<50xi32, #tpu.memory_space<vmem>>) semaphore(%arg13 : memref<!tpu.dma_semaphore, #tpu.memory_space<semaphore_mem>>)
      %dma_start3A_113 = arith.constant 10 : i32
      %dma_start3A_114 = arith.constant 500 : i32
      %dma_start3A_115 = arith.constant 0 : i32
      %dma_start3A_116 = tpu.memref_slice %arg10[%dma_start3A_114, %dma_start3A_115] : memref<800x64xf32, #tpu.memory_space<vmem>> -> memref<50x64xf32, #tpu.memory_space<vmem>>
      %dma_start3A_117 = arith.constant 0 : i32
      %dma_start3A_118 = tpu.memref_slice %arg8[%dma_start3A_113, %dma_start3A_117] : memref<16x50xi32, #tpu.memory_space<vmem>> -> memref<1x50xi32, #tpu.memory_space<vmem>>
      %dma_start3A_119 = tpu.memref_squeeze %dma_start3A_118 : memref<1x50xi32, #tpu.memory_space<vmem>> -> memref<50xi32, #tpu.memory_space<vmem>>
      %dma_start3A_120 = arith.constant 0 : i32
      %dma_start3A_121 = arith.constant 0 : i32
      %dma_start3A_122 = tpu.memref_slice %arg5[%dma_start3A_120, %dma_start3A_121] : memref<1000000x64xf32, #tpu.memory_space<hbm>> -> memref<1000000x64xf32, #tpu.memory_space<hbm>>
      tpu.enqueue_indirect_dma source(%dma_start3A_122 : memref<1000000x64xf32, #tpu.memory_space<hbm>>) target(%dma_start3A_116 : memref<50x64xf32, #tpu.memory_space<vmem>>) offsets(%dma_start3A_119 : memref<50xi32, #tpu.memory_space<vmem>>) semaphore(%arg13 : memref<!tpu.dma_semaphore, #tpu.memory_space<semaphore_mem>>)
      %dma_start3A_123 = arith.constant 11 : i32
      %dma_start3A_124 = arith.constant 550 : i32
      %dma_start3A_125 = arith.constant 0 : i32
      %dma_start3A_126 = tpu.memref_slice %arg10[%dma_start3A_124, %dma_start3A_125] : memref<800x64xf32, #tpu.memory_space<vmem>> -> memref<50x64xf32, #tpu.memory_space<vmem>>
      %dma_start3A_127 = arith.constant 0 : i32
      %dma_start3A_128 = tpu.memref_slice %arg8[%dma_start3A_123, %dma_start3A_127] : memref<16x50xi32, #tpu.memory_space<vmem>> -> memref<1x50xi32, #tpu.memory_space<vmem>>
      %dma_start3A_129 = tpu.memref_squeeze %dma_start3A_128 : memref<1x50xi32, #tpu.memory_space<vmem>> -> memref<50xi32, #tpu.memory_space<vmem>>
      %dma_start3A_130 = arith.constant 0 : i32
      %dma_start3A_131 = arith.constant 0 : i32
      %dma_start3A_132 = tpu.memref_slice %arg5[%dma_start3A_130, %dma_start3A_131] : memref<1000000x64xf32, #tpu.memory_space<hbm>> -> memref<1000000x64xf32, #tpu.memory_space<hbm>>
      tpu.enqueue_indirect_dma source(%dma_start3A_132 : memref<1000000x64xf32, #tpu.memory_space<hbm>>) target(%dma_start3A_126 : memref<50x64xf32, #tpu.memory_space<vmem>>) offsets(%dma_start3A_129 : memref<50xi32, #tpu.memory_space<vmem>>) semaphore(%arg13 : memref<!tpu.dma_semaphore, #tpu.memory_space<semaphore_mem>>)
      %dma_start3A_133 = arith.constant 12 : i32
      %dma_start3A_134 = arith.constant 600 : i32
      %dma_start3A_135 = arith.constant 0 : i32
      %dma_start3A_136 = tpu.memref_slice %arg10[%dma_start3A_134, %dma_start3A_135] : memref<800x64xf32, #tpu.memory_space<vmem>> -> memref<50x64xf32, #tpu.memory_space<vmem>>
      %dma_start3A_137 = arith.constant 0 : i32
      %dma_start3A_138 = tpu.memref_slice %arg8[%dma_start3A_133, %dma_start3A_137] : memref<16x50xi32, #tpu.memory_space<vmem>> -> memref<1x50xi32, #tpu.memory_space<vmem>>
      %dma_start3A_139 = tpu.memref_squeeze %dma_start3A_138 : memref<1x50xi32, #tpu.memory_space<vmem>> -> memref<50xi32, #tpu.memory_space<vmem>>
      %dma_start3A_140 = arith.constant 0 : i32
      %dma_start3A_141 = arith.constant 0 : i32
      %dma_start3A_142 = tpu.memref_slice %arg5[%dma_start3A_140, %dma_start3A_141] : memref<1000000x64xf32, #tpu.memory_space<hbm>> -> memref<1000000x64xf32, #tpu.memory_space<hbm>>
      tpu.enqueue_indirect_dma source(%dma_start3A_142 : memref<1000000x64xf32, #tpu.memory_space<hbm>>) target(%dma_start3A_136 : memref<50x64xf32, #tpu.memory_space<vmem>>) offsets(%dma_start3A_139 : memref<50xi32, #tpu.memory_space<vmem>>) semaphore(%arg13 : memref<!tpu.dma_semaphore, #tpu.memory_space<semaphore_mem>>)
      %dma_start3A_143 = arith.constant 13 : i32
      %dma_start3A_144 = arith.constant 650 : i32
      %dma_start3A_145 = arith.constant 0 : i32
      %dma_start3A_146 = tpu.memref_slice %arg10[%dma_start3A_144, %dma_start3A_145] : memref<800x64xf32, #tpu.memory_space<vmem>> -> memref<50x64xf32, #tpu.memory_space<vmem>>
      %dma_start3A_147 = arith.constant 0 : i32
      %dma_start3A_148 = tpu.memref_slice %arg8[%dma_start3A_143, %dma_start3A_147] : memref<16x50xi32, #tpu.memory_space<vmem>> -> memref<1x50xi32, #tpu.memory_space<vmem>>
      %dma_start3A_149 = tpu.memref_squeeze %dma_start3A_148 : memref<1x50xi32, #tpu.memory_space<vmem>> -> memref<50xi32, #tpu.memory_space<vmem>>
      %dma_start3A_150 = arith.constant 0 : i32
      %dma_start3A_151 = arith.constant 0 : i32
      %dma_start3A_152 = tpu.memref_slice %arg5[%dma_start3A_150, %dma_start3A_151] : memref<1000000x64xf32, #tpu.memory_space<hbm>> -> memref<1000000x64xf32, #tpu.memory_space<hbm>>
      tpu.enqueue_indirect_dma source(%dma_start3A_152 : memref<1000000x64xf32, #tpu.memory_space<hbm>>) target(%dma_start3A_146 : memref<50x64xf32, #tpu.memory_space<vmem>>) offsets(%dma_start3A_149 : memref<50xi32, #tpu.memory_space<vmem>>) semaphore(%arg13 : memref<!tpu.dma_semaphore, #tpu.memory_space<semaphore_mem>>)
      %dma_start3A_153 = arith.constant 14 : i32
      %dma_start3A_154 = arith.constant 700 : i32
      %dma_start3A_155 = arith.constant 0 : i32
      %dma_start3A_156 = tpu.memref_slice %arg10[%dma_start3A_154, %dma_start3A_155] : memref<800x64xf32, #tpu.memory_space<vmem>> -> memref<50x64xf32, #tpu.memory_space<vmem>>
      %dma_start3A_157 = arith.constant 0 : i32
      %dma_start3A_158 = tpu.memref_slice %arg8[%dma_start3A_153, %dma_start3A_157] : memref<16x50xi32, #tpu.memory_space<vmem>> -> memref<1x50xi32, #tpu.memory_space<vmem>>
      %dma_start3A_159 = tpu.memref_squeeze %dma_start3A_158 : memref<1x50xi32, #tpu.memory_space<vmem>> -> memref<50xi32, #tpu.memory_space<vmem>>
      %dma_start3A_160 = arith.constant 0 : i32
      %dma_start3A_161 = arith.constant 0 : i32
      %dma_start3A_162 = tpu.memref_slice %arg5[%dma_start3A_160, %dma_start3A_161] : memref<1000000x64xf32, #tpu.memory_space<hbm>> -> memref<1000000x64xf32, #tpu.memory_space<hbm>>
      tpu.enqueue_indirect_dma source(%dma_start3A_162 : memref<1000000x64xf32, #tpu.memory_space<hbm>>) target(%dma_start3A_156 : memref<50x64xf32, #tpu.memory_space<vmem>>) offsets(%dma_start3A_159 : memref<50xi32, #tpu.memory_space<vmem>>) semaphore(%arg13 : memref<!tpu.dma_semaphore, #tpu.memory_space<semaphore_mem>>)
      %dma_start3A_163 = arith.constant 15 : i32
      %dma_start3A_164 = arith.constant 750 : i32
      %dma_start3A_165 = arith.constant 0 : i32
      %dma_start3A_166 = tpu.memref_slice %arg10[%dma_start3A_164, %dma_start3A_165] : memref<800x64xf32, #tpu.memory_space<vmem>> -> memref<50x64xf32, #tpu.memory_space<vmem>>
      %dma_start3A_167 = arith.constant 0 : i32
      %dma_start3A_168 = tpu.memref_slice %arg8[%dma_start3A_163, %dma_start3A_167] : memref<16x50xi32, #tpu.memory_space<vmem>> -> memref<1x50xi32, #tpu.memory_space<vmem>>
      %dma_start3A_169 = tpu.memref_squeeze %dma_start3A_168 : memref<1x50xi32, #tpu.memory_space<vmem>> -> memref<50xi32, #tpu.memory_space<vmem>>
      %dma_start3A_170 = arith.constant 0 : i32
      %dma_start3A_171 = arith.constant 0 : i32
      %dma_start3A_172 = tpu.memref_slice %arg5[%dma_start3A_170, %dma_start3A_171] : memref<1000000x64xf32, #tpu.memory_space<hbm>> -> memref<1000000x64xf32, #tpu.memory_space<hbm>>
      tpu.enqueue_indirect_dma source(%dma_start3A_172 : memref<1000000x64xf32, #tpu.memory_space<hbm>>) target(%dma_start3A_166 : memref<50x64xf32, #tpu.memory_space<vmem>>) offsets(%dma_start3A_169 : memref<50xi32, #tpu.memory_space<vmem>>) semaphore(%arg13 : memref<!tpu.dma_semaphore, #tpu.memory_space<semaphore_mem>>)
      %dma_wait3A = arith.constant 0 : i32
      %dma_wait3A_173 = arith.constant 0 : i32
      %dma_wait3A_174 = tpu.memref_slice %arg4[%dma_wait3A, %dma_wait3A_173] : memref<1000000x64xf32, #tpu.memory_space<hbm>> -> memref<1000000x64xf32, #tpu.memory_space<hbm>>
      tpu.wait_indirect_dma semaphore(%arg12 : memref<!tpu.dma_semaphore, #tpu.memory_space<semaphore_mem>>) src(%dma_wait3A_174 : memref<1000000x64xf32, #tpu.memory_space<hbm>>) dst(%arg9 : memref<16x64xf32, #tpu.memory_space<vmem>>)
      %dma_wait3A_175 = arith.constant 0 : i32
      %dma_wait3A_176 = arith.constant 0 : i32
      %dma_wait3A_177 = arith.constant 0 : i32
      %dma_wait3A_178 = tpu.memref_slice %arg10[%dma_wait3A_176, %dma_wait3A_177] : memref<800x64xf32, #tpu.memory_space<vmem>> -> memref<50x64xf32, #tpu.memory_space<vmem>>
      %dma_wait3A_179 = arith.constant 0 : i32
      %dma_wait3A_180 = tpu.memref_slice %arg8[%dma_wait3A_175, %dma_wait3A_179] : memref<16x50xi32, #tpu.memory_space<vmem>> -> memref<1x50xi32, #tpu.memory_space<vmem>>
      %dma_wait3A_181 = tpu.memref_squeeze %dma_wait3A_180 : memref<1x50xi32, #tpu.memory_space<vmem>> -> memref<50xi32, #tpu.memory_space<vmem>>
      %dma_wait3A_182 = arith.constant 0 : i32
      %dma_wait3A_183 = arith.constant 0 : i32
      %dma_wait3A_184 = tpu.memref_slice %arg5[%dma_wait3A_182, %dma_wait3A_183] : memref<1000000x64xf32, #tpu.memory_space<hbm>> -> memref<1000000x64xf32, #tpu.memory_space<hbm>>
      tpu.wait_indirect_dma semaphore(%arg13 : memref<!tpu.dma_semaphore, #tpu.memory_space<semaphore_mem>>) src(%dma_wait3A_184 : memref<1000000x64xf32, #tpu.memory_space<hbm>>) dst(%dma_wait3A_178 : memref<50x64xf32, #tpu.memory_space<vmem>>)
      %dma_wait3A_185 = arith.constant 1 : i32
      %dma_wait3A_186 = arith.constant 50 : i32
      %dma_wait3A_187 = arith.constant 0 : i32
      %dma_wait3A_188 = tpu.memref_slice %arg10[%dma_wait3A_186, %dma_wait3A_187] : memref<800x64xf32, #tpu.memory_space<vmem>> -> memref<50x64xf32, #tpu.memory_space<vmem>>
      %dma_wait3A_189 = arith.constant 0 : i32
      %dma_wait3A_190 = tpu.memref_slice %arg8[%dma_wait3A_185, %dma_wait3A_189] : memref<16x50xi32, #tpu.memory_space<vmem>> -> memref<1x50xi32, #tpu.memory_space<vmem>>
      %dma_wait3A_191 = tpu.memref_squeeze %dma_wait3A_190 : memref<1x50xi32, #tpu.memory_space<vmem>> -> memref<50xi32, #tpu.memory_space<vmem>>
      %dma_wait3A_192 = arith.constant 0 : i32
      %dma_wait3A_193 = arith.constant 0 : i32
      %dma_wait3A_194 = tpu.memref_slice %arg5[%dma_wait3A_192, %dma_wait3A_193] : memref<1000000x64xf32, #tpu.memory_space<hbm>> -> memref<1000000x64xf32, #tpu.memory_space<hbm>>
      tpu.wait_indirect_dma semaphore(%arg13 : memref<!tpu.dma_semaphore, #tpu.memory_space<semaphore_mem>>) src(%dma_wait3A_194 : memref<1000000x64xf32, #tpu.memory_space<hbm>>) dst(%dma_wait3A_188 : memref<50x64xf32, #tpu.memory_space<vmem>>)
      %dma_wait3A_195 = arith.constant 2 : i32
      %dma_wait3A_196 = arith.constant 100 : i32
      %dma_wait3A_197 = arith.constant 0 : i32
      %dma_wait3A_198 = tpu.memref_slice %arg10[%dma_wait3A_196, %dma_wait3A_197] : memref<800x64xf32, #tpu.memory_space<vmem>> -> memref<50x64xf32, #tpu.memory_space<vmem>>
      %dma_wait3A_199 = arith.constant 0 : i32
      %dma_wait3A_200 = tpu.memref_slice %arg8[%dma_wait3A_195, %dma_wait3A_199] : memref<16x50xi32, #tpu.memory_space<vmem>> -> memref<1x50xi32, #tpu.memory_space<vmem>>
      %dma_wait3A_201 = tpu.memref_squeeze %dma_wait3A_200 : memref<1x50xi32, #tpu.memory_space<vmem>> -> memref<50xi32, #tpu.memory_space<vmem>>
      %dma_wait3A_202 = arith.constant 0 : i32
      %dma_wait3A_203 = arith.constant 0 : i32
      %dma_wait3A_204 = tpu.memref_slice %arg5[%dma_wait3A_202, %dma_wait3A_203] : memref<1000000x64xf32, #tpu.memory_space<hbm>> -> memref<1000000x64xf32, #tpu.memory_space<hbm>>
      tpu.wait_indirect_dma semaphore(%arg13 : memref<!tpu.dma_semaphore, #tpu.memory_space<semaphore_mem>>) src(%dma_wait3A_204 : memref<1000000x64xf32, #tpu.memory_space<hbm>>) dst(%dma_wait3A_198 : memref<50x64xf32, #tpu.memory_space<vmem>>)
      %dma_wait3A_205 = arith.constant 3 : i32
      %dma_wait3A_206 = arith.constant 150 : i32
      %dma_wait3A_207 = arith.constant 0 : i32
      %dma_wait3A_208 = tpu.memref_slice %arg10[%dma_wait3A_206, %dma_wait3A_207] : memref<800x64xf32, #tpu.memory_space<vmem>> -> memref<50x64xf32, #tpu.memory_space<vmem>>
      %dma_wait3A_209 = arith.constant 0 : i32
      %dma_wait3A_210 = tpu.memref_slice %arg8[%dma_wait3A_205, %dma_wait3A_209] : memref<16x50xi32, #tpu.memory_space<vmem>> -> memref<1x50xi32, #tpu.memory_space<vmem>>
      %dma_wait3A_211 = tpu.memref_squeeze %dma_wait3A_210 : memref<1x50xi32, #tpu.memory_space<vmem>> -> memref<50xi32, #tpu.memory_space<vmem>>
      %dma_wait3A_212 = arith.constant 0 : i32
      %dma_wait3A_213 = arith.constant 0 : i32
      %dma_wait3A_214 = tpu.memref_slice %arg5[%dma_wait3A_212, %dma_wait3A_213] : memref<1000000x64xf32, #tpu.memory_space<hbm>> -> memref<1000000x64xf32, #tpu.memory_space<hbm>>
      tpu.wait_indirect_dma semaphore(%arg13 : memref<!tpu.dma_semaphore, #tpu.memory_space<semaphore_mem>>) src(%dma_wait3A_214 : memref<1000000x64xf32, #tpu.memory_space<hbm>>) dst(%dma_wait3A_208 : memref<50x64xf32, #tpu.memory_space<vmem>>)
      %dma_wait3A_215 = arith.constant 4 : i32
      %dma_wait3A_216 = arith.constant 200 : i32
      %dma_wait3A_217 = arith.constant 0 : i32
      %dma_wait3A_218 = tpu.memref_slice %arg10[%dma_wait3A_216, %dma_wait3A_217] : memref<800x64xf32, #tpu.memory_space<vmem>> -> memref<50x64xf32, #tpu.memory_space<vmem>>
      %dma_wait3A_219 = arith.constant 0 : i32
      %dma_wait3A_220 = tpu.memref_slice %arg8[%dma_wait3A_215, %dma_wait3A_219] : memref<16x50xi32, #tpu.memory_space<vmem>> -> memref<1x50xi32, #tpu.memory_space<vmem>>
      %dma_wait3A_221 = tpu.memref_squeeze %dma_wait3A_220 : memref<1x50xi32, #tpu.memory_space<vmem>> -> memref<50xi32, #tpu.memory_space<vmem>>
      %dma_wait3A_222 = arith.constant 0 : i32
      %dma_wait3A_223 = arith.constant 0 : i32
      %dma_wait3A_224 = tpu.memref_slice %arg5[%dma_wait3A_222, %dma_wait3A_223] : memref<1000000x64xf32, #tpu.memory_space<hbm>> -> memref<1000000x64xf32, #tpu.memory_space<hbm>>
      tpu.wait_indirect_dma semaphore(%arg13 : memref<!tpu.dma_semaphore, #tpu.memory_space<semaphore_mem>>) src(%dma_wait3A_224 : memref<1000000x64xf32, #tpu.memory_space<hbm>>) dst(%dma_wait3A_218 : memref<50x64xf32, #tpu.memory_space<vmem>>)
      %dma_wait3A_225 = arith.constant 5 : i32
      %dma_wait3A_226 = arith.constant 250 : i32
      %dma_wait3A_227 = arith.constant 0 : i32
      %dma_wait3A_228 = tpu.memref_slice %arg10[%dma_wait3A_226, %dma_wait3A_227] : memref<800x64xf32, #tpu.memory_space<vmem>> -> memref<50x64xf32, #tpu.memory_space<vmem>>
      %dma_wait3A_229 = arith.constant 0 : i32
      %dma_wait3A_230 = tpu.memref_slice %arg8[%dma_wait3A_225, %dma_wait3A_229] : memref<16x50xi32, #tpu.memory_space<vmem>> -> memref<1x50xi32, #tpu.memory_space<vmem>>
      %dma_wait3A_231 = tpu.memref_squeeze %dma_wait3A_230 : memref<1x50xi32, #tpu.memory_space<vmem>> -> memref<50xi32, #tpu.memory_space<vmem>>
      %dma_wait3A_232 = arith.constant 0 : i32
      %dma_wait3A_233 = arith.constant 0 : i32
      %dma_wait3A_234 = tpu.memref_slice %arg5[%dma_wait3A_232, %dma_wait3A_233] : memref<1000000x64xf32, #tpu.memory_space<hbm>> -> memref<1000000x64xf32, #tpu.memory_space<hbm>>
      tpu.wait_indirect_dma semaphore(%arg13 : memref<!tpu.dma_semaphore, #tpu.memory_space<semaphore_mem>>) src(%dma_wait3A_234 : memref<1000000x64xf32, #tpu.memory_space<hbm>>) dst(%dma_wait3A_228 : memref<50x64xf32, #tpu.memory_space<vmem>>)
      %dma_wait3A_235 = arith.constant 6 : i32
      %dma_wait3A_236 = arith.constant 300 : i32
      %dma_wait3A_237 = arith.constant 0 : i32
      %dma_wait3A_238 = tpu.memref_slice %arg10[%dma_wait3A_236, %dma_wait3A_237] : memref<800x64xf32, #tpu.memory_space<vmem>> -> memref<50x64xf32, #tpu.memory_space<vmem>>
      %dma_wait3A_239 = arith.constant 0 : i32
      %dma_wait3A_240 = tpu.memref_slice %arg8[%dma_wait3A_235, %dma_wait3A_239] : memref<16x50xi32, #tpu.memory_space<vmem>> -> memref<1x50xi32, #tpu.memory_space<vmem>>
      %dma_wait3A_241 = tpu.memref_squeeze %dma_wait3A_240 : memref<1x50xi32, #tpu.memory_space<vmem>> -> memref<50xi32, #tpu.memory_space<vmem>>
      %dma_wait3A_242 = arith.constant 0 : i32
      %dma_wait3A_243 = arith.constant 0 : i32
      %dma_wait3A_244 = tpu.memref_slice %arg5[%dma_wait3A_242, %dma_wait3A_243] : memref<1000000x64xf32, #tpu.memory_space<hbm>> -> memref<1000000x64xf32, #tpu.memory_space<hbm>>
      tpu.wait_indirect_dma semaphore(%arg13 : memref<!tpu.dma_semaphore, #tpu.memory_space<semaphore_mem>>) src(%dma_wait3A_244 : memref<1000000x64xf32, #tpu.memory_space<hbm>>) dst(%dma_wait3A_238 : memref<50x64xf32, #tpu.memory_space<vmem>>)
      %dma_wait3A_245 = arith.constant 7 : i32
      %dma_wait3A_246 = arith.constant 350 : i32
      %dma_wait3A_247 = arith.constant 0 : i32
      %dma_wait3A_248 = tpu.memref_slice %arg10[%dma_wait3A_246, %dma_wait3A_247] : memref<800x64xf32, #tpu.memory_space<vmem>> -> memref<50x64xf32, #tpu.memory_space<vmem>>
      %dma_wait3A_249 = arith.constant 0 : i32
      %dma_wait3A_250 = tpu.memref_slice %arg8[%dma_wait3A_245, %dma_wait3A_249] : memref<16x50xi32, #tpu.memory_space<vmem>> -> memref<1x50xi32, #tpu.memory_space<vmem>>
      %dma_wait3A_251 = tpu.memref_squeeze %dma_wait3A_250 : memref<1x50xi32, #tpu.memory_space<vmem>> -> memref<50xi32, #tpu.memory_space<vmem>>
      %dma_wait3A_252 = arith.constant 0 : i32
      %dma_wait3A_253 = arith.constant 0 : i32
      %dma_wait3A_254 = tpu.memref_slice %arg5[%dma_wait3A_252, %dma_wait3A_253] : memref<1000000x64xf32, #tpu.memory_space<hbm>> -> memref<1000000x64xf32, #tpu.memory_space<hbm>>
      tpu.wait_indirect_dma semaphore(%arg13 : memref<!tpu.dma_semaphore, #tpu.memory_space<semaphore_mem>>) src(%dma_wait3A_254 : memref<1000000x64xf32, #tpu.memory_space<hbm>>) dst(%dma_wait3A_248 : memref<50x64xf32, #tpu.memory_space<vmem>>)
      %dma_wait3A_255 = arith.constant 8 : i32
      %dma_wait3A_256 = arith.constant 400 : i32
      %dma_wait3A_257 = arith.constant 0 : i32
      %dma_wait3A_258 = tpu.memref_slice %arg10[%dma_wait3A_256, %dma_wait3A_257] : memref<800x64xf32, #tpu.memory_space<vmem>> -> memref<50x64xf32, #tpu.memory_space<vmem>>
      %dma_wait3A_259 = arith.constant 0 : i32
      %dma_wait3A_260 = tpu.memref_slice %arg8[%dma_wait3A_255, %dma_wait3A_259] : memref<16x50xi32, #tpu.memory_space<vmem>> -> memref<1x50xi32, #tpu.memory_space<vmem>>
      %dma_wait3A_261 = tpu.memref_squeeze %dma_wait3A_260 : memref<1x50xi32, #tpu.memory_space<vmem>> -> memref<50xi32, #tpu.memory_space<vmem>>
      %dma_wait3A_262 = arith.constant 0 : i32
      %dma_wait3A_263 = arith.constant 0 : i32
      %dma_wait3A_264 = tpu.memref_slice %arg5[%dma_wait3A_262, %dma_wait3A_263] : memref<1000000x64xf32, #tpu.memory_space<hbm>> -> memref<1000000x64xf32, #tpu.memory_space<hbm>>
      tpu.wait_indirect_dma semaphore(%arg13 : memref<!tpu.dma_semaphore, #tpu.memory_space<semaphore_mem>>) src(%dma_wait3A_264 : memref<1000000x64xf32, #tpu.memory_space<hbm>>) dst(%dma_wait3A_258 : memref<50x64xf32, #tpu.memory_space<vmem>>)
      %dma_wait3A_265 = arith.constant 9 : i32
      %dma_wait3A_266 = arith.constant 450 : i32
      %dma_wait3A_267 = arith.constant 0 : i32
      %dma_wait3A_268 = tpu.memref_slice %arg10[%dma_wait3A_266, %dma_wait3A_267] : memref<800x64xf32, #tpu.memory_space<vmem>> -> memref<50x64xf32, #tpu.memory_space<vmem>>
      %dma_wait3A_269 = arith.constant 0 : i32
      %dma_wait3A_270 = tpu.memref_slice %arg8[%dma_wait3A_265, %dma_wait3A_269] : memref<16x50xi32, #tpu.memory_space<vmem>> -> memref<1x50xi32, #tpu.memory_space<vmem>>
      %dma_wait3A_271 = tpu.memref_squeeze %dma_wait3A_270 : memref<1x50xi32, #tpu.memory_space<vmem>> -> memref<50xi32, #tpu.memory_space<vmem>>
      %dma_wait3A_272 = arith.constant 0 : i32
      %dma_wait3A_273 = arith.constant 0 : i32
      %dma_wait3A_274 = tpu.memref_slice %arg5[%dma_wait3A_272, %dma_wait3A_273] : memref<1000000x64xf32, #tpu.memory_space<hbm>> -> memref<1000000x64xf32, #tpu.memory_space<hbm>>
      tpu.wait_indirect_dma semaphore(%arg13 : memref<!tpu.dma_semaphore, #tpu.memory_space<semaphore_mem>>) src(%dma_wait3A_274 : memref<1000000x64xf32, #tpu.memory_space<hbm>>) dst(%dma_wait3A_268 : memref<50x64xf32, #tpu.memory_space<vmem>>)
      %dma_wait3A_275 = arith.constant 10 : i32
      %dma_wait3A_276 = arith.constant 500 : i32
      %dma_wait3A_277 = arith.constant 0 : i32
      %dma_wait3A_278 = tpu.memref_slice %arg10[%dma_wait3A_276, %dma_wait3A_277] : memref<800x64xf32, #tpu.memory_space<vmem>> -> memref<50x64xf32, #tpu.memory_space<vmem>>
      %dma_wait3A_279 = arith.constant 0 : i32
      %dma_wait3A_280 = tpu.memref_slice %arg8[%dma_wait3A_275, %dma_wait3A_279] : memref<16x50xi32, #tpu.memory_space<vmem>> -> memref<1x50xi32, #tpu.memory_space<vmem>>
      %dma_wait3A_281 = tpu.memref_squeeze %dma_wait3A_280 : memref<1x50xi32, #tpu.memory_space<vmem>> -> memref<50xi32, #tpu.memory_space<vmem>>
      %dma_wait3A_282 = arith.constant 0 : i32
      %dma_wait3A_283 = arith.constant 0 : i32
      %dma_wait3A_284 = tpu.memref_slice %arg5[%dma_wait3A_282, %dma_wait3A_283] : memref<1000000x64xf32, #tpu.memory_space<hbm>> -> memref<1000000x64xf32, #tpu.memory_space<hbm>>
      tpu.wait_indirect_dma semaphore(%arg13 : memref<!tpu.dma_semaphore, #tpu.memory_space<semaphore_mem>>) src(%dma_wait3A_284 : memref<1000000x64xf32, #tpu.memory_space<hbm>>) dst(%dma_wait3A_278 : memref<50x64xf32, #tpu.memory_space<vmem>>)
      %dma_wait3A_285 = arith.constant 11 : i32
      %dma_wait3A_286 = arith.constant 550 : i32
      %dma_wait3A_287 = arith.constant 0 : i32
      %dma_wait3A_288 = tpu.memref_slice %arg10[%dma_wait3A_286, %dma_wait3A_287] : memref<800x64xf32, #tpu.memory_space<vmem>> -> memref<50x64xf32, #tpu.memory_space<vmem>>
      %dma_wait3A_289 = arith.constant 0 : i32
      %dma_wait3A_290 = tpu.memref_slice %arg8[%dma_wait3A_285, %dma_wait3A_289] : memref<16x50xi32, #tpu.memory_space<vmem>> -> memref<1x50xi32, #tpu.memory_space<vmem>>
      %dma_wait3A_291 = tpu.memref_squeeze %dma_wait3A_290 : memref<1x50xi32, #tpu.memory_space<vmem>> -> memref<50xi32, #tpu.memory_space<vmem>>
      %dma_wait3A_292 = arith.constant 0 : i32
      %dma_wait3A_293 = arith.constant 0 : i32
      %dma_wait3A_294 = tpu.memref_slice %arg5[%dma_wait3A_292, %dma_wait3A_293] : memref<1000000x64xf32, #tpu.memory_space<hbm>> -> memref<1000000x64xf32, #tpu.memory_space<hbm>>
      tpu.wait_indirect_dma semaphore(%arg13 : memref<!tpu.dma_semaphore, #tpu.memory_space<semaphore_mem>>) src(%dma_wait3A_294 : memref<1000000x64xf32, #tpu.memory_space<hbm>>) dst(%dma_wait3A_288 : memref<50x64xf32, #tpu.memory_space<vmem>>)
      %dma_wait3A_295 = arith.constant 12 : i32
      %dma_wait3A_296 = arith.constant 600 : i32
      %dma_wait3A_297 = arith.constant 0 : i32
      %dma_wait3A_298 = tpu.memref_slice %arg10[%dma_wait3A_296, %dma_wait3A_297] : memref<800x64xf32, #tpu.memory_space<vmem>> -> memref<50x64xf32, #tpu.memory_space<vmem>>
      %dma_wait3A_299 = arith.constant 0 : i32
      %dma_wait3A_300 = tpu.memref_slice %arg8[%dma_wait3A_295, %dma_wait3A_299] : memref<16x50xi32, #tpu.memory_space<vmem>> -> memref<1x50xi32, #tpu.memory_space<vmem>>
      %dma_wait3A_301 = tpu.memref_squeeze %dma_wait3A_300 : memref<1x50xi32, #tpu.memory_space<vmem>> -> memref<50xi32, #tpu.memory_space<vmem>>
      %dma_wait3A_302 = arith.constant 0 : i32
      %dma_wait3A_303 = arith.constant 0 : i32
      %dma_wait3A_304 = tpu.memref_slice %arg5[%dma_wait3A_302, %dma_wait3A_303] : memref<1000000x64xf32, #tpu.memory_space<hbm>> -> memref<1000000x64xf32, #tpu.memory_space<hbm>>
      tpu.wait_indirect_dma semaphore(%arg13 : memref<!tpu.dma_semaphore, #tpu.memory_space<semaphore_mem>>) src(%dma_wait3A_304 : memref<1000000x64xf32, #tpu.memory_space<hbm>>) dst(%dma_wait3A_298 : memref<50x64xf32, #tpu.memory_space<vmem>>)
      %dma_wait3A_305 = arith.constant 13 : i32
      %dma_wait3A_306 = arith.constant 650 : i32
      %dma_wait3A_307 = arith.constant 0 : i32
      %dma_wait3A_308 = tpu.memref_slice %arg10[%dma_wait3A_306, %dma_wait3A_307] : memref<800x64xf32, #tpu.memory_space<vmem>> -> memref<50x64xf32, #tpu.memory_space<vmem>>
      %dma_wait3A_309 = arith.constant 0 : i32
      %dma_wait3A_310 = tpu.memref_slice %arg8[%dma_wait3A_305, %dma_wait3A_309] : memref<16x50xi32, #tpu.memory_space<vmem>> -> memref<1x50xi32, #tpu.memory_space<vmem>>
      %dma_wait3A_311 = tpu.memref_squeeze %dma_wait3A_310 : memref<1x50xi32, #tpu.memory_space<vmem>> -> memref<50xi32, #tpu.memory_space<vmem>>
      %dma_wait3A_312 = arith.constant 0 : i32
      %dma_wait3A_313 = arith.constant 0 : i32
      %dma_wait3A_314 = tpu.memref_slice %arg5[%dma_wait3A_312, %dma_wait3A_313] : memref<1000000x64xf32, #tpu.memory_space<hbm>> -> memref<1000000x64xf32, #tpu.memory_space<hbm>>
      tpu.wait_indirect_dma semaphore(%arg13 : memref<!tpu.dma_semaphore, #tpu.memory_space<semaphore_mem>>) src(%dma_wait3A_314 : memref<1000000x64xf32, #tpu.memory_space<hbm>>) dst(%dma_wait3A_308 : memref<50x64xf32, #tpu.memory_space<vmem>>)
      %dma_wait3A_315 = arith.constant 14 : i32
      %dma_wait3A_316 = arith.constant 700 : i32
      %dma_wait3A_317 = arith.constant 0 : i32
      %dma_wait3A_318 = tpu.memref_slice %arg10[%dma_wait3A_316, %dma_wait3A_317] : memref<800x64xf32, #tpu.memory_space<vmem>> -> memref<50x64xf32, #tpu.memory_space<vmem>>
      %dma_wait3A_319 = arith.constant 0 : i32
      %dma_wait3A_320 = tpu.memref_slice %arg8[%dma_wait3A_315, %dma_wait3A_319] : memref<16x50xi32, #tpu.memory_space<vmem>> -> memref<1x50xi32, #tpu.memory_space<vmem>>
      %dma_wait3A_321 = tpu.memref_squeeze %dma_wait3A_320 : memref<1x50xi32, #tpu.memory_space<vmem>> -> memref<50xi32, #tpu.memory_space<vmem>>
      %dma_wait3A_322 = arith.constant 0 : i32
      %dma_wait3A_323 = arith.constant 0 : i32
      %dma_wait3A_324 = tpu.memref_slice %arg5[%dma_wait3A_322, %dma_wait3A_323] : memref<1000000x64xf32, #tpu.memory_space<hbm>> -> memref<1000000x64xf32, #tpu.memory_space<hbm>>
      tpu.wait_indirect_dma semaphore(%arg13 : memref<!tpu.dma_semaphore, #tpu.memory_space<semaphore_mem>>) src(%dma_wait3A_324 : memref<1000000x64xf32, #tpu.memory_space<hbm>>) dst(%dma_wait3A_318 : memref<50x64xf32, #tpu.memory_space<vmem>>)
      %dma_wait3A_325 = arith.constant 15 : i32
      %dma_wait3A_326 = arith.constant 750 : i32
      %dma_wait3A_327 = arith.constant 0 : i32
      %dma_wait3A_328 = tpu.memref_slice %arg10[%dma_wait3A_326, %dma_wait3A_327] : memref<800x64xf32, #tpu.memory_space<vmem>> -> memref<50x64xf32, #tpu.memory_space<vmem>>
      %dma_wait3A_329 = arith.constant 0 : i32
      %dma_wait3A_330 = tpu.memref_slice %arg8[%dma_wait3A_325, %dma_wait3A_329] : memref<16x50xi32, #tpu.memory_space<vmem>> -> memref<1x50xi32, #tpu.memory_space<vmem>>
      %dma_wait3A_331 = tpu.memref_squeeze %dma_wait3A_330 : memref<1x50xi32, #tpu.memory_space<vmem>> -> memref<50xi32, #tpu.memory_space<vmem>>
      %dma_wait3A_332 = arith.constant 0 : i32
      %dma_wait3A_333 = arith.constant 0 : i32
      %dma_wait3A_334 = tpu.memref_slice %arg5[%dma_wait3A_332, %dma_wait3A_333] : memref<1000000x64xf32, #tpu.memory_space<hbm>> -> memref<1000000x64xf32, #tpu.memory_space<hbm>>
      tpu.wait_indirect_dma semaphore(%arg13 : memref<!tpu.dma_semaphore, #tpu.memory_space<semaphore_mem>>) src(%dma_wait3A_334 : memref<1000000x64xf32, #tpu.memory_space<hbm>>) dst(%dma_wait3A_328 : memref<50x64xf32, #tpu.memory_space<vmem>>)
      %add3A_335 = arith.constant 0 : i32
      %add3A_336 = vector.broadcast %add3A_335 : i32 to vector<16xi32>
      %add3A_337 = arith.addi %add3A_336, %iota3A : vector<16xi32>
      %add3A_338 = arith.constant 0 : i32
      %add3A_339 = vector.broadcast %add3A_338 : i32 to vector<16xi32>
      %add3A_340 = arith.addi %add3A_339, %add3A_337 : vector<16xi32>
      %lt3A = arith.constant 50 : i32
      %lt3A_341 = vector.broadcast %lt3A : i32 to vector<16xi32>
      %lt3A_342 = arith.cmpi slt, %add3A_337, %lt3A_341 : vector<16xi32>
      %add3A_343 = arith.constant 16 : i32
      %add3A_344 = vector.broadcast %add3A_343 : i32 to vector<16xi32>
      %add3A_345 = arith.addi %add3A_344, %iota3A : vector<16xi32>
      %add3A_346 = arith.constant 0 : i32
      %add3A_347 = vector.broadcast %add3A_346 : i32 to vector<16xi32>
      %add3A_348 = arith.addi %add3A_347, %add3A_345 : vector<16xi32>
      %lt3A_349 = arith.constant 50 : i32
      %lt3A_350 = vector.broadcast %lt3A_349 : i32 to vector<16xi32>
      %lt3A_351 = arith.cmpi slt, %add3A_345, %lt3A_350 : vector<16xi32>
      %add3A_352 = arith.constant 32 : i32
      %add3A_353 = vector.broadcast %add3A_352 : i32 to vector<16xi32>
      %add3A_354 = arith.addi %add3A_353, %iota3A : vector<16xi32>
      %add3A_355 = arith.constant 0 : i32
      %add3A_356 = vector.broadcast %add3A_355 : i32 to vector<16xi32>
      %add3A_357 = arith.addi %add3A_356, %add3A_354 : vector<16xi32>
      %lt3A_358 = arith.constant 50 : i32
      %lt3A_359 = vector.broadcast %lt3A_358 : i32 to vector<16xi32>
      %lt3A_360 = arith.cmpi slt, %add3A_354, %lt3A_359 : vector<16xi32>
      %add3A_361 = arith.constant 48 : i32
      %add3A_362 = vector.broadcast %add3A_361 : i32 to vector<16xi32>
      %add3A_363 = arith.addi %add3A_362, %iota3A : vector<16xi32>
      %add3A_364 = arith.constant 0 : i32
      %add3A_365 = vector.broadcast %add3A_364 : i32 to vector<16xi32>
      %add3A_366 = arith.addi %add3A_365, %add3A_363 : vector<16xi32>
      %lt3A_367 = arith.constant 50 : i32
      %lt3A_368 = vector.broadcast %lt3A_367 : i32 to vector<16xi32>
      %lt3A_369 = arith.cmpi slt, %add3A_363, %lt3A_368 : vector<16xi32>
      %broadcast_in_dim3A = arith.constant 0 : i32
      %broadcast_in_dim3A_370 = vector.broadcast %broadcast_in_dim3A : i32 to vector<16xi32>
      %broadcast_in_dim3A_371 = arith.constant 0.000000e+00 : f32
      %broadcast_in_dim3A_372 = vector.broadcast %broadcast_in_dim3A_371 : f32 to vector<16xf32>
      %scan3A_373 = arith.constant 0 : i32
      %scan3A_374 = arith.constant 64 : i32
      %scan3A_375 = arith.addi %scan3A_373, %scan3A_374 : i32
      %scan3A_376 = arith.constant 1 : i32
      %scan3A_377:4 = scf.for %scan3A_1461 = %scan3A_373 to %scan3A_375 step %scan3A_376 iter_args(%scan3A_1462 = %broadcast_in_dim3A_372, %scan3A_1463 = %broadcast_in_dim3A_372, %scan3A_1464 = %broadcast_in_dim3A_372, %scan3A_1465 = %broadcast_in_dim3A_372) -> (vector<16xf32>, vector<16xf32>, vector<16xf32>, vector<16xf32>)  : i32 {
        %broadcast_in_dim3A_1466 = vector.broadcast %scan3A_1461 : i32 to vector<16xi32>
        %gather3A = tpu.vector_load_idx %arg9[%broadcast_in_dim3A_370, %broadcast_in_dim3A_1466] : memref<16x64xf32, #tpu.memory_space<vmem>>[vector<16xi32>, vector<16xi32>], vector<16xf32>,
        %gather3A_1467 = tpu.vector_load_idx %arg10[%add3A_340, %broadcast_in_dim3A_1466] masked %lt3A_342 : memref<800x64xf32, #tpu.memory_space<vmem>>[vector<16xi32>, vector<16xi32>], vector<16xf32>, vector<16xi1>
        %mul3A_1468 = arith.mulf %gather3A, %gather3A_1467 : vector<16xf32>
        %add3A_1469 = arith.addf %scan3A_1462, %mul3A_1468 : vector<16xf32>
        %gather3A_1470 = tpu.vector_load_idx %arg10[%add3A_348, %broadcast_in_dim3A_1466] masked %lt3A_351 : memref<800x64xf32, #tpu.memory_space<vmem>>[vector<16xi32>, vector<16xi32>], vector<16xf32>, vector<16xi1>
        %mul3A_1471 = arith.mulf %gather3A, %gather3A_1470 : vector<16xf32>
        %add3A_1472 = arith.addf %scan3A_1463, %mul3A_1471 : vector<16xf32>
        %gather3A_1473 = tpu.vector_load_idx %arg10[%add3A_357, %broadcast_in_dim3A_1466] masked %lt3A_360 : memref<800x64xf32, #tpu.memory_space<vmem>>[vector<16xi32>, vector<16xi32>], vector<16xf32>, vector<16xi1>
        %mul3A_1474 = arith.mulf %gather3A, %gather3A_1473 : vector<16xf32>
        %add3A_1475 = arith.addf %scan3A_1464, %mul3A_1474 : vector<16xf32>
        %gather3A_1476 = tpu.vector_load_idx %arg10[%add3A_366, %broadcast_in_dim3A_1466] masked %lt3A_369 : memref<800x64xf32, #tpu.memory_space<vmem>>[vector<16xi32>, vector<16xi32>], vector<16xf32>, vector<16xi1>
        %mul3A_1477 = arith.mulf %gather3A, %gather3A_1476 : vector<16xf32>
        %add3A_1478 = arith.addf %scan3A_1465, %mul3A_1477 : vector<16xf32>
        scf.yield %add3A_1469, %add3A_1472, %add3A_1475, %add3A_1478 : vector<16xf32>, vector<16xf32>, vector<16xf32>, vector<16xf32>
      }
      %scan3A_378 = arith.constant 64 : i32
      %add3A_379 = arith.constant 0 : i32
      %add3A_380 = vector.broadcast %add3A_379 : i32 to vector<16xi32>
      %add3A_381 = arith.addi %add3A_380, %iota3A : vector<16xi32>
      %add3A_382 = arith.constant 0 : i32
      %add3A_383 = vector.broadcast %add3A_382 : i32 to vector<16xi32>
      %add3A_384 = arith.addi %add3A_383, %add3A_381 : vector<16xi32>
      tpu.vector_store_idx %arg11[%add3A_384], %scan3A_377#0 masked %lt3A_342 : memref<800xf32, #tpu.memory_space<vmem>>[vector<16xi32>], vector<16xf32>, vector<16xi1>
      %add3A_385 = arith.constant 16 : i32
      %add3A_386 = vector.broadcast %add3A_385 : i32 to vector<16xi32>
      %add3A_387 = arith.addi %add3A_386, %iota3A : vector<16xi32>
      %add3A_388 = arith.constant 0 : i32
      %add3A_389 = vector.broadcast %add3A_388 : i32 to vector<16xi32>
      %add3A_390 = arith.addi %add3A_389, %add3A_387 : vector<16xi32>
      tpu.vector_store_idx %arg11[%add3A_390], %scan3A_377#1 masked %lt3A_351 : memref<800xf32, #tpu.memory_space<vmem>>[vector<16xi32>], vector<16xf32>, vector<16xi1>
      %add3A_391 = arith.constant 32 : i32
      %add3A_392 = vector.broadcast %add3A_391 : i32 to vector<16xi32>
      %add3A_393 = arith.addi %add3A_392, %iota3A : vector<16xi32>
      %add3A_394 = arith.constant 0 : i32
      %add3A_395 = vector.broadcast %add3A_394 : i32 to vector<16xi32>
      %add3A_396 = arith.addi %add3A_395, %add3A_393 : vector<16xi32>
      tpu.vector_store_idx %arg11[%add3A_396], %scan3A_377#2 masked %lt3A_360 : memref<800xf32, #tpu.memory_space<vmem>>[vector<16xi32>], vector<16xf32>, vector<16xi1>
      %add3A_397 = arith.constant 48 : i32
      %add3A_398 = vector.broadcast %add3A_397 : i32 to vector<16xi32>
      %add3A_399 = arith.addi %add3A_398, %iota3A : vector<16xi32>
      %add3A_400 = arith.constant 0 : i32
      %add3A_401 = vector.broadcast %add3A_400 : i32 to vector<16xi32>
      %add3A_402 = arith.addi %add3A_401, %add3A_399 : vector<16xi32>
      tpu.vector_store_idx %arg11[%add3A_402], %scan3A_377#3 masked %lt3A_369 : memref<800xf32, #tpu.memory_space<vmem>>[vector<16xi32>], vector<16xf32>, vector<16xi1>
      %add3A_403 = arith.constant 0 : i32
      %add3A_404 = vector.broadcast %add3A_403 : i32 to vector<16xi32>
      %add3A_405 = arith.addi %add3A_404, %iota3A : vector<16xi32>
      %add3A_406 = arith.constant 50 : i32
      %add3A_407 = vector.broadcast %add3A_406 : i32 to vector<16xi32>
      %add3A_408 = arith.addi %add3A_407, %add3A_405 : vector<16xi32>
      %lt3A_409 = arith.constant 50 : i32
      %lt3A_410 = vector.broadcast %lt3A_409 : i32 to vector<16xi32>
      %lt3A_411 = arith.cmpi slt, %add3A_405, %lt3A_410 : vector<16xi32>
      %add3A_412 = arith.constant 16 : i32
      %add3A_413 = vector.broadcast %add3A_412 : i32 to vector<16xi32>
      %add3A_414 = arith.addi %add3A_413, %iota3A : vector<16xi32>
      %add3A_415 = arith.constant 50 : i32
      %add3A_416 = vector.broadcast %add3A_415 : i32 to vector<16xi32>
      %add3A_417 = arith.addi %add3A_416, %add3A_414 : vector<16xi32>
      %lt3A_418 = arith.constant 50 : i32
      %lt3A_419 = vector.broadcast %lt3A_418 : i32 to vector<16xi32>
      %lt3A_420 = arith.cmpi slt, %add3A_414, %lt3A_419 : vector<16xi32>
      %add3A_421 = arith.constant 32 : i32
      %add3A_422 = vector.broadcast %add3A_421 : i32 to vector<16xi32>
      %add3A_423 = arith.addi %add3A_422, %iota3A : vector<16xi32>
      %add3A_424 = arith.constant 50 : i32
      %add3A_425 = vector.broadcast %add3A_424 : i32 to vector<16xi32>
      %add3A_426 = arith.addi %add3A_425, %add3A_423 : vector<16xi32>
      %lt3A_427 = arith.constant 50 : i32
      %lt3A_428 = vector.broadcast %lt3A_427 : i32 to vector<16xi32>
      %lt3A_429 = arith.cmpi slt, %add3A_423, %lt3A_428 : vector<16xi32>
      %add3A_430 = arith.constant 48 : i32
      %add3A_431 = vector.broadcast %add3A_430 : i32 to vector<16xi32>
      %add3A_432 = arith.addi %add3A_431, %iota3A : vector<16xi32>
      %add3A_433 = arith.constant 50 : i32
      %add3A_434 = vector.broadcast %add3A_433 : i32 to vector<16xi32>
      %add3A_435 = arith.addi %add3A_434, %add3A_432 : vector<16xi32>
      %lt3A_436 = arith.constant 50 : i32
      %lt3A_437 = vector.broadcast %lt3A_436 : i32 to vector<16xi32>
      %lt3A_438 = arith.cmpi slt, %add3A_432, %lt3A_437 : vector<16xi32>
      %broadcast_in_dim3A_439 = arith.constant 1 : i32
      %broadcast_in_dim3A_440 = vector.broadcast %broadcast_in_dim3A_439 : i32 to vector<16xi32>
      %broadcast_in_dim3A_441 = arith.constant 0.000000e+00 : f32
      %broadcast_in_dim3A_442 = vector.broadcast %broadcast_in_dim3A_441 : f32 to vector<16xf32>
      %scan3A_443 = arith.constant 0 : i32
      %scan3A_444 = arith.constant 64 : i32
      %scan3A_445 = arith.addi %scan3A_443, %scan3A_444 : i32
      %scan3A_446 = arith.constant 1 : i32
      %scan3A_447:4 = scf.for %scan3A_1461 = %scan3A_443 to %scan3A_445 step %scan3A_446 iter_args(%scan3A_1462 = %broadcast_in_dim3A_442, %scan3A_1463 = %broadcast_in_dim3A_442, %scan3A_1464 = %broadcast_in_dim3A_442, %scan3A_1465 = %broadcast_in_dim3A_442) -> (vector<16xf32>, vector<16xf32>, vector<16xf32>, vector<16xf32>)  : i32 {
        %broadcast_in_dim3A_1466 = vector.broadcast %scan3A_1461 : i32 to vector<16xi32>
        %gather3A = tpu.vector_load_idx %arg9[%broadcast_in_dim3A_440, %broadcast_in_dim3A_1466] : memref<16x64xf32, #tpu.memory_space<vmem>>[vector<16xi32>, vector<16xi32>], vector<16xf32>,
        %gather3A_1467 = tpu.vector_load_idx %arg10[%add3A_408, %broadcast_in_dim3A_1466] masked %lt3A_411 : memref<800x64xf32, #tpu.memory_space<vmem>>[vector<16xi32>, vector<16xi32>], vector<16xf32>, vector<16xi1>
        %mul3A_1468 = arith.mulf %gather3A, %gather3A_1467 : vector<16xf32>
        %add3A_1469 = arith.addf %scan3A_1462, %mul3A_1468 : vector<16xf32>
        %gather3A_1470 = tpu.vector_load_idx %arg10[%add3A_417, %broadcast_in_dim3A_1466] masked %lt3A_420 : memref<800x64xf32, #tpu.memory_space<vmem>>[vector<16xi32>, vector<16xi32>], vector<16xf32>, vector<16xi1>
        %mul3A_1471 = arith.mulf %gather3A, %gather3A_1470 : vector<16xf32>
        %add3A_1472 = arith.addf %scan3A_1463, %mul3A_1471 : vector<16xf32>
        %gather3A_1473 = tpu.vector_load_idx %arg10[%add3A_426, %broadcast_in_dim3A_1466] masked %lt3A_429 : memref<800x64xf32, #tpu.memory_space<vmem>>[vector<16xi32>, vector<16xi32>], vector<16xf32>, vector<16xi1>
        %mul3A_1474 = arith.mulf %gather3A, %gather3A_1473 : vector<16xf32>
        %add3A_1475 = arith.addf %scan3A_1464, %mul3A_1474 : vector<16xf32>
        %gather3A_1476 = tpu.vector_load_idx %arg10[%add3A_435, %broadcast_in_dim3A_1466] masked %lt3A_438 : memref<800x64xf32, #tpu.memory_space<vmem>>[vector<16xi32>, vector<16xi32>], vector<16xf32>, vector<16xi1>
        %mul3A_1477 = arith.mulf %gather3A, %gather3A_1476 : vector<16xf32>
        %add3A_1478 = arith.addf %scan3A_1465, %mul3A_1477 : vector<16xf32>
        scf.yield %add3A_1469, %add3A_1472, %add3A_1475, %add3A_1478 : vector<16xf32>, vector<16xf32>, vector<16xf32>, vector<16xf32>
      }
      %scan3A_448 = arith.constant 64 : i32
      %add3A_449 = arith.constant 0 : i32
      %add3A_450 = vector.broadcast %add3A_449 : i32 to vector<16xi32>
      %add3A_451 = arith.addi %add3A_450, %iota3A : vector<16xi32>
      %add3A_452 = arith.constant 50 : i32
      %add3A_453 = vector.broadcast %add3A_452 : i32 to vector<16xi32>
      %add3A_454 = arith.addi %add3A_453, %add3A_451 : vector<16xi32>
      tpu.vector_store_idx %arg11[%add3A_454], %scan3A_447#0 masked %lt3A_411 : memref<800xf32, #tpu.memory_space<vmem>>[vector<16xi32>], vector<16xf32>, vector<16xi1>
      %add3A_455 = arith.constant 16 : i32
      %add3A_456 = vector.broadcast %add3A_455 : i32 to vector<16xi32>
      %add3A_457 = arith.addi %add3A_456, %iota3A : vector<16xi32>
      %add3A_458 = arith.constant 50 : i32
      %add3A_459 = vector.broadcast %add3A_458 : i32 to vector<16xi32>
      %add3A_460 = arith.addi %add3A_459, %add3A_457 : vector<16xi32>
      tpu.vector_store_idx %arg11[%add3A_460], %scan3A_447#1 masked %lt3A_420 : memref<800xf32, #tpu.memory_space<vmem>>[vector<16xi32>], vector<16xf32>, vector<16xi1>
      %add3A_461 = arith.constant 32 : i32
      %add3A_462 = vector.broadcast %add3A_461 : i32 to vector<16xi32>
      %add3A_463 = arith.addi %add3A_462, %iota3A : vector<16xi32>
      %add3A_464 = arith.constant 50 : i32
      %add3A_465 = vector.broadcast %add3A_464 : i32 to vector<16xi32>
      %add3A_466 = arith.addi %add3A_465, %add3A_463 : vector<16xi32>
      tpu.vector_store_idx %arg11[%add3A_466], %scan3A_447#2 masked %lt3A_429 : memref<800xf32, #tpu.memory_space<vmem>>[vector<16xi32>], vector<16xf32>, vector<16xi1>
      %add3A_467 = arith.constant 48 : i32
      %add3A_468 = vector.broadcast %add3A_467 : i32 to vector<16xi32>
      %add3A_469 = arith.addi %add3A_468, %iota3A : vector<16xi32>
      %add3A_470 = arith.constant 50 : i32
      %add3A_471 = vector.broadcast %add3A_470 : i32 to vector<16xi32>
      %add3A_472 = arith.addi %add3A_471, %add3A_469 : vector<16xi32>
      tpu.vector_store_idx %arg11[%add3A_472], %scan3A_447#3 masked %lt3A_438 : memref<800xf32, #tpu.memory_space<vmem>>[vector<16xi32>], vector<16xf32>, vector<16xi1>
      %add3A_473 = arith.constant 0 : i32
      %add3A_474 = vector.broadcast %add3A_473 : i32 to vector<16xi32>
      %add3A_475 = arith.addi %add3A_474, %iota3A : vector<16xi32>
      %add3A_476 = arith.constant 100 : i32
      %add3A_477 = vector.broadcast %add3A_476 : i32 to vector<16xi32>
      %add3A_478 = arith.addi %add3A_477, %add3A_475 : vector<16xi32>
      %lt3A_479 = arith.constant 50 : i32
      %lt3A_480 = vector.broadcast %lt3A_479 : i32 to vector<16xi32>
      %lt3A_481 = arith.cmpi slt, %add3A_475, %lt3A_480 : vector<16xi32>
      %add3A_482 = arith.constant 16 : i32
      %add3A_483 = vector.broadcast %add3A_482 : i32 to vector<16xi32>
      %add3A_484 = arith.addi %add3A_483, %iota3A : vector<16xi32>
      %add3A_485 = arith.constant 100 : i32
      %add3A_486 = vector.broadcast %add3A_485 : i32 to vector<16xi32>
      %add3A_487 = arith.addi %add3A_486, %add3A_484 : vector<16xi32>
      %lt3A_488 = arith.constant 50 : i32
      %lt3A_489 = vector.broadcast %lt3A_488 : i32 to vector<16xi32>
      %lt3A_490 = arith.cmpi slt, %add3A_484, %lt3A_489 : vector<16xi32>
      %add3A_491 = arith.constant 32 : i32
      %add3A_492 = vector.broadcast %add3A_491 : i32 to vector<16xi32>
      %add3A_493 = arith.addi %add3A_492, %iota3A : vector<16xi32>
      %add3A_494 = arith.constant 100 : i32
      %add3A_495 = vector.broadcast %add3A_494 : i32 to vector<16xi32>
      %add3A_496 = arith.addi %add3A_495, %add3A_493 : vector<16xi32>
      %lt3A_497 = arith.constant 50 : i32
      %lt3A_498 = vector.broadcast %lt3A_497 : i32 to vector<16xi32>
      %lt3A_499 = arith.cmpi slt, %add3A_493, %lt3A_498 : vector<16xi32>
      %add3A_500 = arith.constant 48 : i32
      %add3A_501 = vector.broadcast %add3A_500 : i32 to vector<16xi32>
      %add3A_502 = arith.addi %add3A_501, %iota3A : vector<16xi32>
      %add3A_503 = arith.constant 100 : i32
      %add3A_504 = vector.broadcast %add3A_503 : i32 to vector<16xi32>
      %add3A_505 = arith.addi %add3A_504, %add3A_502 : vector<16xi32>
      %lt3A_506 = arith.constant 50 : i32
      %lt3A_507 = vector.broadcast %lt3A_506 : i32 to vector<16xi32>
      %lt3A_508 = arith.cmpi slt, %add3A_502, %lt3A_507 : vector<16xi32>
      %broadcast_in_dim3A_509 = arith.constant 2 : i32
      %broadcast_in_dim3A_510 = vector.broadcast %broadcast_in_dim3A_509 : i32 to vector<16xi32>
      %broadcast_in_dim3A_511 = arith.constant 0.000000e+00 : f32
      %broadcast_in_dim3A_512 = vector.broadcast %broadcast_in_dim3A_511 : f32 to vector<16xf32>
      %scan3A_513 = arith.constant 0 : i32
      %scan3A_514 = arith.constant 64 : i32
      %scan3A_515 = arith.addi %scan3A_513, %scan3A_514 : i32
      %scan3A_516 = arith.constant 1 : i32
      %scan3A_517:4 = scf.for %scan3A_1461 = %scan3A_513 to %scan3A_515 step %scan3A_516 iter_args(%scan3A_1462 = %broadcast_in_dim3A_512, %scan3A_1463 = %broadcast_in_dim3A_512, %scan3A_1464 = %broadcast_in_dim3A_512, %scan3A_1465 = %broadcast_in_dim3A_512) -> (vector<16xf32>, vector<16xf32>, vector<16xf32>, vector<16xf32>)  : i32 {
        %broadcast_in_dim3A_1466 = vector.broadcast %scan3A_1461 : i32 to vector<16xi32>
        %gather3A = tpu.vector_load_idx %arg9[%broadcast_in_dim3A_510, %broadcast_in_dim3A_1466] : memref<16x64xf32, #tpu.memory_space<vmem>>[vector<16xi32>, vector<16xi32>], vector<16xf32>,
        %gather3A_1467 = tpu.vector_load_idx %arg10[%add3A_478, %broadcast_in_dim3A_1466] masked %lt3A_481 : memref<800x64xf32, #tpu.memory_space<vmem>>[vector<16xi32>, vector<16xi32>], vector<16xf32>, vector<16xi1>
        %mul3A_1468 = arith.mulf %gather3A, %gather3A_1467 : vector<16xf32>
        %add3A_1469 = arith.addf %scan3A_1462, %mul3A_1468 : vector<16xf32>
        %gather3A_1470 = tpu.vector_load_idx %arg10[%add3A_487, %broadcast_in_dim3A_1466] masked %lt3A_490 : memref<800x64xf32, #tpu.memory_space<vmem>>[vector<16xi32>, vector<16xi32>], vector<16xf32>, vector<16xi1>
        %mul3A_1471 = arith.mulf %gather3A, %gather3A_1470 : vector<16xf32>
        %add3A_1472 = arith.addf %scan3A_1463, %mul3A_1471 : vector<16xf32>
        %gather3A_1473 = tpu.vector_load_idx %arg10[%add3A_496, %broadcast_in_dim3A_1466] masked %lt3A_499 : memref<800x64xf32, #tpu.memory_space<vmem>>[vector<16xi32>, vector<16xi32>], vector<16xf32>, vector<16xi1>
        %mul3A_1474 = arith.mulf %gather3A, %gather3A_1473 : vector<16xf32>
        %add3A_1475 = arith.addf %scan3A_1464, %mul3A_1474 : vector<16xf32>
        %gather3A_1476 = tpu.vector_load_idx %arg10[%add3A_505, %broadcast_in_dim3A_1466] masked %lt3A_508 : memref<800x64xf32, #tpu.memory_space<vmem>>[vector<16xi32>, vector<16xi32>], vector<16xf32>, vector<16xi1>
        %mul3A_1477 = arith.mulf %gather3A, %gather3A_1476 : vector<16xf32>
        %add3A_1478 = arith.addf %scan3A_1465, %mul3A_1477 : vector<16xf32>
        scf.yield %add3A_1469, %add3A_1472, %add3A_1475, %add3A_1478 : vector<16xf32>, vector<16xf32>, vector<16xf32>, vector<16xf32>
      }
      %scan3A_518 = arith.constant 64 : i32
      %add3A_519 = arith.constant 0 : i32
      %add3A_520 = vector.broadcast %add3A_519 : i32 to vector<16xi32>
      %add3A_521 = arith.addi %add3A_520, %iota3A : vector<16xi32>
      %add3A_522 = arith.constant 100 : i32
      %add3A_523 = vector.broadcast %add3A_522 : i32 to vector<16xi32>
      %add3A_524 = arith.addi %add3A_523, %add3A_521 : vector<16xi32>
      tpu.vector_store_idx %arg11[%add3A_524], %scan3A_517#0 masked %lt3A_481 : memref<800xf32, #tpu.memory_space<vmem>>[vector<16xi32>], vector<16xf32>, vector<16xi1>
      %add3A_525 = arith.constant 16 : i32
      %add3A_526 = vector.broadcast %add3A_525 : i32 to vector<16xi32>
      %add3A_527 = arith.addi %add3A_526, %iota3A : vector<16xi32>
      %add3A_528 = arith.constant 100 : i32
      %add3A_529 = vector.broadcast %add3A_528 : i32 to vector<16xi32>
      %add3A_530 = arith.addi %add3A_529, %add3A_527 : vector<16xi32>
      tpu.vector_store_idx %arg11[%add3A_530], %scan3A_517#1 masked %lt3A_490 : memref<800xf32, #tpu.memory_space<vmem>>[vector<16xi32>], vector<16xf32>, vector<16xi1>
      %add3A_531 = arith.constant 32 : i32
      %add3A_532 = vector.broadcast %add3A_531 : i32 to vector<16xi32>
      %add3A_533 = arith.addi %add3A_532, %iota3A : vector<16xi32>
      %add3A_534 = arith.constant 100 : i32
      %add3A_535 = vector.broadcast %add3A_534 : i32 to vector<16xi32>
      %add3A_536 = arith.addi %add3A_535, %add3A_533 : vector<16xi32>
      tpu.vector_store_idx %arg11[%add3A_536], %scan3A_517#2 masked %lt3A_499 : memref<800xf32, #tpu.memory_space<vmem>>[vector<16xi32>], vector<16xf32>, vector<16xi1>
      %add3A_537 = arith.constant 48 : i32
      %add3A_538 = vector.broadcast %add3A_537 : i32 to vector<16xi32>
      %add3A_539 = arith.addi %add3A_538, %iota3A : vector<16xi32>
      %add3A_540 = arith.constant 100 : i32
      %add3A_541 = vector.broadcast %add3A_540 : i32 to vector<16xi32>
      %add3A_542 = arith.addi %add3A_541, %add3A_539 : vector<16xi32>
      tpu.vector_store_idx %arg11[%add3A_542], %scan3A_517#3 masked %lt3A_508 : memref<800xf32, #tpu.memory_space<vmem>>[vector<16xi32>], vector<16xf32>, vector<16xi1>
      %add3A_543 = arith.constant 0 : i32
      %add3A_544 = vector.broadcast %add3A_543 : i32 to vector<16xi32>
      %add3A_545 = arith.addi %add3A_544, %iota3A : vector<16xi32>
      %add3A_546 = arith.constant 150 : i32
      %add3A_547 = vector.broadcast %add3A_546 : i32 to vector<16xi32>
      %add3A_548 = arith.addi %add3A_547, %add3A_545 : vector<16xi32>
      %lt3A_549 = arith.constant 50 : i32
      %lt3A_550 = vector.broadcast %lt3A_549 : i32 to vector<16xi32>
      %lt3A_551 = arith.cmpi slt, %add3A_545, %lt3A_550 : vector<16xi32>
      %add3A_552 = arith.constant 16 : i32
      %add3A_553 = vector.broadcast %add3A_552 : i32 to vector<16xi32>
      %add3A_554 = arith.addi %add3A_553, %iota3A : vector<16xi32>
      %add3A_555 = arith.constant 150 : i32
      %add3A_556 = vector.broadcast %add3A_555 : i32 to vector<16xi32>
      %add3A_557 = arith.addi %add3A_556, %add3A_554 : vector<16xi32>
      %lt3A_558 = arith.constant 50 : i32
      %lt3A_559 = vector.broadcast %lt3A_558 : i32 to vector<16xi32>
      %lt3A_560 = arith.cmpi slt, %add3A_554, %lt3A_559 : vector<16xi32>
      %add3A_561 = arith.constant 32 : i32
      %add3A_562 = vector.broadcast %add3A_561 : i32 to vector<16xi32>
      %add3A_563 = arith.addi %add3A_562, %iota3A : vector<16xi32>
      %add3A_564 = arith.constant 150 : i32
      %add3A_565 = vector.broadcast %add3A_564 : i32 to vector<16xi32>
      %add3A_566 = arith.addi %add3A_565, %add3A_563 : vector<16xi32>
      %lt3A_567 = arith.constant 50 : i32
      %lt3A_568 = vector.broadcast %lt3A_567 : i32 to vector<16xi32>
      %lt3A_569 = arith.cmpi slt, %add3A_563, %lt3A_568 : vector<16xi32>
      %add3A_570 = arith.constant 48 : i32
      %add3A_571 = vector.broadcast %add3A_570 : i32 to vector<16xi32>
      %add3A_572 = arith.addi %add3A_571, %iota3A : vector<16xi32>
      %add3A_573 = arith.constant 150 : i32
      %add3A_574 = vector.broadcast %add3A_573 : i32 to vector<16xi32>
      %add3A_575 = arith.addi %add3A_574, %add3A_572 : vector<16xi32>
      %lt3A_576 = arith.constant 50 : i32
      %lt3A_577 = vector.broadcast %lt3A_576 : i32 to vector<16xi32>
      %lt3A_578 = arith.cmpi slt, %add3A_572, %lt3A_577 : vector<16xi32>
      %broadcast_in_dim3A_579 = arith.constant 3 : i32
      %broadcast_in_dim3A_580 = vector.broadcast %broadcast_in_dim3A_579 : i32 to vector<16xi32>
      %broadcast_in_dim3A_581 = arith.constant 0.000000e+00 : f32
      %broadcast_in_dim3A_582 = vector.broadcast %broadcast_in_dim3A_581 : f32 to vector<16xf32>
      %scan3A_583 = arith.constant 0 : i32
      %scan3A_584 = arith.constant 64 : i32
      %scan3A_585 = arith.addi %scan3A_583, %scan3A_584 : i32
      %scan3A_586 = arith.constant 1 : i32
      %scan3A_587:4 = scf.for %scan3A_1461 = %scan3A_583 to %scan3A_585 step %scan3A_586 iter_args(%scan3A_1462 = %broadcast_in_dim3A_582, %scan3A_1463 = %broadcast_in_dim3A_582, %scan3A_1464 = %broadcast_in_dim3A_582, %scan3A_1465 = %broadcast_in_dim3A_582) -> (vector<16xf32>, vector<16xf32>, vector<16xf32>, vector<16xf32>)  : i32 {
        %broadcast_in_dim3A_1466 = vector.broadcast %scan3A_1461 : i32 to vector<16xi32>
        %gather3A = tpu.vector_load_idx %arg9[%broadcast_in_dim3A_580, %broadcast_in_dim3A_1466] : memref<16x64xf32, #tpu.memory_space<vmem>>[vector<16xi32>, vector<16xi32>], vector<16xf32>,
        %gather3A_1467 = tpu.vector_load_idx %arg10[%add3A_548, %broadcast_in_dim3A_1466] masked %lt3A_551 : memref<800x64xf32, #tpu.memory_space<vmem>>[vector<16xi32>, vector<16xi32>], vector<16xf32>, vector<16xi1>
        %mul3A_1468 = arith.mulf %gather3A, %gather3A_1467 : vector<16xf32>
        %add3A_1469 = arith.addf %scan3A_1462, %mul3A_1468 : vector<16xf32>
        %gather3A_1470 = tpu.vector_load_idx %arg10[%add3A_557, %broadcast_in_dim3A_1466] masked %lt3A_560 : memref<800x64xf32, #tpu.memory_space<vmem>>[vector<16xi32>, vector<16xi32>], vector<16xf32>, vector<16xi1>
        %mul3A_1471 = arith.mulf %gather3A, %gather3A_1470 : vector<16xf32>
        %add3A_1472 = arith.addf %scan3A_1463, %mul3A_1471 : vector<16xf32>
        %gather3A_1473 = tpu.vector_load_idx %arg10[%add3A_566, %broadcast_in_dim3A_1466] masked %lt3A_569 : memref<800x64xf32, #tpu.memory_space<vmem>>[vector<16xi32>, vector<16xi32>], vector<16xf32>, vector<16xi1>
        %mul3A_1474 = arith.mulf %gather3A, %gather3A_1473 : vector<16xf32>
        %add3A_1475 = arith.addf %scan3A_1464, %mul3A_1474 : vector<16xf32>
        %gather3A_1476 = tpu.vector_load_idx %arg10[%add3A_575, %broadcast_in_dim3A_1466] masked %lt3A_578 : memref<800x64xf32, #tpu.memory_space<vmem>>[vector<16xi32>, vector<16xi32>], vector<16xf32>, vector<16xi1>
        %mul3A_1477 = arith.mulf %gather3A, %gather3A_1476 : vector<16xf32>
        %add3A_1478 = arith.addf %scan3A_1465, %mul3A_1477 : vector<16xf32>
        scf.yield %add3A_1469, %add3A_1472, %add3A_1475, %add3A_1478 : vector<16xf32>, vector<16xf32>, vector<16xf32>, vector<16xf32>
      }
      %scan3A_588 = arith.constant 64 : i32
      %add3A_589 = arith.constant 0 : i32
      %add3A_590 = vector.broadcast %add3A_589 : i32 to vector<16xi32>
      %add3A_591 = arith.addi %add3A_590, %iota3A : vector<16xi32>
      %add3A_592 = arith.constant 150 : i32
      %add3A_593 = vector.broadcast %add3A_592 : i32 to vector<16xi32>
      %add3A_594 = arith.addi %add3A_593, %add3A_591 : vector<16xi32>
      tpu.vector_store_idx %arg11[%add3A_594], %scan3A_587#0 masked %lt3A_551 : memref<800xf32, #tpu.memory_space<vmem>>[vector<16xi32>], vector<16xf32>, vector<16xi1>
      %add3A_595 = arith.constant 16 : i32
      %add3A_596 = vector.broadcast %add3A_595 : i32 to vector<16xi32>
      %add3A_597 = arith.addi %add3A_596, %iota3A : vector<16xi32>
      %add3A_598 = arith.constant 150 : i32
      %add3A_599 = vector.broadcast %add3A_598 : i32 to vector<16xi32>
      %add3A_600 = arith.addi %add3A_599, %add3A_597 : vector<16xi32>
      tpu.vector_store_idx %arg11[%add3A_600], %scan3A_587#1 masked %lt3A_560 : memref<800xf32, #tpu.memory_space<vmem>>[vector<16xi32>], vector<16xf32>, vector<16xi1>
      %add3A_601 = arith.constant 32 : i32
      %add3A_602 = vector.broadcast %add3A_601 : i32 to vector<16xi32>
      %add3A_603 = arith.addi %add3A_602, %iota3A : vector<16xi32>
      %add3A_604 = arith.constant 150 : i32
      %add3A_605 = vector.broadcast %add3A_604 : i32 to vector<16xi32>
      %add3A_606 = arith.addi %add3A_605, %add3A_603 : vector<16xi32>
      tpu.vector_store_idx %arg11[%add3A_606], %scan3A_587#2 masked %lt3A_569 : memref<800xf32, #tpu.memory_space<vmem>>[vector<16xi32>], vector<16xf32>, vector<16xi1>
      %add3A_607 = arith.constant 48 : i32
      %add3A_608 = vector.broadcast %add3A_607 : i32 to vector<16xi32>
      %add3A_609 = arith.addi %add3A_608, %iota3A : vector<16xi32>
      %add3A_610 = arith.constant 150 : i32
      %add3A_611 = vector.broadcast %add3A_610 : i32 to vector<16xi32>
      %add3A_612 = arith.addi %add3A_611, %add3A_609 : vector<16xi32>
      tpu.vector_store_idx %arg11[%add3A_612], %scan3A_587#3 masked %lt3A_578 : memref<800xf32, #tpu.memory_space<vmem>>[vector<16xi32>], vector<16xf32>, vector<16xi1>
      %add3A_613 = arith.constant 0 : i32
      %add3A_614 = vector.broadcast %add3A_613 : i32 to vector<16xi32>
      %add3A_615 = arith.addi %add3A_614, %iota3A : vector<16xi32>
      %add3A_616 = arith.constant 200 : i32
      %add3A_617 = vector.broadcast %add3A_616 : i32 to vector<16xi32>
      %add3A_618 = arith.addi %add3A_617, %add3A_615 : vector<16xi32>
      %lt3A_619 = arith.constant 50 : i32
      %lt3A_620 = vector.broadcast %lt3A_619 : i32 to vector<16xi32>
      %lt3A_621 = arith.cmpi slt, %add3A_615, %lt3A_620 : vector<16xi32>
      %add3A_622 = arith.constant 16 : i32
      %add3A_623 = vector.broadcast %add3A_622 : i32 to vector<16xi32>
      %add3A_624 = arith.addi %add3A_623, %iota3A : vector<16xi32>
      %add3A_625 = arith.constant 200 : i32
      %add3A_626 = vector.broadcast %add3A_625 : i32 to vector<16xi32>
      %add3A_627 = arith.addi %add3A_626, %add3A_624 : vector<16xi32>
      %lt3A_628 = arith.constant 50 : i32
      %lt3A_629 = vector.broadcast %lt3A_628 : i32 to vector<16xi32>
      %lt3A_630 = arith.cmpi slt, %add3A_624, %lt3A_629 : vector<16xi32>
      %add3A_631 = arith.constant 32 : i32
      %add3A_632 = vector.broadcast %add3A_631 : i32 to vector<16xi32>
      %add3A_633 = arith.addi %add3A_632, %iota3A : vector<16xi32>
      %add3A_634 = arith.constant 200 : i32
      %add3A_635 = vector.broadcast %add3A_634 : i32 to vector<16xi32>
      %add3A_636 = arith.addi %add3A_635, %add3A_633 : vector<16xi32>
      %lt3A_637 = arith.constant 50 : i32
      %lt3A_638 = vector.broadcast %lt3A_637 : i32 to vector<16xi32>
      %lt3A_639 = arith.cmpi slt, %add3A_633, %lt3A_638 : vector<16xi32>
      %add3A_640 = arith.constant 48 : i32
      %add3A_641 = vector.broadcast %add3A_640 : i32 to vector<16xi32>
      %add3A_642 = arith.addi %add3A_641, %iota3A : vector<16xi32>
      %add3A_643 = arith.constant 200 : i32
      %add3A_644 = vector.broadcast %add3A_643 : i32 to vector<16xi32>
      %add3A_645 = arith.addi %add3A_644, %add3A_642 : vector<16xi32>
      %lt3A_646 = arith.constant 50 : i32
      %lt3A_647 = vector.broadcast %lt3A_646 : i32 to vector<16xi32>
      %lt3A_648 = arith.cmpi slt, %add3A_642, %lt3A_647 : vector<16xi32>
      %broadcast_in_dim3A_649 = arith.constant 4 : i32
      %broadcast_in_dim3A_650 = vector.broadcast %broadcast_in_dim3A_649 : i32 to vector<16xi32>
      %broadcast_in_dim3A_651 = arith.constant 0.000000e+00 : f32
      %broadcast_in_dim3A_652 = vector.broadcast %broadcast_in_dim3A_651 : f32 to vector<16xf32>
      %scan3A_653 = arith.constant 0 : i32
      %scan3A_654 = arith.constant 64 : i32
      %scan3A_655 = arith.addi %scan3A_653, %scan3A_654 : i32
      %scan3A_656 = arith.constant 1 : i32
      %scan3A_657:4 = scf.for %scan3A_1461 = %scan3A_653 to %scan3A_655 step %scan3A_656 iter_args(%scan3A_1462 = %broadcast_in_dim3A_652, %scan3A_1463 = %broadcast_in_dim3A_652, %scan3A_1464 = %broadcast_in_dim3A_652, %scan3A_1465 = %broadcast_in_dim3A_652) -> (vector<16xf32>, vector<16xf32>, vector<16xf32>, vector<16xf32>)  : i32 {
        %broadcast_in_dim3A_1466 = vector.broadcast %scan3A_1461 : i32 to vector<16xi32>
        %gather3A = tpu.vector_load_idx %arg9[%broadcast_in_dim3A_650, %broadcast_in_dim3A_1466] : memref<16x64xf32, #tpu.memory_space<vmem>>[vector<16xi32>, vector<16xi32>], vector<16xf32>,
        %gather3A_1467 = tpu.vector_load_idx %arg10[%add3A_618, %broadcast_in_dim3A_1466] masked %lt3A_621 : memref<800x64xf32, #tpu.memory_space<vmem>>[vector<16xi32>, vector<16xi32>], vector<16xf32>, vector<16xi1>
        %mul3A_1468 = arith.mulf %gather3A, %gather3A_1467 : vector<16xf32>
        %add3A_1469 = arith.addf %scan3A_1462, %mul3A_1468 : vector<16xf32>
        %gather3A_1470 = tpu.vector_load_idx %arg10[%add3A_627, %broadcast_in_dim3A_1466] masked %lt3A_630 : memref<800x64xf32, #tpu.memory_space<vmem>>[vector<16xi32>, vector<16xi32>], vector<16xf32>, vector<16xi1>
        %mul3A_1471 = arith.mulf %gather3A, %gather3A_1470 : vector<16xf32>
        %add3A_1472 = arith.addf %scan3A_1463, %mul3A_1471 : vector<16xf32>
        %gather3A_1473 = tpu.vector_load_idx %arg10[%add3A_636, %broadcast_in_dim3A_1466] masked %lt3A_639 : memref<800x64xf32, #tpu.memory_space<vmem>>[vector<16xi32>, vector<16xi32>], vector<16xf32>, vector<16xi1>
        %mul3A_1474 = arith.mulf %gather3A, %gather3A_1473 : vector<16xf32>
        %add3A_1475 = arith.addf %scan3A_1464, %mul3A_1474 : vector<16xf32>
        %gather3A_1476 = tpu.vector_load_idx %arg10[%add3A_645, %broadcast_in_dim3A_1466] masked %lt3A_648 : memref<800x64xf32, #tpu.memory_space<vmem>>[vector<16xi32>, vector<16xi32>], vector<16xf32>, vector<16xi1>
        %mul3A_1477 = arith.mulf %gather3A, %gather3A_1476 : vector<16xf32>
        %add3A_1478 = arith.addf %scan3A_1465, %mul3A_1477 : vector<16xf32>
        scf.yield %add3A_1469, %add3A_1472, %add3A_1475, %add3A_1478 : vector<16xf32>, vector<16xf32>, vector<16xf32>, vector<16xf32>
      }
      %scan3A_658 = arith.constant 64 : i32
      %add3A_659 = arith.constant 0 : i32
      %add3A_660 = vector.broadcast %add3A_659 : i32 to vector<16xi32>
      %add3A_661 = arith.addi %add3A_660, %iota3A : vector<16xi32>
      %add3A_662 = arith.constant 200 : i32
      %add3A_663 = vector.broadcast %add3A_662 : i32 to vector<16xi32>
      %add3A_664 = arith.addi %add3A_663, %add3A_661 : vector<16xi32>
      tpu.vector_store_idx %arg11[%add3A_664], %scan3A_657#0 masked %lt3A_621 : memref<800xf32, #tpu.memory_space<vmem>>[vector<16xi32>], vector<16xf32>, vector<16xi1>
      %add3A_665 = arith.constant 16 : i32
      %add3A_666 = vector.broadcast %add3A_665 : i32 to vector<16xi32>
      %add3A_667 = arith.addi %add3A_666, %iota3A : vector<16xi32>
      %add3A_668 = arith.constant 200 : i32
      %add3A_669 = vector.broadcast %add3A_668 : i32 to vector<16xi32>
      %add3A_670 = arith.addi %add3A_669, %add3A_667 : vector<16xi32>
      tpu.vector_store_idx %arg11[%add3A_670], %scan3A_657#1 masked %lt3A_630 : memref<800xf32, #tpu.memory_space<vmem>>[vector<16xi32>], vector<16xf32>, vector<16xi1>
      %add3A_671 = arith.constant 32 : i32
      %add3A_672 = vector.broadcast %add3A_671 : i32 to vector<16xi32>
      %add3A_673 = arith.addi %add3A_672, %iota3A : vector<16xi32>
      %add3A_674 = arith.constant 200 : i32
      %add3A_675 = vector.broadcast %add3A_674 : i32 to vector<16xi32>
      %add3A_676 = arith.addi %add3A_675, %add3A_673 : vector<16xi32>
      tpu.vector_store_idx %arg11[%add3A_676], %scan3A_657#2 masked %lt3A_639 : memref<800xf32, #tpu.memory_space<vmem>>[vector<16xi32>], vector<16xf32>, vector<16xi1>
      %add3A_677 = arith.constant 48 : i32
      %add3A_678 = vector.broadcast %add3A_677 : i32 to vector<16xi32>
      %add3A_679 = arith.addi %add3A_678, %iota3A : vector<16xi32>
      %add3A_680 = arith.constant 200 : i32
      %add3A_681 = vector.broadcast %add3A_680 : i32 to vector<16xi32>
      %add3A_682 = arith.addi %add3A_681, %add3A_679 : vector<16xi32>
      tpu.vector_store_idx %arg11[%add3A_682], %scan3A_657#3 masked %lt3A_648 : memref<800xf32, #tpu.memory_space<vmem>>[vector<16xi32>], vector<16xf32>, vector<16xi1>
      %add3A_683 = arith.constant 0 : i32
      %add3A_684 = vector.broadcast %add3A_683 : i32 to vector<16xi32>
      %add3A_685 = arith.addi %add3A_684, %iota3A : vector<16xi32>
      %add3A_686 = arith.constant 250 : i32
      %add3A_687 = vector.broadcast %add3A_686 : i32 to vector<16xi32>
      %add3A_688 = arith.addi %add3A_687, %add3A_685 : vector<16xi32>
      %lt3A_689 = arith.constant 50 : i32
      %lt3A_690 = vector.broadcast %lt3A_689 : i32 to vector<16xi32>
      %lt3A_691 = arith.cmpi slt, %add3A_685, %lt3A_690 : vector<16xi32>
      %add3A_692 = arith.constant 16 : i32
      %add3A_693 = vector.broadcast %add3A_692 : i32 to vector<16xi32>
      %add3A_694 = arith.addi %add3A_693, %iota3A : vector<16xi32>
      %add3A_695 = arith.constant 250 : i32
      %add3A_696 = vector.broadcast %add3A_695 : i32 to vector<16xi32>
      %add3A_697 = arith.addi %add3A_696, %add3A_694 : vector<16xi32>
      %lt3A_698 = arith.constant 50 : i32
      %lt3A_699 = vector.broadcast %lt3A_698 : i32 to vector<16xi32>
      %lt3A_700 = arith.cmpi slt, %add3A_694, %lt3A_699 : vector<16xi32>
      %add3A_701 = arith.constant 32 : i32
      %add3A_702 = vector.broadcast %add3A_701 : i32 to vector<16xi32>
      %add3A_703 = arith.addi %add3A_702, %iota3A : vector<16xi32>
      %add3A_704 = arith.constant 250 : i32
      %add3A_705 = vector.broadcast %add3A_704 : i32 to vector<16xi32>
      %add3A_706 = arith.addi %add3A_705, %add3A_703 : vector<16xi32>
      %lt3A_707 = arith.constant 50 : i32
      %lt3A_708 = vector.broadcast %lt3A_707 : i32 to vector<16xi32>
      %lt3A_709 = arith.cmpi slt, %add3A_703, %lt3A_708 : vector<16xi32>
      %add3A_710 = arith.constant 48 : i32
      %add3A_711 = vector.broadcast %add3A_710 : i32 to vector<16xi32>
      %add3A_712 = arith.addi %add3A_711, %iota3A : vector<16xi32>
      %add3A_713 = arith.constant 250 : i32
      %add3A_714 = vector.broadcast %add3A_713 : i32 to vector<16xi32>
      %add3A_715 = arith.addi %add3A_714, %add3A_712 : vector<16xi32>
      %lt3A_716 = arith.constant 50 : i32
      %lt3A_717 = vector.broadcast %lt3A_716 : i32 to vector<16xi32>
      %lt3A_718 = arith.cmpi slt, %add3A_712, %lt3A_717 : vector<16xi32>
      %broadcast_in_dim3A_719 = arith.constant 5 : i32
      %broadcast_in_dim3A_720 = vector.broadcast %broadcast_in_dim3A_719 : i32 to vector<16xi32>
      %broadcast_in_dim3A_721 = arith.constant 0.000000e+00 : f32
      %broadcast_in_dim3A_722 = vector.broadcast %broadcast_in_dim3A_721 : f32 to vector<16xf32>
      %scan3A_723 = arith.constant 0 : i32
      %scan3A_724 = arith.constant 64 : i32
      %scan3A_725 = arith.addi %scan3A_723, %scan3A_724 : i32
      %scan3A_726 = arith.constant 1 : i32
      %scan3A_727:4 = scf.for %scan3A_1461 = %scan3A_723 to %scan3A_725 step %scan3A_726 iter_args(%scan3A_1462 = %broadcast_in_dim3A_722, %scan3A_1463 = %broadcast_in_dim3A_722, %scan3A_1464 = %broadcast_in_dim3A_722, %scan3A_1465 = %broadcast_in_dim3A_722) -> (vector<16xf32>, vector<16xf32>, vector<16xf32>, vector<16xf32>)  : i32 {
        %broadcast_in_dim3A_1466 = vector.broadcast %scan3A_1461 : i32 to vector<16xi32>
        %gather3A = tpu.vector_load_idx %arg9[%broadcast_in_dim3A_720, %broadcast_in_dim3A_1466] : memref<16x64xf32, #tpu.memory_space<vmem>>[vector<16xi32>, vector<16xi32>], vector<16xf32>,
        %gather3A_1467 = tpu.vector_load_idx %arg10[%add3A_688, %broadcast_in_dim3A_1466] masked %lt3A_691 : memref<800x64xf32, #tpu.memory_space<vmem>>[vector<16xi32>, vector<16xi32>], vector<16xf32>, vector<16xi1>
        %mul3A_1468 = arith.mulf %gather3A, %gather3A_1467 : vector<16xf32>
        %add3A_1469 = arith.addf %scan3A_1462, %mul3A_1468 : vector<16xf32>
        %gather3A_1470 = tpu.vector_load_idx %arg10[%add3A_697, %broadcast_in_dim3A_1466] masked %lt3A_700 : memref<800x64xf32, #tpu.memory_space<vmem>>[vector<16xi32>, vector<16xi32>], vector<16xf32>, vector<16xi1>
        %mul3A_1471 = arith.mulf %gather3A, %gather3A_1470 : vector<16xf32>
        %add3A_1472 = arith.addf %scan3A_1463, %mul3A_1471 : vector<16xf32>
        %gather3A_1473 = tpu.vector_load_idx %arg10[%add3A_706, %broadcast_in_dim3A_1466] masked %lt3A_709 : memref<800x64xf32, #tpu.memory_space<vmem>>[vector<16xi32>, vector<16xi32>], vector<16xf32>, vector<16xi1>
        %mul3A_1474 = arith.mulf %gather3A, %gather3A_1473 : vector<16xf32>
        %add3A_1475 = arith.addf %scan3A_1464, %mul3A_1474 : vector<16xf32>
        %gather3A_1476 = tpu.vector_load_idx %arg10[%add3A_715, %broadcast_in_dim3A_1466] masked %lt3A_718 : memref<800x64xf32, #tpu.memory_space<vmem>>[vector<16xi32>, vector<16xi32>], vector<16xf32>, vector<16xi1>
        %mul3A_1477 = arith.mulf %gather3A, %gather3A_1476 : vector<16xf32>
        %add3A_1478 = arith.addf %scan3A_1465, %mul3A_1477 : vector<16xf32>
        scf.yield %add3A_1469, %add3A_1472, %add3A_1475, %add3A_1478 : vector<16xf32>, vector<16xf32>, vector<16xf32>, vector<16xf32>
      }
      %scan3A_728 = arith.constant 64 : i32
      %add3A_729 = arith.constant 0 : i32
      %add3A_730 = vector.broadcast %add3A_729 : i32 to vector<16xi32>
      %add3A_731 = arith.addi %add3A_730, %iota3A : vector<16xi32>
      %add3A_732 = arith.constant 250 : i32
      %add3A_733 = vector.broadcast %add3A_732 : i32 to vector<16xi32>
      %add3A_734 = arith.addi %add3A_733, %add3A_731 : vector<16xi32>
      tpu.vector_store_idx %arg11[%add3A_734], %scan3A_727#0 masked %lt3A_691 : memref<800xf32, #tpu.memory_space<vmem>>[vector<16xi32>], vector<16xf32>, vector<16xi1>
      %add3A_735 = arith.constant 16 : i32
      %add3A_736 = vector.broadcast %add3A_735 : i32 to vector<16xi32>
      %add3A_737 = arith.addi %add3A_736, %iota3A : vector<16xi32>
      %add3A_738 = arith.constant 250 : i32
      %add3A_739 = vector.broadcast %add3A_738 : i32 to vector<16xi32>
      %add3A_740 = arith.addi %add3A_739, %add3A_737 : vector<16xi32>
      tpu.vector_store_idx %arg11[%add3A_740], %scan3A_727#1 masked %lt3A_700 : memref<800xf32, #tpu.memory_space<vmem>>[vector<16xi32>], vector<16xf32>, vector<16xi1>
      %add3A_741 = arith.constant 32 : i32
      %add3A_742 = vector.broadcast %add3A_741 : i32 to vector<16xi32>
      %add3A_743 = arith.addi %add3A_742, %iota3A : vector<16xi32>
      %add3A_744 = arith.constant 250 : i32
      %add3A_745 = vector.broadcast %add3A_744 : i32 to vector<16xi32>
      %add3A_746 = arith.addi %add3A_745, %add3A_743 : vector<16xi32>
      tpu.vector_store_idx %arg11[%add3A_746], %scan3A_727#2 masked %lt3A_709 : memref<800xf32, #tpu.memory_space<vmem>>[vector<16xi32>], vector<16xf32>, vector<16xi1>
      %add3A_747 = arith.constant 48 : i32
      %add3A_748 = vector.broadcast %add3A_747 : i32 to vector<16xi32>
      %add3A_749 = arith.addi %add3A_748, %iota3A : vector<16xi32>
      %add3A_750 = arith.constant 250 : i32
      %add3A_751 = vector.broadcast %add3A_750 : i32 to vector<16xi32>
      %add3A_752 = arith.addi %add3A_751, %add3A_749 : vector<16xi32>
      tpu.vector_store_idx %arg11[%add3A_752], %scan3A_727#3 masked %lt3A_718 : memref<800xf32, #tpu.memory_space<vmem>>[vector<16xi32>], vector<16xf32>, vector<16xi1>
      %add3A_753 = arith.constant 0 : i32
      %add3A_754 = vector.broadcast %add3A_753 : i32 to vector<16xi32>
      %add3A_755 = arith.addi %add3A_754, %iota3A : vector<16xi32>
      %add3A_756 = arith.constant 300 : i32
      %add3A_757 = vector.broadcast %add3A_756 : i32 to vector<16xi32>
      %add3A_758 = arith.addi %add3A_757, %add3A_755 : vector<16xi32>
      %lt3A_759 = arith.constant 50 : i32
      %lt3A_760 = vector.broadcast %lt3A_759 : i32 to vector<16xi32>
      %lt3A_761 = arith.cmpi slt, %add3A_755, %lt3A_760 : vector<16xi32>
      %add3A_762 = arith.constant 16 : i32
      %add3A_763 = vector.broadcast %add3A_762 : i32 to vector<16xi32>
      %add3A_764 = arith.addi %add3A_763, %iota3A : vector<16xi32>
      %add3A_765 = arith.constant 300 : i32
      %add3A_766 = vector.broadcast %add3A_765 : i32 to vector<16xi32>
      %add3A_767 = arith.addi %add3A_766, %add3A_764 : vector<16xi32>
      %lt3A_768 = arith.constant 50 : i32
      %lt3A_769 = vector.broadcast %lt3A_768 : i32 to vector<16xi32>
      %lt3A_770 = arith.cmpi slt, %add3A_764, %lt3A_769 : vector<16xi32>
      %add3A_771 = arith.constant 32 : i32
      %add3A_772 = vector.broadcast %add3A_771 : i32 to vector<16xi32>
      %add3A_773 = arith.addi %add3A_772, %iota3A : vector<16xi32>
      %add3A_774 = arith.constant 300 : i32
      %add3A_775 = vector.broadcast %add3A_774 : i32 to vector<16xi32>
      %add3A_776 = arith.addi %add3A_775, %add3A_773 : vector<16xi32>
      %lt3A_777 = arith.constant 50 : i32
      %lt3A_778 = vector.broadcast %lt3A_777 : i32 to vector<16xi32>
      %lt3A_779 = arith.cmpi slt, %add3A_773, %lt3A_778 : vector<16xi32>
      %add3A_780 = arith.constant 48 : i32
      %add3A_781 = vector.broadcast %add3A_780 : i32 to vector<16xi32>
      %add3A_782 = arith.addi %add3A_781, %iota3A : vector<16xi32>
      %add3A_783 = arith.constant 300 : i32
      %add3A_784 = vector.broadcast %add3A_783 : i32 to vector<16xi32>
      %add3A_785 = arith.addi %add3A_784, %add3A_782 : vector<16xi32>
      %lt3A_786 = arith.constant 50 : i32
      %lt3A_787 = vector.broadcast %lt3A_786 : i32 to vector<16xi32>
      %lt3A_788 = arith.cmpi slt, %add3A_782, %lt3A_787 : vector<16xi32>
      %broadcast_in_dim3A_789 = arith.constant 6 : i32
      %broadcast_in_dim3A_790 = vector.broadcast %broadcast_in_dim3A_789 : i32 to vector<16xi32>
      %broadcast_in_dim3A_791 = arith.constant 0.000000e+00 : f32
      %broadcast_in_dim3A_792 = vector.broadcast %broadcast_in_dim3A_791 : f32 to vector<16xf32>
      %scan3A_793 = arith.constant 0 : i32
      %scan3A_794 = arith.constant 64 : i32
      %scan3A_795 = arith.addi %scan3A_793, %scan3A_794 : i32
      %scan3A_796 = arith.constant 1 : i32
      %scan3A_797:4 = scf.for %scan3A_1461 = %scan3A_793 to %scan3A_795 step %scan3A_796 iter_args(%scan3A_1462 = %broadcast_in_dim3A_792, %scan3A_1463 = %broadcast_in_dim3A_792, %scan3A_1464 = %broadcast_in_dim3A_792, %scan3A_1465 = %broadcast_in_dim3A_792) -> (vector<16xf32>, vector<16xf32>, vector<16xf32>, vector<16xf32>)  : i32 {
        %broadcast_in_dim3A_1466 = vector.broadcast %scan3A_1461 : i32 to vector<16xi32>
        %gather3A = tpu.vector_load_idx %arg9[%broadcast_in_dim3A_790, %broadcast_in_dim3A_1466] : memref<16x64xf32, #tpu.memory_space<vmem>>[vector<16xi32>, vector<16xi32>], vector<16xf32>,
        %gather3A_1467 = tpu.vector_load_idx %arg10[%add3A_758, %broadcast_in_dim3A_1466] masked %lt3A_761 : memref<800x64xf32, #tpu.memory_space<vmem>>[vector<16xi32>, vector<16xi32>], vector<16xf32>, vector<16xi1>
        %mul3A_1468 = arith.mulf %gather3A, %gather3A_1467 : vector<16xf32>
        %add3A_1469 = arith.addf %scan3A_1462, %mul3A_1468 : vector<16xf32>
        %gather3A_1470 = tpu.vector_load_idx %arg10[%add3A_767, %broadcast_in_dim3A_1466] masked %lt3A_770 : memref<800x64xf32, #tpu.memory_space<vmem>>[vector<16xi32>, vector<16xi32>], vector<16xf32>, vector<16xi1>
        %mul3A_1471 = arith.mulf %gather3A, %gather3A_1470 : vector<16xf32>
        %add3A_1472 = arith.addf %scan3A_1463, %mul3A_1471 : vector<16xf32>
        %gather3A_1473 = tpu.vector_load_idx %arg10[%add3A_776, %broadcast_in_dim3A_1466] masked %lt3A_779 : memref<800x64xf32, #tpu.memory_space<vmem>>[vector<16xi32>, vector<16xi32>], vector<16xf32>, vector<16xi1>
        %mul3A_1474 = arith.mulf %gather3A, %gather3A_1473 : vector<16xf32>
        %add3A_1475 = arith.addf %scan3A_1464, %mul3A_1474 : vector<16xf32>
        %gather3A_1476 = tpu.vector_load_idx %arg10[%add3A_785, %broadcast_in_dim3A_1466] masked %lt3A_788 : memref<800x64xf32, #tpu.memory_space<vmem>>[vector<16xi32>, vector<16xi32>], vector<16xf32>, vector<16xi1>
        %mul3A_1477 = arith.mulf %gather3A, %gather3A_1476 : vector<16xf32>
        %add3A_1478 = arith.addf %scan3A_1465, %mul3A_1477 : vector<16xf32>
        scf.yield %add3A_1469, %add3A_1472, %add3A_1475, %add3A_1478 : vector<16xf32>, vector<16xf32>, vector<16xf32>, vector<16xf32>
      }
      %scan3A_798 = arith.constant 64 : i32
      %add3A_799 = arith.constant 0 : i32
      %add3A_800 = vector.broadcast %add3A_799 : i32 to vector<16xi32>
      %add3A_801 = arith.addi %add3A_800, %iota3A : vector<16xi32>
      %add3A_802 = arith.constant 300 : i32
      %add3A_803 = vector.broadcast %add3A_802 : i32 to vector<16xi32>
      %add3A_804 = arith.addi %add3A_803, %add3A_801 : vector<16xi32>
      tpu.vector_store_idx %arg11[%add3A_804], %scan3A_797#0 masked %lt3A_761 : memref<800xf32, #tpu.memory_space<vmem>>[vector<16xi32>], vector<16xf32>, vector<16xi1>
      %add3A_805 = arith.constant 16 : i32
      %add3A_806 = vector.broadcast %add3A_805 : i32 to vector<16xi32>
      %add3A_807 = arith.addi %add3A_806, %iota3A : vector<16xi32>
      %add3A_808 = arith.constant 300 : i32
      %add3A_809 = vector.broadcast %add3A_808 : i32 to vector<16xi32>
      %add3A_810 = arith.addi %add3A_809, %add3A_807 : vector<16xi32>
      tpu.vector_store_idx %arg11[%add3A_810], %scan3A_797#1 masked %lt3A_770 : memref<800xf32, #tpu.memory_space<vmem>>[vector<16xi32>], vector<16xf32>, vector<16xi1>
      %add3A_811 = arith.constant 32 : i32
      %add3A_812 = vector.broadcast %add3A_811 : i32 to vector<16xi32>
      %add3A_813 = arith.addi %add3A_812, %iota3A : vector<16xi32>
      %add3A_814 = arith.constant 300 : i32
      %add3A_815 = vector.broadcast %add3A_814 : i32 to vector<16xi32>
      %add3A_816 = arith.addi %add3A_815, %add3A_813 : vector<16xi32>
      tpu.vector_store_idx %arg11[%add3A_816], %scan3A_797#2 masked %lt3A_779 : memref<800xf32, #tpu.memory_space<vmem>>[vector<16xi32>], vector<16xf32>, vector<16xi1>
      %add3A_817 = arith.constant 48 : i32
      %add3A_818 = vector.broadcast %add3A_817 : i32 to vector<16xi32>
      %add3A_819 = arith.addi %add3A_818, %iota3A : vector<16xi32>
      %add3A_820 = arith.constant 300 : i32
      %add3A_821 = vector.broadcast %add3A_820 : i32 to vector<16xi32>
      %add3A_822 = arith.addi %add3A_821, %add3A_819 : vector<16xi32>
      tpu.vector_store_idx %arg11[%add3A_822], %scan3A_797#3 masked %lt3A_788 : memref<800xf32, #tpu.memory_space<vmem>>[vector<16xi32>], vector<16xf32>, vector<16xi1>
      %add3A_823 = arith.constant 0 : i32
      %add3A_824 = vector.broadcast %add3A_823 : i32 to vector<16xi32>
      %add3A_825 = arith.addi %add3A_824, %iota3A : vector<16xi32>
      %add3A_826 = arith.constant 350 : i32
      %add3A_827 = vector.broadcast %add3A_826 : i32 to vector<16xi32>
      %add3A_828 = arith.addi %add3A_827, %add3A_825 : vector<16xi32>
      %lt3A_829 = arith.constant 50 : i32
      %lt3A_830 = vector.broadcast %lt3A_829 : i32 to vector<16xi32>
      %lt3A_831 = arith.cmpi slt, %add3A_825, %lt3A_830 : vector<16xi32>
      %add3A_832 = arith.constant 16 : i32
      %add3A_833 = vector.broadcast %add3A_832 : i32 to vector<16xi32>
      %add3A_834 = arith.addi %add3A_833, %iota3A : vector<16xi32>
      %add3A_835 = arith.constant 350 : i32
      %add3A_836 = vector.broadcast %add3A_835 : i32 to vector<16xi32>
      %add3A_837 = arith.addi %add3A_836, %add3A_834 : vector<16xi32>
      %lt3A_838 = arith.constant 50 : i32
      %lt3A_839 = vector.broadcast %lt3A_838 : i32 to vector<16xi32>
      %lt3A_840 = arith.cmpi slt, %add3A_834, %lt3A_839 : vector<16xi32>
      %add3A_841 = arith.constant 32 : i32
      %add3A_842 = vector.broadcast %add3A_841 : i32 to vector<16xi32>
      %add3A_843 = arith.addi %add3A_842, %iota3A : vector<16xi32>
      %add3A_844 = arith.constant 350 : i32
      %add3A_845 = vector.broadcast %add3A_844 : i32 to vector<16xi32>
      %add3A_846 = arith.addi %add3A_845, %add3A_843 : vector<16xi32>
      %lt3A_847 = arith.constant 50 : i32
      %lt3A_848 = vector.broadcast %lt3A_847 : i32 to vector<16xi32>
      %lt3A_849 = arith.cmpi slt, %add3A_843, %lt3A_848 : vector<16xi32>
      %add3A_850 = arith.constant 48 : i32
      %add3A_851 = vector.broadcast %add3A_850 : i32 to vector<16xi32>
      %add3A_852 = arith.addi %add3A_851, %iota3A : vector<16xi32>
      %add3A_853 = arith.constant 350 : i32
      %add3A_854 = vector.broadcast %add3A_853 : i32 to vector<16xi32>
      %add3A_855 = arith.addi %add3A_854, %add3A_852 : vector<16xi32>
      %lt3A_856 = arith.constant 50 : i32
      %lt3A_857 = vector.broadcast %lt3A_856 : i32 to vector<16xi32>
      %lt3A_858 = arith.cmpi slt, %add3A_852, %lt3A_857 : vector<16xi32>
      %broadcast_in_dim3A_859 = arith.constant 7 : i32
      %broadcast_in_dim3A_860 = vector.broadcast %broadcast_in_dim3A_859 : i32 to vector<16xi32>
      %broadcast_in_dim3A_861 = arith.constant 0.000000e+00 : f32
      %broadcast_in_dim3A_862 = vector.broadcast %broadcast_in_dim3A_861 : f32 to vector<16xf32>
      %scan3A_863 = arith.constant 0 : i32
      %scan3A_864 = arith.constant 64 : i32
      %scan3A_865 = arith.addi %scan3A_863, %scan3A_864 : i32
      %scan3A_866 = arith.constant 1 : i32
      %scan3A_867:4 = scf.for %scan3A_1461 = %scan3A_863 to %scan3A_865 step %scan3A_866 iter_args(%scan3A_1462 = %broadcast_in_dim3A_862, %scan3A_1463 = %broadcast_in_dim3A_862, %scan3A_1464 = %broadcast_in_dim3A_862, %scan3A_1465 = %broadcast_in_dim3A_862) -> (vector<16xf32>, vector<16xf32>, vector<16xf32>, vector<16xf32>)  : i32 {
        %broadcast_in_dim3A_1466 = vector.broadcast %scan3A_1461 : i32 to vector<16xi32>
        %gather3A = tpu.vector_load_idx %arg9[%broadcast_in_dim3A_860, %broadcast_in_dim3A_1466] : memref<16x64xf32, #tpu.memory_space<vmem>>[vector<16xi32>, vector<16xi32>], vector<16xf32>,
        %gather3A_1467 = tpu.vector_load_idx %arg10[%add3A_828, %broadcast_in_dim3A_1466] masked %lt3A_831 : memref<800x64xf32, #tpu.memory_space<vmem>>[vector<16xi32>, vector<16xi32>], vector<16xf32>, vector<16xi1>
        %mul3A_1468 = arith.mulf %gather3A, %gather3A_1467 : vector<16xf32>
        %add3A_1469 = arith.addf %scan3A_1462, %mul3A_1468 : vector<16xf32>
        %gather3A_1470 = tpu.vector_load_idx %arg10[%add3A_837, %broadcast_in_dim3A_1466] masked %lt3A_840 : memref<800x64xf32, #tpu.memory_space<vmem>>[vector<16xi32>, vector<16xi32>], vector<16xf32>, vector<16xi1>
        %mul3A_1471 = arith.mulf %gather3A, %gather3A_1470 : vector<16xf32>
        %add3A_1472 = arith.addf %scan3A_1463, %mul3A_1471 : vector<16xf32>
        %gather3A_1473 = tpu.vector_load_idx %arg10[%add3A_846, %broadcast_in_dim3A_1466] masked %lt3A_849 : memref<800x64xf32, #tpu.memory_space<vmem>>[vector<16xi32>, vector<16xi32>], vector<16xf32>, vector<16xi1>
        %mul3A_1474 = arith.mulf %gather3A, %gather3A_1473 : vector<16xf32>
        %add3A_1475 = arith.addf %scan3A_1464, %mul3A_1474 : vector<16xf32>
        %gather3A_1476 = tpu.vector_load_idx %arg10[%add3A_855, %broadcast_in_dim3A_1466] masked %lt3A_858 : memref<800x64xf32, #tpu.memory_space<vmem>>[vector<16xi32>, vector<16xi32>], vector<16xf32>, vector<16xi1>
        %mul3A_1477 = arith.mulf %gather3A, %gather3A_1476 : vector<16xf32>
        %add3A_1478 = arith.addf %scan3A_1465, %mul3A_1477 : vector<16xf32>
        scf.yield %add3A_1469, %add3A_1472, %add3A_1475, %add3A_1478 : vector<16xf32>, vector<16xf32>, vector<16xf32>, vector<16xf32>
      }
      %scan3A_868 = arith.constant 64 : i32
      %add3A_869 = arith.constant 0 : i32
      %add3A_870 = vector.broadcast %add3A_869 : i32 to vector<16xi32>
      %add3A_871 = arith.addi %add3A_870, %iota3A : vector<16xi32>
      %add3A_872 = arith.constant 350 : i32
      %add3A_873 = vector.broadcast %add3A_872 : i32 to vector<16xi32>
      %add3A_874 = arith.addi %add3A_873, %add3A_871 : vector<16xi32>
      tpu.vector_store_idx %arg11[%add3A_874], %scan3A_867#0 masked %lt3A_831 : memref<800xf32, #tpu.memory_space<vmem>>[vector<16xi32>], vector<16xf32>, vector<16xi1>
      %add3A_875 = arith.constant 16 : i32
      %add3A_876 = vector.broadcast %add3A_875 : i32 to vector<16xi32>
      %add3A_877 = arith.addi %add3A_876, %iota3A : vector<16xi32>
      %add3A_878 = arith.constant 350 : i32
      %add3A_879 = vector.broadcast %add3A_878 : i32 to vector<16xi32>
      %add3A_880 = arith.addi %add3A_879, %add3A_877 : vector<16xi32>
      tpu.vector_store_idx %arg11[%add3A_880], %scan3A_867#1 masked %lt3A_840 : memref<800xf32, #tpu.memory_space<vmem>>[vector<16xi32>], vector<16xf32>, vector<16xi1>
      %add3A_881 = arith.constant 32 : i32
      %add3A_882 = vector.broadcast %add3A_881 : i32 to vector<16xi32>
      %add3A_883 = arith.addi %add3A_882, %iota3A : vector<16xi32>
      %add3A_884 = arith.constant 350 : i32
      %add3A_885 = vector.broadcast %add3A_884 : i32 to vector<16xi32>
      %add3A_886 = arith.addi %add3A_885, %add3A_883 : vector<16xi32>
      tpu.vector_store_idx %arg11[%add3A_886], %scan3A_867#2 masked %lt3A_849 : memref<800xf32, #tpu.memory_space<vmem>>[vector<16xi32>], vector<16xf32>, vector<16xi1>
      %add3A_887 = arith.constant 48 : i32
      %add3A_888 = vector.broadcast %add3A_887 : i32 to vector<16xi32>
      %add3A_889 = arith.addi %add3A_888, %iota3A : vector<16xi32>
      %add3A_890 = arith.constant 350 : i32
      %add3A_891 = vector.broadcast %add3A_890 : i32 to vector<16xi32>
      %add3A_892 = arith.addi %add3A_891, %add3A_889 : vector<16xi32>
      tpu.vector_store_idx %arg11[%add3A_892], %scan3A_867#3 masked %lt3A_858 : memref<800xf32, #tpu.memory_space<vmem>>[vector<16xi32>], vector<16xf32>, vector<16xi1>
      %add3A_893 = arith.constant 0 : i32
      %add3A_894 = vector.broadcast %add3A_893 : i32 to vector<16xi32>
      %add3A_895 = arith.addi %add3A_894, %iota3A : vector<16xi32>
      %add3A_896 = arith.constant 400 : i32
      %add3A_897 = vector.broadcast %add3A_896 : i32 to vector<16xi32>
      %add3A_898 = arith.addi %add3A_897, %add3A_895 : vector<16xi32>
      %lt3A_899 = arith.constant 50 : i32
      %lt3A_900 = vector.broadcast %lt3A_899 : i32 to vector<16xi32>
      %lt3A_901 = arith.cmpi slt, %add3A_895, %lt3A_900 : vector<16xi32>
      %add3A_902 = arith.constant 16 : i32
      %add3A_903 = vector.broadcast %add3A_902 : i32 to vector<16xi32>
      %add3A_904 = arith.addi %add3A_903, %iota3A : vector<16xi32>
      %add3A_905 = arith.constant 400 : i32
      %add3A_906 = vector.broadcast %add3A_905 : i32 to vector<16xi32>
      %add3A_907 = arith.addi %add3A_906, %add3A_904 : vector<16xi32>
      %lt3A_908 = arith.constant 50 : i32
      %lt3A_909 = vector.broadcast %lt3A_908 : i32 to vector<16xi32>
      %lt3A_910 = arith.cmpi slt, %add3A_904, %lt3A_909 : vector<16xi32>
      %add3A_911 = arith.constant 32 : i32
      %add3A_912 = vector.broadcast %add3A_911 : i32 to vector<16xi32>
      %add3A_913 = arith.addi %add3A_912, %iota3A : vector<16xi32>
      %add3A_914 = arith.constant 400 : i32
      %add3A_915 = vector.broadcast %add3A_914 : i32 to vector<16xi32>
      %add3A_916 = arith.addi %add3A_915, %add3A_913 : vector<16xi32>
      %lt3A_917 = arith.constant 50 : i32
      %lt3A_918 = vector.broadcast %lt3A_917 : i32 to vector<16xi32>
      %lt3A_919 = arith.cmpi slt, %add3A_913, %lt3A_918 : vector<16xi32>
      %add3A_920 = arith.constant 48 : i32
      %add3A_921 = vector.broadcast %add3A_920 : i32 to vector<16xi32>
      %add3A_922 = arith.addi %add3A_921, %iota3A : vector<16xi32>
      %add3A_923 = arith.constant 400 : i32
      %add3A_924 = vector.broadcast %add3A_923 : i32 to vector<16xi32>
      %add3A_925 = arith.addi %add3A_924, %add3A_922 : vector<16xi32>
      %lt3A_926 = arith.constant 50 : i32
      %lt3A_927 = vector.broadcast %lt3A_926 : i32 to vector<16xi32>
      %lt3A_928 = arith.cmpi slt, %add3A_922, %lt3A_927 : vector<16xi32>
      %broadcast_in_dim3A_929 = arith.constant 8 : i32
      %broadcast_in_dim3A_930 = vector.broadcast %broadcast_in_dim3A_929 : i32 to vector<16xi32>
      %broadcast_in_dim3A_931 = arith.constant 0.000000e+00 : f32
      %broadcast_in_dim3A_932 = vector.broadcast %broadcast_in_dim3A_931 : f32 to vector<16xf32>
      %scan3A_933 = arith.constant 0 : i32
      %scan3A_934 = arith.constant 64 : i32
      %scan3A_935 = arith.addi %scan3A_933, %scan3A_934 : i32
      %scan3A_936 = arith.constant 1 : i32
      %scan3A_937:4 = scf.for %scan3A_1461 = %scan3A_933 to %scan3A_935 step %scan3A_936 iter_args(%scan3A_1462 = %broadcast_in_dim3A_932, %scan3A_1463 = %broadcast_in_dim3A_932, %scan3A_1464 = %broadcast_in_dim3A_932, %scan3A_1465 = %broadcast_in_dim3A_932) -> (vector<16xf32>, vector<16xf32>, vector<16xf32>, vector<16xf32>)  : i32 {
        %broadcast_in_dim3A_1466 = vector.broadcast %scan3A_1461 : i32 to vector<16xi32>
        %gather3A = tpu.vector_load_idx %arg9[%broadcast_in_dim3A_930, %broadcast_in_dim3A_1466] : memref<16x64xf32, #tpu.memory_space<vmem>>[vector<16xi32>, vector<16xi32>], vector<16xf32>,
        %gather3A_1467 = tpu.vector_load_idx %arg10[%add3A_898, %broadcast_in_dim3A_1466] masked %lt3A_901 : memref<800x64xf32, #tpu.memory_space<vmem>>[vector<16xi32>, vector<16xi32>], vector<16xf32>, vector<16xi1>
        %mul3A_1468 = arith.mulf %gather3A, %gather3A_1467 : vector<16xf32>
        %add3A_1469 = arith.addf %scan3A_1462, %mul3A_1468 : vector<16xf32>
        %gather3A_1470 = tpu.vector_load_idx %arg10[%add3A_907, %broadcast_in_dim3A_1466] masked %lt3A_910 : memref<800x64xf32, #tpu.memory_space<vmem>>[vector<16xi32>, vector<16xi32>], vector<16xf32>, vector<16xi1>
        %mul3A_1471 = arith.mulf %gather3A, %gather3A_1470 : vector<16xf32>
        %add3A_1472 = arith.addf %scan3A_1463, %mul3A_1471 : vector<16xf32>
        %gather3A_1473 = tpu.vector_load_idx %arg10[%add3A_916, %broadcast_in_dim3A_1466] masked %lt3A_919 : memref<800x64xf32, #tpu.memory_space<vmem>>[vector<16xi32>, vector<16xi32>], vector<16xf32>, vector<16xi1>
        %mul3A_1474 = arith.mulf %gather3A, %gather3A_1473 : vector<16xf32>
        %add3A_1475 = arith.addf %scan3A_1464, %mul3A_1474 : vector<16xf32>
        %gather3A_1476 = tpu.vector_load_idx %arg10[%add3A_925, %broadcast_in_dim3A_1466] masked %lt3A_928 : memref<800x64xf32, #tpu.memory_space<vmem>>[vector<16xi32>, vector<16xi32>], vector<16xf32>, vector<16xi1>
        %mul3A_1477 = arith.mulf %gather3A, %gather3A_1476 : vector<16xf32>
        %add3A_1478 = arith.addf %scan3A_1465, %mul3A_1477 : vector<16xf32>
        scf.yield %add3A_1469, %add3A_1472, %add3A_1475, %add3A_1478 : vector<16xf32>, vector<16xf32>, vector<16xf32>, vector<16xf32>
      }
      %scan3A_938 = arith.constant 64 : i32
      %add3A_939 = arith.constant 0 : i32
      %add3A_940 = vector.broadcast %add3A_939 : i32 to vector<16xi32>
      %add3A_941 = arith.addi %add3A_940, %iota3A : vector<16xi32>
      %add3A_942 = arith.constant 400 : i32
      %add3A_943 = vector.broadcast %add3A_942 : i32 to vector<16xi32>
      %add3A_944 = arith.addi %add3A_943, %add3A_941 : vector<16xi32>
      tpu.vector_store_idx %arg11[%add3A_944], %scan3A_937#0 masked %lt3A_901 : memref<800xf32, #tpu.memory_space<vmem>>[vector<16xi32>], vector<16xf32>, vector<16xi1>
      %add3A_945 = arith.constant 16 : i32
      %add3A_946 = vector.broadcast %add3A_945 : i32 to vector<16xi32>
      %add3A_947 = arith.addi %add3A_946, %iota3A : vector<16xi32>
      %add3A_948 = arith.constant 400 : i32
      %add3A_949 = vector.broadcast %add3A_948 : i32 to vector<16xi32>
      %add3A_950 = arith.addi %add3A_949, %add3A_947 : vector<16xi32>
      tpu.vector_store_idx %arg11[%add3A_950], %scan3A_937#1 masked %lt3A_910 : memref<800xf32, #tpu.memory_space<vmem>>[vector<16xi32>], vector<16xf32>, vector<16xi1>
      %add3A_951 = arith.constant 32 : i32
      %add3A_952 = vector.broadcast %add3A_951 : i32 to vector<16xi32>
      %add3A_953 = arith.addi %add3A_952, %iota3A : vector<16xi32>
      %add3A_954 = arith.constant 400 : i32
      %add3A_955 = vector.broadcast %add3A_954 : i32 to vector<16xi32>
      %add3A_956 = arith.addi %add3A_955, %add3A_953 : vector<16xi32>
      tpu.vector_store_idx %arg11[%add3A_956], %scan3A_937#2 masked %lt3A_919 : memref<800xf32, #tpu.memory_space<vmem>>[vector<16xi32>], vector<16xf32>, vector<16xi1>
      %add3A_957 = arith.constant 48 : i32
      %add3A_958 = vector.broadcast %add3A_957 : i32 to vector<16xi32>
      %add3A_959 = arith.addi %add3A_958, %iota3A : vector<16xi32>
      %add3A_960 = arith.constant 400 : i32
      %add3A_961 = vector.broadcast %add3A_960 : i32 to vector<16xi32>
      %add3A_962 = arith.addi %add3A_961, %add3A_959 : vector<16xi32>
      tpu.vector_store_idx %arg11[%add3A_962], %scan3A_937#3 masked %lt3A_928 : memref<800xf32, #tpu.memory_space<vmem>>[vector<16xi32>], vector<16xf32>, vector<16xi1>
      %add3A_963 = arith.constant 0 : i32
      %add3A_964 = vector.broadcast %add3A_963 : i32 to vector<16xi32>
      %add3A_965 = arith.addi %add3A_964, %iota3A : vector<16xi32>
      %add3A_966 = arith.constant 450 : i32
      %add3A_967 = vector.broadcast %add3A_966 : i32 to vector<16xi32>
      %add3A_968 = arith.addi %add3A_967, %add3A_965 : vector<16xi32>
      %lt3A_969 = arith.constant 50 : i32
      %lt3A_970 = vector.broadcast %lt3A_969 : i32 to vector<16xi32>
      %lt3A_971 = arith.cmpi slt, %add3A_965, %lt3A_970 : vector<16xi32>
      %add3A_972 = arith.constant 16 : i32
      %add3A_973 = vector.broadcast %add3A_972 : i32 to vector<16xi32>
      %add3A_974 = arith.addi %add3A_973, %iota3A : vector<16xi32>
      %add3A_975 = arith.constant 450 : i32
      %add3A_976 = vector.broadcast %add3A_975 : i32 to vector<16xi32>
      %add3A_977 = arith.addi %add3A_976, %add3A_974 : vector<16xi32>
      %lt3A_978 = arith.constant 50 : i32
      %lt3A_979 = vector.broadcast %lt3A_978 : i32 to vector<16xi32>
      %lt3A_980 = arith.cmpi slt, %add3A_974, %lt3A_979 : vector<16xi32>
      %add3A_981 = arith.constant 32 : i32
      %add3A_982 = vector.broadcast %add3A_981 : i32 to vector<16xi32>
      %add3A_983 = arith.addi %add3A_982, %iota3A : vector<16xi32>
      %add3A_984 = arith.constant 450 : i32
      %add3A_985 = vector.broadcast %add3A_984 : i32 to vector<16xi32>
      %add3A_986 = arith.addi %add3A_985, %add3A_983 : vector<16xi32>
      %lt3A_987 = arith.constant 50 : i32
      %lt3A_988 = vector.broadcast %lt3A_987 : i32 to vector<16xi32>
      %lt3A_989 = arith.cmpi slt, %add3A_983, %lt3A_988 : vector<16xi32>
      %add3A_990 = arith.constant 48 : i32
      %add3A_991 = vector.broadcast %add3A_990 : i32 to vector<16xi32>
      %add3A_992 = arith.addi %add3A_991, %iota3A : vector<16xi32>
      %add3A_993 = arith.constant 450 : i32
      %add3A_994 = vector.broadcast %add3A_993 : i32 to vector<16xi32>
      %add3A_995 = arith.addi %add3A_994, %add3A_992 : vector<16xi32>
      %lt3A_996 = arith.constant 50 : i32
      %lt3A_997 = vector.broadcast %lt3A_996 : i32 to vector<16xi32>
      %lt3A_998 = arith.cmpi slt, %add3A_992, %lt3A_997 : vector<16xi32>
      %broadcast_in_dim3A_999 = arith.constant 9 : i32
      %broadcast_in_dim3A_1000 = vector.broadcast %broadcast_in_dim3A_999 : i32 to vector<16xi32>
      %broadcast_in_dim3A_1001 = arith.constant 0.000000e+00 : f32
      %broadcast_in_dim3A_1002 = vector.broadcast %broadcast_in_dim3A_1001 : f32 to vector<16xf32>
      %scan3A_1003 = arith.constant 0 : i32
      %scan3A_1004 = arith.constant 64 : i32
      %scan3A_1005 = arith.addi %scan3A_1003, %scan3A_1004 : i32
      %scan3A_1006 = arith.constant 1 : i32
      %scan3A_1007:4 = scf.for %scan3A_1461 = %scan3A_1003 to %scan3A_1005 step %scan3A_1006 iter_args(%scan3A_1462 = %broadcast_in_dim3A_1002, %scan3A_1463 = %broadcast_in_dim3A_1002, %scan3A_1464 = %broadcast_in_dim3A_1002, %scan3A_1465 = %broadcast_in_dim3A_1002) -> (vector<16xf32>, vector<16xf32>, vector<16xf32>, vector<16xf32>)  : i32 {
        %broadcast_in_dim3A_1466 = vector.broadcast %scan3A_1461 : i32 to vector<16xi32>
        %gather3A = tpu.vector_load_idx %arg9[%broadcast_in_dim3A_1000, %broadcast_in_dim3A_1466] : memref<16x64xf32, #tpu.memory_space<vmem>>[vector<16xi32>, vector<16xi32>], vector<16xf32>,
        %gather3A_1467 = tpu.vector_load_idx %arg10[%add3A_968, %broadcast_in_dim3A_1466] masked %lt3A_971 : memref<800x64xf32, #tpu.memory_space<vmem>>[vector<16xi32>, vector<16xi32>], vector<16xf32>, vector<16xi1>
        %mul3A_1468 = arith.mulf %gather3A, %gather3A_1467 : vector<16xf32>
        %add3A_1469 = arith.addf %scan3A_1462, %mul3A_1468 : vector<16xf32>
        %gather3A_1470 = tpu.vector_load_idx %arg10[%add3A_977, %broadcast_in_dim3A_1466] masked %lt3A_980 : memref<800x64xf32, #tpu.memory_space<vmem>>[vector<16xi32>, vector<16xi32>], vector<16xf32>, vector<16xi1>
        %mul3A_1471 = arith.mulf %gather3A, %gather3A_1470 : vector<16xf32>
        %add3A_1472 = arith.addf %scan3A_1463, %mul3A_1471 : vector<16xf32>
        %gather3A_1473 = tpu.vector_load_idx %arg10[%add3A_986, %broadcast_in_dim3A_1466] masked %lt3A_989 : memref<800x64xf32, #tpu.memory_space<vmem>>[vector<16xi32>, vector<16xi32>], vector<16xf32>, vector<16xi1>
        %mul3A_1474 = arith.mulf %gather3A, %gather3A_1473 : vector<16xf32>
        %add3A_1475 = arith.addf %scan3A_1464, %mul3A_1474 : vector<16xf32>
        %gather3A_1476 = tpu.vector_load_idx %arg10[%add3A_995, %broadcast_in_dim3A_1466] masked %lt3A_998 : memref<800x64xf32, #tpu.memory_space<vmem>>[vector<16xi32>, vector<16xi32>], vector<16xf32>, vector<16xi1>
        %mul3A_1477 = arith.mulf %gather3A, %gather3A_1476 : vector<16xf32>
        %add3A_1478 = arith.addf %scan3A_1465, %mul3A_1477 : vector<16xf32>
        scf.yield %add3A_1469, %add3A_1472, %add3A_1475, %add3A_1478 : vector<16xf32>, vector<16xf32>, vector<16xf32>, vector<16xf32>
      }
      %scan3A_1008 = arith.constant 64 : i32
      %add3A_1009 = arith.constant 0 : i32
      %add3A_1010 = vector.broadcast %add3A_1009 : i32 to vector<16xi32>
      %add3A_1011 = arith.addi %add3A_1010, %iota3A : vector<16xi32>
      %add3A_1012 = arith.constant 450 : i32
      %add3A_1013 = vector.broadcast %add3A_1012 : i32 to vector<16xi32>
      %add3A_1014 = arith.addi %add3A_1013, %add3A_1011 : vector<16xi32>
      tpu.vector_store_idx %arg11[%add3A_1014], %scan3A_1007#0 masked %lt3A_971 : memref<800xf32, #tpu.memory_space<vmem>>[vector<16xi32>], vector<16xf32>, vector<16xi1>
      %add3A_1015 = arith.constant 16 : i32
      %add3A_1016 = vector.broadcast %add3A_1015 : i32 to vector<16xi32>
      %add3A_1017 = arith.addi %add3A_1016, %iota3A : vector<16xi32>
      %add3A_1018 = arith.constant 450 : i32
      %add3A_1019 = vector.broadcast %add3A_1018 : i32 to vector<16xi32>
      %add3A_1020 = arith.addi %add3A_1019, %add3A_1017 : vector<16xi32>
      tpu.vector_store_idx %arg11[%add3A_1020], %scan3A_1007#1 masked %lt3A_980 : memref<800xf32, #tpu.memory_space<vmem>>[vector<16xi32>], vector<16xf32>, vector<16xi1>
      %add3A_1021 = arith.constant 32 : i32
      %add3A_1022 = vector.broadcast %add3A_1021 : i32 to vector<16xi32>
      %add3A_1023 = arith.addi %add3A_1022, %iota3A : vector<16xi32>
      %add3A_1024 = arith.constant 450 : i32
      %add3A_1025 = vector.broadcast %add3A_1024 : i32 to vector<16xi32>
      %add3A_1026 = arith.addi %add3A_1025, %add3A_1023 : vector<16xi32>
      tpu.vector_store_idx %arg11[%add3A_1026], %scan3A_1007#2 masked %lt3A_989 : memref<800xf32, #tpu.memory_space<vmem>>[vector<16xi32>], vector<16xf32>, vector<16xi1>
      %add3A_1027 = arith.constant 48 : i32
      %add3A_1028 = vector.broadcast %add3A_1027 : i32 to vector<16xi32>
      %add3A_1029 = arith.addi %add3A_1028, %iota3A : vector<16xi32>
      %add3A_1030 = arith.constant 450 : i32
      %add3A_1031 = vector.broadcast %add3A_1030 : i32 to vector<16xi32>
      %add3A_1032 = arith.addi %add3A_1031, %add3A_1029 : vector<16xi32>
      tpu.vector_store_idx %arg11[%add3A_1032], %scan3A_1007#3 masked %lt3A_998 : memref<800xf32, #tpu.memory_space<vmem>>[vector<16xi32>], vector<16xf32>, vector<16xi1>
      %add3A_1033 = arith.constant 0 : i32
      %add3A_1034 = vector.broadcast %add3A_1033 : i32 to vector<16xi32>
      %add3A_1035 = arith.addi %add3A_1034, %iota3A : vector<16xi32>
      %add3A_1036 = arith.constant 500 : i32
      %add3A_1037 = vector.broadcast %add3A_1036 : i32 to vector<16xi32>
      %add3A_1038 = arith.addi %add3A_1037, %add3A_1035 : vector<16xi32>
      %lt3A_1039 = arith.constant 50 : i32
      %lt3A_1040 = vector.broadcast %lt3A_1039 : i32 to vector<16xi32>
      %lt3A_1041 = arith.cmpi slt, %add3A_1035, %lt3A_1040 : vector<16xi32>
      %add3A_1042 = arith.constant 16 : i32
      %add3A_1043 = vector.broadcast %add3A_1042 : i32 to vector<16xi32>
      %add3A_1044 = arith.addi %add3A_1043, %iota3A : vector<16xi32>
      %add3A_1045 = arith.constant 500 : i32
      %add3A_1046 = vector.broadcast %add3A_1045 : i32 to vector<16xi32>
      %add3A_1047 = arith.addi %add3A_1046, %add3A_1044 : vector<16xi32>
      %lt3A_1048 = arith.constant 50 : i32
      %lt3A_1049 = vector.broadcast %lt3A_1048 : i32 to vector<16xi32>
      %lt3A_1050 = arith.cmpi slt, %add3A_1044, %lt3A_1049 : vector<16xi32>
      %add3A_1051 = arith.constant 32 : i32
      %add3A_1052 = vector.broadcast %add3A_1051 : i32 to vector<16xi32>
      %add3A_1053 = arith.addi %add3A_1052, %iota3A : vector<16xi32>
      %add3A_1054 = arith.constant 500 : i32
      %add3A_1055 = vector.broadcast %add3A_1054 : i32 to vector<16xi32>
      %add3A_1056 = arith.addi %add3A_1055, %add3A_1053 : vector<16xi32>
      %lt3A_1057 = arith.constant 50 : i32
      %lt3A_1058 = vector.broadcast %lt3A_1057 : i32 to vector<16xi32>
      %lt3A_1059 = arith.cmpi slt, %add3A_1053, %lt3A_1058 : vector<16xi32>
      %add3A_1060 = arith.constant 48 : i32
      %add3A_1061 = vector.broadcast %add3A_1060 : i32 to vector<16xi32>
      %add3A_1062 = arith.addi %add3A_1061, %iota3A : vector<16xi32>
      %add3A_1063 = arith.constant 500 : i32
      %add3A_1064 = vector.broadcast %add3A_1063 : i32 to vector<16xi32>
      %add3A_1065 = arith.addi %add3A_1064, %add3A_1062 : vector<16xi32>
      %lt3A_1066 = arith.constant 50 : i32
      %lt3A_1067 = vector.broadcast %lt3A_1066 : i32 to vector<16xi32>
      %lt3A_1068 = arith.cmpi slt, %add3A_1062, %lt3A_1067 : vector<16xi32>
      %broadcast_in_dim3A_1069 = arith.constant 10 : i32
      %broadcast_in_dim3A_1070 = vector.broadcast %broadcast_in_dim3A_1069 : i32 to vector<16xi32>
      %broadcast_in_dim3A_1071 = arith.constant 0.000000e+00 : f32
      %broadcast_in_dim3A_1072 = vector.broadcast %broadcast_in_dim3A_1071 : f32 to vector<16xf32>
      %scan3A_1073 = arith.constant 0 : i32
      %scan3A_1074 = arith.constant 64 : i32
      %scan3A_1075 = arith.addi %scan3A_1073, %scan3A_1074 : i32
      %scan3A_1076 = arith.constant 1 : i32
      %scan3A_1077:4 = scf.for %scan3A_1461 = %scan3A_1073 to %scan3A_1075 step %scan3A_1076 iter_args(%scan3A_1462 = %broadcast_in_dim3A_1072, %scan3A_1463 = %broadcast_in_dim3A_1072, %scan3A_1464 = %broadcast_in_dim3A_1072, %scan3A_1465 = %broadcast_in_dim3A_1072) -> (vector<16xf32>, vector<16xf32>, vector<16xf32>, vector<16xf32>)  : i32 {
        %broadcast_in_dim3A_1466 = vector.broadcast %scan3A_1461 : i32 to vector<16xi32>
        %gather3A = tpu.vector_load_idx %arg9[%broadcast_in_dim3A_1070, %broadcast_in_dim3A_1466] : memref<16x64xf32, #tpu.memory_space<vmem>>[vector<16xi32>, vector<16xi32>], vector<16xf32>,
        %gather3A_1467 = tpu.vector_load_idx %arg10[%add3A_1038, %broadcast_in_dim3A_1466] masked %lt3A_1041 : memref<800x64xf32, #tpu.memory_space<vmem>>[vector<16xi32>, vector<16xi32>], vector<16xf32>, vector<16xi1>
        %mul3A_1468 = arith.mulf %gather3A, %gather3A_1467 : vector<16xf32>
        %add3A_1469 = arith.addf %scan3A_1462, %mul3A_1468 : vector<16xf32>
        %gather3A_1470 = tpu.vector_load_idx %arg10[%add3A_1047, %broadcast_in_dim3A_1466] masked %lt3A_1050 : memref<800x64xf32, #tpu.memory_space<vmem>>[vector<16xi32>, vector<16xi32>], vector<16xf32>, vector<16xi1>
        %mul3A_1471 = arith.mulf %gather3A, %gather3A_1470 : vector<16xf32>
        %add3A_1472 = arith.addf %scan3A_1463, %mul3A_1471 : vector<16xf32>
        %gather3A_1473 = tpu.vector_load_idx %arg10[%add3A_1056, %broadcast_in_dim3A_1466] masked %lt3A_1059 : memref<800x64xf32, #tpu.memory_space<vmem>>[vector<16xi32>, vector<16xi32>], vector<16xf32>, vector<16xi1>
        %mul3A_1474 = arith.mulf %gather3A, %gather3A_1473 : vector<16xf32>
        %add3A_1475 = arith.addf %scan3A_1464, %mul3A_1474 : vector<16xf32>
        %gather3A_1476 = tpu.vector_load_idx %arg10[%add3A_1065, %broadcast_in_dim3A_1466] masked %lt3A_1068 : memref<800x64xf32, #tpu.memory_space<vmem>>[vector<16xi32>, vector<16xi32>], vector<16xf32>, vector<16xi1>
        %mul3A_1477 = arith.mulf %gather3A, %gather3A_1476 : vector<16xf32>
        %add3A_1478 = arith.addf %scan3A_1465, %mul3A_1477 : vector<16xf32>
        scf.yield %add3A_1469, %add3A_1472, %add3A_1475, %add3A_1478 : vector<16xf32>, vector<16xf32>, vector<16xf32>, vector<16xf32>
      }
      %scan3A_1078 = arith.constant 64 : i32
      %add3A_1079 = arith.constant 0 : i32
      %add3A_1080 = vector.broadcast %add3A_1079 : i32 to vector<16xi32>
      %add3A_1081 = arith.addi %add3A_1080, %iota3A : vector<16xi32>
      %add3A_1082 = arith.constant 500 : i32
      %add3A_1083 = vector.broadcast %add3A_1082 : i32 to vector<16xi32>
      %add3A_1084 = arith.addi %add3A_1083, %add3A_1081 : vector<16xi32>
      tpu.vector_store_idx %arg11[%add3A_1084], %scan3A_1077#0 masked %lt3A_1041 : memref<800xf32, #tpu.memory_space<vmem>>[vector<16xi32>], vector<16xf32>, vector<16xi1>
      %add3A_1085 = arith.constant 16 : i32
      %add3A_1086 = vector.broadcast %add3A_1085 : i32 to vector<16xi32>
      %add3A_1087 = arith.addi %add3A_1086, %iota3A : vector<16xi32>
      %add3A_1088 = arith.constant 500 : i32
      %add3A_1089 = vector.broadcast %add3A_1088 : i32 to vector<16xi32>
      %add3A_1090 = arith.addi %add3A_1089, %add3A_1087 : vector<16xi32>
      tpu.vector_store_idx %arg11[%add3A_1090], %scan3A_1077#1 masked %lt3A_1050 : memref<800xf32, #tpu.memory_space<vmem>>[vector<16xi32>], vector<16xf32>, vector<16xi1>
      %add3A_1091 = arith.constant 32 : i32
      %add3A_1092 = vector.broadcast %add3A_1091 : i32 to vector<16xi32>
      %add3A_1093 = arith.addi %add3A_1092, %iota3A : vector<16xi32>
      %add3A_1094 = arith.constant 500 : i32
      %add3A_1095 = vector.broadcast %add3A_1094 : i32 to vector<16xi32>
      %add3A_1096 = arith.addi %add3A_1095, %add3A_1093 : vector<16xi32>
      tpu.vector_store_idx %arg11[%add3A_1096], %scan3A_1077#2 masked %lt3A_1059 : memref<800xf32, #tpu.memory_space<vmem>>[vector<16xi32>], vector<16xf32>, vector<16xi1>
      %add3A_1097 = arith.constant 48 : i32
      %add3A_1098 = vector.broadcast %add3A_1097 : i32 to vector<16xi32>
      %add3A_1099 = arith.addi %add3A_1098, %iota3A : vector<16xi32>
      %add3A_1100 = arith.constant 500 : i32
      %add3A_1101 = vector.broadcast %add3A_1100 : i32 to vector<16xi32>
      %add3A_1102 = arith.addi %add3A_1101, %add3A_1099 : vector<16xi32>
      tpu.vector_store_idx %arg11[%add3A_1102], %scan3A_1077#3 masked %lt3A_1068 : memref<800xf32, #tpu.memory_space<vmem>>[vector<16xi32>], vector<16xf32>, vector<16xi1>
      %add3A_1103 = arith.constant 0 : i32
      %add3A_1104 = vector.broadcast %add3A_1103 : i32 to vector<16xi32>
      %add3A_1105 = arith.addi %add3A_1104, %iota3A : vector<16xi32>
      %add3A_1106 = arith.constant 550 : i32
      %add3A_1107 = vector.broadcast %add3A_1106 : i32 to vector<16xi32>
      %add3A_1108 = arith.addi %add3A_1107, %add3A_1105 : vector<16xi32>
      %lt3A_1109 = arith.constant 50 : i32
      %lt3A_1110 = vector.broadcast %lt3A_1109 : i32 to vector<16xi32>
      %lt3A_1111 = arith.cmpi slt, %add3A_1105, %lt3A_1110 : vector<16xi32>
      %add3A_1112 = arith.constant 16 : i32
      %add3A_1113 = vector.broadcast %add3A_1112 : i32 to vector<16xi32>
      %add3A_1114 = arith.addi %add3A_1113, %iota3A : vector<16xi32>
      %add3A_1115 = arith.constant 550 : i32
      %add3A_1116 = vector.broadcast %add3A_1115 : i32 to vector<16xi32>
      %add3A_1117 = arith.addi %add3A_1116, %add3A_1114 : vector<16xi32>
      %lt3A_1118 = arith.constant 50 : i32
      %lt3A_1119 = vector.broadcast %lt3A_1118 : i32 to vector<16xi32>
      %lt3A_1120 = arith.cmpi slt, %add3A_1114, %lt3A_1119 : vector<16xi32>
      %add3A_1121 = arith.constant 32 : i32
      %add3A_1122 = vector.broadcast %add3A_1121 : i32 to vector<16xi32>
      %add3A_1123 = arith.addi %add3A_1122, %iota3A : vector<16xi32>
      %add3A_1124 = arith.constant 550 : i32
      %add3A_1125 = vector.broadcast %add3A_1124 : i32 to vector<16xi32>
      %add3A_1126 = arith.addi %add3A_1125, %add3A_1123 : vector<16xi32>
      %lt3A_1127 = arith.constant 50 : i32
      %lt3A_1128 = vector.broadcast %lt3A_1127 : i32 to vector<16xi32>
      %lt3A_1129 = arith.cmpi slt, %add3A_1123, %lt3A_1128 : vector<16xi32>
      %add3A_1130 = arith.constant 48 : i32
      %add3A_1131 = vector.broadcast %add3A_1130 : i32 to vector<16xi32>
      %add3A_1132 = arith.addi %add3A_1131, %iota3A : vector<16xi32>
      %add3A_1133 = arith.constant 550 : i32
      %add3A_1134 = vector.broadcast %add3A_1133 : i32 to vector<16xi32>
      %add3A_1135 = arith.addi %add3A_1134, %add3A_1132 : vector<16xi32>
      %lt3A_1136 = arith.constant 50 : i32
      %lt3A_1137 = vector.broadcast %lt3A_1136 : i32 to vector<16xi32>
      %lt3A_1138 = arith.cmpi slt, %add3A_1132, %lt3A_1137 : vector<16xi32>
      %broadcast_in_dim3A_1139 = arith.constant 11 : i32
      %broadcast_in_dim3A_1140 = vector.broadcast %broadcast_in_dim3A_1139 : i32 to vector<16xi32>
      %broadcast_in_dim3A_1141 = arith.constant 0.000000e+00 : f32
      %broadcast_in_dim3A_1142 = vector.broadcast %broadcast_in_dim3A_1141 : f32 to vector<16xf32>
      %scan3A_1143 = arith.constant 0 : i32
      %scan3A_1144 = arith.constant 64 : i32
      %scan3A_1145 = arith.addi %scan3A_1143, %scan3A_1144 : i32
      %scan3A_1146 = arith.constant 1 : i32
      %scan3A_1147:4 = scf.for %scan3A_1461 = %scan3A_1143 to %scan3A_1145 step %scan3A_1146 iter_args(%scan3A_1462 = %broadcast_in_dim3A_1142, %scan3A_1463 = %broadcast_in_dim3A_1142, %scan3A_1464 = %broadcast_in_dim3A_1142, %scan3A_1465 = %broadcast_in_dim3A_1142) -> (vector<16xf32>, vector<16xf32>, vector<16xf32>, vector<16xf32>)  : i32 {
        %broadcast_in_dim3A_1466 = vector.broadcast %scan3A_1461 : i32 to vector<16xi32>
        %gather3A = tpu.vector_load_idx %arg9[%broadcast_in_dim3A_1140, %broadcast_in_dim3A_1466] : memref<16x64xf32, #tpu.memory_space<vmem>>[vector<16xi32>, vector<16xi32>], vector<16xf32>,
        %gather3A_1467 = tpu.vector_load_idx %arg10[%add3A_1108, %broadcast_in_dim3A_1466] masked %lt3A_1111 : memref<800x64xf32, #tpu.memory_space<vmem>>[vector<16xi32>, vector<16xi32>], vector<16xf32>, vector<16xi1>
        %mul3A_1468 = arith.mulf %gather3A, %gather3A_1467 : vector<16xf32>
        %add3A_1469 = arith.addf %scan3A_1462, %mul3A_1468 : vector<16xf32>
        %gather3A_1470 = tpu.vector_load_idx %arg10[%add3A_1117, %broadcast_in_dim3A_1466] masked %lt3A_1120 : memref<800x64xf32, #tpu.memory_space<vmem>>[vector<16xi32>, vector<16xi32>], vector<16xf32>, vector<16xi1>
        %mul3A_1471 = arith.mulf %gather3A, %gather3A_1470 : vector<16xf32>
        %add3A_1472 = arith.addf %scan3A_1463, %mul3A_1471 : vector<16xf32>
        %gather3A_1473 = tpu.vector_load_idx %arg10[%add3A_1126, %broadcast_in_dim3A_1466] masked %lt3A_1129 : memref<800x64xf32, #tpu.memory_space<vmem>>[vector<16xi32>, vector<16xi32>], vector<16xf32>, vector<16xi1>
        %mul3A_1474 = arith.mulf %gather3A, %gather3A_1473 : vector<16xf32>
        %add3A_1475 = arith.addf %scan3A_1464, %mul3A_1474 : vector<16xf32>
        %gather3A_1476 = tpu.vector_load_idx %arg10[%add3A_1135, %broadcast_in_dim3A_1466] masked %lt3A_1138 : memref<800x64xf32, #tpu.memory_space<vmem>>[vector<16xi32>, vector<16xi32>], vector<16xf32>, vector<16xi1>
        %mul3A_1477 = arith.mulf %gather3A, %gather3A_1476 : vector<16xf32>
        %add3A_1478 = arith.addf %scan3A_1465, %mul3A_1477 : vector<16xf32>
        scf.yield %add3A_1469, %add3A_1472, %add3A_1475, %add3A_1478 : vector<16xf32>, vector<16xf32>, vector<16xf32>, vector<16xf32>
      }
      %scan3A_1148 = arith.constant 64 : i32
      %add3A_1149 = arith.constant 0 : i32
      %add3A_1150 = vector.broadcast %add3A_1149 : i32 to vector<16xi32>
      %add3A_1151 = arith.addi %add3A_1150, %iota3A : vector<16xi32>
      %add3A_1152 = arith.constant 550 : i32
      %add3A_1153 = vector.broadcast %add3A_1152 : i32 to vector<16xi32>
      %add3A_1154 = arith.addi %add3A_1153, %add3A_1151 : vector<16xi32>
      tpu.vector_store_idx %arg11[%add3A_1154], %scan3A_1147#0 masked %lt3A_1111 : memref<800xf32, #tpu.memory_space<vmem>>[vector<16xi32>], vector<16xf32>, vector<16xi1>
      %add3A_1155 = arith.constant 16 : i32
      %add3A_1156 = vector.broadcast %add3A_1155 : i32 to vector<16xi32>
      %add3A_1157 = arith.addi %add3A_1156, %iota3A : vector<16xi32>
      %add3A_1158 = arith.constant 550 : i32
      %add3A_1159 = vector.broadcast %add3A_1158 : i32 to vector<16xi32>
      %add3A_1160 = arith.addi %add3A_1159, %add3A_1157 : vector<16xi32>
      tpu.vector_store_idx %arg11[%add3A_1160], %scan3A_1147#1 masked %lt3A_1120 : memref<800xf32, #tpu.memory_space<vmem>>[vector<16xi32>], vector<16xf32>, vector<16xi1>
      %add3A_1161 = arith.constant 32 : i32
      %add3A_1162 = vector.broadcast %add3A_1161 : i32 to vector<16xi32>
      %add3A_1163 = arith.addi %add3A_1162, %iota3A : vector<16xi32>
      %add3A_1164 = arith.constant 550 : i32
      %add3A_1165 = vector.broadcast %add3A_1164 : i32 to vector<16xi32>
      %add3A_1166 = arith.addi %add3A_1165, %add3A_1163 : vector<16xi32>
      tpu.vector_store_idx %arg11[%add3A_1166], %scan3A_1147#2 masked %lt3A_1129 : memref<800xf32, #tpu.memory_space<vmem>>[vector<16xi32>], vector<16xf32>, vector<16xi1>
      %add3A_1167 = arith.constant 48 : i32
      %add3A_1168 = vector.broadcast %add3A_1167 : i32 to vector<16xi32>
      %add3A_1169 = arith.addi %add3A_1168, %iota3A : vector<16xi32>
      %add3A_1170 = arith.constant 550 : i32
      %add3A_1171 = vector.broadcast %add3A_1170 : i32 to vector<16xi32>
      %add3A_1172 = arith.addi %add3A_1171, %add3A_1169 : vector<16xi32>
      tpu.vector_store_idx %arg11[%add3A_1172], %scan3A_1147#3 masked %lt3A_1138 : memref<800xf32, #tpu.memory_space<vmem>>[vector<16xi32>], vector<16xf32>, vector<16xi1>
      %add3A_1173 = arith.constant 0 : i32
      %add3A_1174 = vector.broadcast %add3A_1173 : i32 to vector<16xi32>
      %add3A_1175 = arith.addi %add3A_1174, %iota3A : vector<16xi32>
      %add3A_1176 = arith.constant 600 : i32
      %add3A_1177 = vector.broadcast %add3A_1176 : i32 to vector<16xi32>
      %add3A_1178 = arith.addi %add3A_1177, %add3A_1175 : vector<16xi32>
      %lt3A_1179 = arith.constant 50 : i32
      %lt3A_1180 = vector.broadcast %lt3A_1179 : i32 to vector<16xi32>
      %lt3A_1181 = arith.cmpi slt, %add3A_1175, %lt3A_1180 : vector<16xi32>
      %add3A_1182 = arith.constant 16 : i32
      %add3A_1183 = vector.broadcast %add3A_1182 : i32 to vector<16xi32>
      %add3A_1184 = arith.addi %add3A_1183, %iota3A : vector<16xi32>
      %add3A_1185 = arith.constant 600 : i32
      %add3A_1186 = vector.broadcast %add3A_1185 : i32 to vector<16xi32>
      %add3A_1187 = arith.addi %add3A_1186, %add3A_1184 : vector<16xi32>
      %lt3A_1188 = arith.constant 50 : i32
      %lt3A_1189 = vector.broadcast %lt3A_1188 : i32 to vector<16xi32>
      %lt3A_1190 = arith.cmpi slt, %add3A_1184, %lt3A_1189 : vector<16xi32>
      %add3A_1191 = arith.constant 32 : i32
      %add3A_1192 = vector.broadcast %add3A_1191 : i32 to vector<16xi32>
      %add3A_1193 = arith.addi %add3A_1192, %iota3A : vector<16xi32>
      %add3A_1194 = arith.constant 600 : i32
      %add3A_1195 = vector.broadcast %add3A_1194 : i32 to vector<16xi32>
      %add3A_1196 = arith.addi %add3A_1195, %add3A_1193 : vector<16xi32>
      %lt3A_1197 = arith.constant 50 : i32
      %lt3A_1198 = vector.broadcast %lt3A_1197 : i32 to vector<16xi32>
      %lt3A_1199 = arith.cmpi slt, %add3A_1193, %lt3A_1198 : vector<16xi32>
      %add3A_1200 = arith.constant 48 : i32
      %add3A_1201 = vector.broadcast %add3A_1200 : i32 to vector<16xi32>
      %add3A_1202 = arith.addi %add3A_1201, %iota3A : vector<16xi32>
      %add3A_1203 = arith.constant 600 : i32
      %add3A_1204 = vector.broadcast %add3A_1203 : i32 to vector<16xi32>
      %add3A_1205 = arith.addi %add3A_1204, %add3A_1202 : vector<16xi32>
      %lt3A_1206 = arith.constant 50 : i32
      %lt3A_1207 = vector.broadcast %lt3A_1206 : i32 to vector<16xi32>
      %lt3A_1208 = arith.cmpi slt, %add3A_1202, %lt3A_1207 : vector<16xi32>
      %broadcast_in_dim3A_1209 = arith.constant 12 : i32
      %broadcast_in_dim3A_1210 = vector.broadcast %broadcast_in_dim3A_1209 : i32 to vector<16xi32>
      %broadcast_in_dim3A_1211 = arith.constant 0.000000e+00 : f32
      %broadcast_in_dim3A_1212 = vector.broadcast %broadcast_in_dim3A_1211 : f32 to vector<16xf32>
      %scan3A_1213 = arith.constant 0 : i32
      %scan3A_1214 = arith.constant 64 : i32
      %scan3A_1215 = arith.addi %scan3A_1213, %scan3A_1214 : i32
      %scan3A_1216 = arith.constant 1 : i32
      %scan3A_1217:4 = scf.for %scan3A_1461 = %scan3A_1213 to %scan3A_1215 step %scan3A_1216 iter_args(%scan3A_1462 = %broadcast_in_dim3A_1212, %scan3A_1463 = %broadcast_in_dim3A_1212, %scan3A_1464 = %broadcast_in_dim3A_1212, %scan3A_1465 = %broadcast_in_dim3A_1212) -> (vector<16xf32>, vector<16xf32>, vector<16xf32>, vector<16xf32>)  : i32 {
        %broadcast_in_dim3A_1466 = vector.broadcast %scan3A_1461 : i32 to vector<16xi32>
        %gather3A = tpu.vector_load_idx %arg9[%broadcast_in_dim3A_1210, %broadcast_in_dim3A_1466] : memref<16x64xf32, #tpu.memory_space<vmem>>[vector<16xi32>, vector<16xi32>], vector<16xf32>,
        %gather3A_1467 = tpu.vector_load_idx %arg10[%add3A_1178, %broadcast_in_dim3A_1466] masked %lt3A_1181 : memref<800x64xf32, #tpu.memory_space<vmem>>[vector<16xi32>, vector<16xi32>], vector<16xf32>, vector<16xi1>
        %mul3A_1468 = arith.mulf %gather3A, %gather3A_1467 : vector<16xf32>
        %add3A_1469 = arith.addf %scan3A_1462, %mul3A_1468 : vector<16xf32>
        %gather3A_1470 = tpu.vector_load_idx %arg10[%add3A_1187, %broadcast_in_dim3A_1466] masked %lt3A_1190 : memref<800x64xf32, #tpu.memory_space<vmem>>[vector<16xi32>, vector<16xi32>], vector<16xf32>, vector<16xi1>
        %mul3A_1471 = arith.mulf %gather3A, %gather3A_1470 : vector<16xf32>
        %add3A_1472 = arith.addf %scan3A_1463, %mul3A_1471 : vector<16xf32>
        %gather3A_1473 = tpu.vector_load_idx %arg10[%add3A_1196, %broadcast_in_dim3A_1466] masked %lt3A_1199 : memref<800x64xf32, #tpu.memory_space<vmem>>[vector<16xi32>, vector<16xi32>], vector<16xf32>, vector<16xi1>
        %mul3A_1474 = arith.mulf %gather3A, %gather3A_1473 : vector<16xf32>
        %add3A_1475 = arith.addf %scan3A_1464, %mul3A_1474 : vector<16xf32>
        %gather3A_1476 = tpu.vector_load_idx %arg10[%add3A_1205, %broadcast_in_dim3A_1466] masked %lt3A_1208 : memref<800x64xf32, #tpu.memory_space<vmem>>[vector<16xi32>, vector<16xi32>], vector<16xf32>, vector<16xi1>
        %mul3A_1477 = arith.mulf %gather3A, %gather3A_1476 : vector<16xf32>
        %add3A_1478 = arith.addf %scan3A_1465, %mul3A_1477 : vector<16xf32>
        scf.yield %add3A_1469, %add3A_1472, %add3A_1475, %add3A_1478 : vector<16xf32>, vector<16xf32>, vector<16xf32>, vector<16xf32>
      }
      %scan3A_1218 = arith.constant 64 : i32
      %add3A_1219 = arith.constant 0 : i32
      %add3A_1220 = vector.broadcast %add3A_1219 : i32 to vector<16xi32>
      %add3A_1221 = arith.addi %add3A_1220, %iota3A : vector<16xi32>
      %add3A_1222 = arith.constant 600 : i32
      %add3A_1223 = vector.broadcast %add3A_1222 : i32 to vector<16xi32>
      %add3A_1224 = arith.addi %add3A_1223, %add3A_1221 : vector<16xi32>
      tpu.vector_store_idx %arg11[%add3A_1224], %scan3A_1217#0 masked %lt3A_1181 : memref<800xf32, #tpu.memory_space<vmem>>[vector<16xi32>], vector<16xf32>, vector<16xi1>
      %add3A_1225 = arith.constant 16 : i32
      %add3A_1226 = vector.broadcast %add3A_1225 : i32 to vector<16xi32>
      %add3A_1227 = arith.addi %add3A_1226, %iota3A : vector<16xi32>
      %add3A_1228 = arith.constant 600 : i32
      %add3A_1229 = vector.broadcast %add3A_1228 : i32 to vector<16xi32>
      %add3A_1230 = arith.addi %add3A_1229, %add3A_1227 : vector<16xi32>
      tpu.vector_store_idx %arg11[%add3A_1230], %scan3A_1217#1 masked %lt3A_1190 : memref<800xf32, #tpu.memory_space<vmem>>[vector<16xi32>], vector<16xf32>, vector<16xi1>
      %add3A_1231 = arith.constant 32 : i32
      %add3A_1232 = vector.broadcast %add3A_1231 : i32 to vector<16xi32>
      %add3A_1233 = arith.addi %add3A_1232, %iota3A : vector<16xi32>
      %add3A_1234 = arith.constant 600 : i32
      %add3A_1235 = vector.broadcast %add3A_1234 : i32 to vector<16xi32>
      %add3A_1236 = arith.addi %add3A_1235, %add3A_1233 : vector<16xi32>
      tpu.vector_store_idx %arg11[%add3A_1236], %scan3A_1217#2 masked %lt3A_1199 : memref<800xf32, #tpu.memory_space<vmem>>[vector<16xi32>], vector<16xf32>, vector<16xi1>
      %add3A_1237 = arith.constant 48 : i32
      %add3A_1238 = vector.broadcast %add3A_1237 : i32 to vector<16xi32>
      %add3A_1239 = arith.addi %add3A_1238, %iota3A : vector<16xi32>
      %add3A_1240 = arith.constant 600 : i32
      %add3A_1241 = vector.broadcast %add3A_1240 : i32 to vector<16xi32>
      %add3A_1242 = arith.addi %add3A_1241, %add3A_1239 : vector<16xi32>
      tpu.vector_store_idx %arg11[%add3A_1242], %scan3A_1217#3 masked %lt3A_1208 : memref<800xf32, #tpu.memory_space<vmem>>[vector<16xi32>], vector<16xf32>, vector<16xi1>
      %add3A_1243 = arith.constant 0 : i32
      %add3A_1244 = vector.broadcast %add3A_1243 : i32 to vector<16xi32>
      %add3A_1245 = arith.addi %add3A_1244, %iota3A : vector<16xi32>
      %add3A_1246 = arith.constant 650 : i32
      %add3A_1247 = vector.broadcast %add3A_1246 : i32 to vector<16xi32>
      %add3A_1248 = arith.addi %add3A_1247, %add3A_1245 : vector<16xi32>
      %lt3A_1249 = arith.constant 50 : i32
      %lt3A_1250 = vector.broadcast %lt3A_1249 : i32 to vector<16xi32>
      %lt3A_1251 = arith.cmpi slt, %add3A_1245, %lt3A_1250 : vector<16xi32>
      %add3A_1252 = arith.constant 16 : i32
      %add3A_1253 = vector.broadcast %add3A_1252 : i32 to vector<16xi32>
      %add3A_1254 = arith.addi %add3A_1253, %iota3A : vector<16xi32>
      %add3A_1255 = arith.constant 650 : i32
      %add3A_1256 = vector.broadcast %add3A_1255 : i32 to vector<16xi32>
      %add3A_1257 = arith.addi %add3A_1256, %add3A_1254 : vector<16xi32>
      %lt3A_1258 = arith.constant 50 : i32
      %lt3A_1259 = vector.broadcast %lt3A_1258 : i32 to vector<16xi32>
      %lt3A_1260 = arith.cmpi slt, %add3A_1254, %lt3A_1259 : vector<16xi32>
      %add3A_1261 = arith.constant 32 : i32
      %add3A_1262 = vector.broadcast %add3A_1261 : i32 to vector<16xi32>
      %add3A_1263 = arith.addi %add3A_1262, %iota3A : vector<16xi32>
      %add3A_1264 = arith.constant 650 : i32
      %add3A_1265 = vector.broadcast %add3A_1264 : i32 to vector<16xi32>
      %add3A_1266 = arith.addi %add3A_1265, %add3A_1263 : vector<16xi32>
      %lt3A_1267 = arith.constant 50 : i32
      %lt3A_1268 = vector.broadcast %lt3A_1267 : i32 to vector<16xi32>
      %lt3A_1269 = arith.cmpi slt, %add3A_1263, %lt3A_1268 : vector<16xi32>
      %add3A_1270 = arith.constant 48 : i32
      %add3A_1271 = vector.broadcast %add3A_1270 : i32 to vector<16xi32>
      %add3A_1272 = arith.addi %add3A_1271, %iota3A : vector<16xi32>
      %add3A_1273 = arith.constant 650 : i32
      %add3A_1274 = vector.broadcast %add3A_1273 : i32 to vector<16xi32>
      %add3A_1275 = arith.addi %add3A_1274, %add3A_1272 : vector<16xi32>
      %lt3A_1276 = arith.constant 50 : i32
      %lt3A_1277 = vector.broadcast %lt3A_1276 : i32 to vector<16xi32>
      %lt3A_1278 = arith.cmpi slt, %add3A_1272, %lt3A_1277 : vector<16xi32>
      %broadcast_in_dim3A_1279 = arith.constant 13 : i32
      %broadcast_in_dim3A_1280 = vector.broadcast %broadcast_in_dim3A_1279 : i32 to vector<16xi32>
      %broadcast_in_dim3A_1281 = arith.constant 0.000000e+00 : f32
      %broadcast_in_dim3A_1282 = vector.broadcast %broadcast_in_dim3A_1281 : f32 to vector<16xf32>
      %scan3A_1283 = arith.constant 0 : i32
      %scan3A_1284 = arith.constant 64 : i32
      %scan3A_1285 = arith.addi %scan3A_1283, %scan3A_1284 : i32
      %scan3A_1286 = arith.constant 1 : i32
      %scan3A_1287:4 = scf.for %scan3A_1461 = %scan3A_1283 to %scan3A_1285 step %scan3A_1286 iter_args(%scan3A_1462 = %broadcast_in_dim3A_1282, %scan3A_1463 = %broadcast_in_dim3A_1282, %scan3A_1464 = %broadcast_in_dim3A_1282, %scan3A_1465 = %broadcast_in_dim3A_1282) -> (vector<16xf32>, vector<16xf32>, vector<16xf32>, vector<16xf32>)  : i32 {
        %broadcast_in_dim3A_1466 = vector.broadcast %scan3A_1461 : i32 to vector<16xi32>
        %gather3A = tpu.vector_load_idx %arg9[%broadcast_in_dim3A_1280, %broadcast_in_dim3A_1466] : memref<16x64xf32, #tpu.memory_space<vmem>>[vector<16xi32>, vector<16xi32>], vector<16xf32>,
        %gather3A_1467 = tpu.vector_load_idx %arg10[%add3A_1248, %broadcast_in_dim3A_1466] masked %lt3A_1251 : memref<800x64xf32, #tpu.memory_space<vmem>>[vector<16xi32>, vector<16xi32>], vector<16xf32>, vector<16xi1>
        %mul3A_1468 = arith.mulf %gather3A, %gather3A_1467 : vector<16xf32>
        %add3A_1469 = arith.addf %scan3A_1462, %mul3A_1468 : vector<16xf32>
        %gather3A_1470 = tpu.vector_load_idx %arg10[%add3A_1257, %broadcast_in_dim3A_1466] masked %lt3A_1260 : memref<800x64xf32, #tpu.memory_space<vmem>>[vector<16xi32>, vector<16xi32>], vector<16xf32>, vector<16xi1>
        %mul3A_1471 = arith.mulf %gather3A, %gather3A_1470 : vector<16xf32>
        %add3A_1472 = arith.addf %scan3A_1463, %mul3A_1471 : vector<16xf32>
        %gather3A_1473 = tpu.vector_load_idx %arg10[%add3A_1266, %broadcast_in_dim3A_1466] masked %lt3A_1269 : memref<800x64xf32, #tpu.memory_space<vmem>>[vector<16xi32>, vector<16xi32>], vector<16xf32>, vector<16xi1>
        %mul3A_1474 = arith.mulf %gather3A, %gather3A_1473 : vector<16xf32>
        %add3A_1475 = arith.addf %scan3A_1464, %mul3A_1474 : vector<16xf32>
        %gather3A_1476 = tpu.vector_load_idx %arg10[%add3A_1275, %broadcast_in_dim3A_1466] masked %lt3A_1278 : memref<800x64xf32, #tpu.memory_space<vmem>>[vector<16xi32>, vector<16xi32>], vector<16xf32>, vector<16xi1>
        %mul3A_1477 = arith.mulf %gather3A, %gather3A_1476 : vector<16xf32>
        %add3A_1478 = arith.addf %scan3A_1465, %mul3A_1477 : vector<16xf32>
        scf.yield %add3A_1469, %add3A_1472, %add3A_1475, %add3A_1478 : vector<16xf32>, vector<16xf32>, vector<16xf32>, vector<16xf32>
      }
      %scan3A_1288 = arith.constant 64 : i32
      %add3A_1289 = arith.constant 0 : i32
      %add3A_1290 = vector.broadcast %add3A_1289 : i32 to vector<16xi32>
      %add3A_1291 = arith.addi %add3A_1290, %iota3A : vector<16xi32>
      %add3A_1292 = arith.constant 650 : i32
      %add3A_1293 = vector.broadcast %add3A_1292 : i32 to vector<16xi32>
      %add3A_1294 = arith.addi %add3A_1293, %add3A_1291 : vector<16xi32>
      tpu.vector_store_idx %arg11[%add3A_1294], %scan3A_1287#0 masked %lt3A_1251 : memref<800xf32, #tpu.memory_space<vmem>>[vector<16xi32>], vector<16xf32>, vector<16xi1>
      %add3A_1295 = arith.constant 16 : i32
      %add3A_1296 = vector.broadcast %add3A_1295 : i32 to vector<16xi32>
      %add3A_1297 = arith.addi %add3A_1296, %iota3A : vector<16xi32>
      %add3A_1298 = arith.constant 650 : i32
      %add3A_1299 = vector.broadcast %add3A_1298 : i32 to vector<16xi32>
      %add3A_1300 = arith.addi %add3A_1299, %add3A_1297 : vector<16xi32>
      tpu.vector_store_idx %arg11[%add3A_1300], %scan3A_1287#1 masked %lt3A_1260 : memref<800xf32, #tpu.memory_space<vmem>>[vector<16xi32>], vector<16xf32>, vector<16xi1>
      %add3A_1301 = arith.constant 32 : i32
      %add3A_1302 = vector.broadcast %add3A_1301 : i32 to vector<16xi32>
      %add3A_1303 = arith.addi %add3A_1302, %iota3A : vector<16xi32>
      %add3A_1304 = arith.constant 650 : i32
      %add3A_1305 = vector.broadcast %add3A_1304 : i32 to vector<16xi32>
      %add3A_1306 = arith.addi %add3A_1305, %add3A_1303 : vector<16xi32>
      tpu.vector_store_idx %arg11[%add3A_1306], %scan3A_1287#2 masked %lt3A_1269 : memref<800xf32, #tpu.memory_space<vmem>>[vector<16xi32>], vector<16xf32>, vector<16xi1>
      %add3A_1307 = arith.constant 48 : i32
      %add3A_1308 = vector.broadcast %add3A_1307 : i32 to vector<16xi32>
      %add3A_1309 = arith.addi %add3A_1308, %iota3A : vector<16xi32>
      %add3A_1310 = arith.constant 650 : i32
      %add3A_1311 = vector.broadcast %add3A_1310 : i32 to vector<16xi32>
      %add3A_1312 = arith.addi %add3A_1311, %add3A_1309 : vector<16xi32>
      tpu.vector_store_idx %arg11[%add3A_1312], %scan3A_1287#3 masked %lt3A_1278 : memref<800xf32, #tpu.memory_space<vmem>>[vector<16xi32>], vector<16xf32>, vector<16xi1>
      %add3A_1313 = arith.constant 0 : i32
      %add3A_1314 = vector.broadcast %add3A_1313 : i32 to vector<16xi32>
      %add3A_1315 = arith.addi %add3A_1314, %iota3A : vector<16xi32>
      %add3A_1316 = arith.constant 700 : i32
      %add3A_1317 = vector.broadcast %add3A_1316 : i32 to vector<16xi32>
      %add3A_1318 = arith.addi %add3A_1317, %add3A_1315 : vector<16xi32>
      %lt3A_1319 = arith.constant 50 : i32
      %lt3A_1320 = vector.broadcast %lt3A_1319 : i32 to vector<16xi32>
      %lt3A_1321 = arith.cmpi slt, %add3A_1315, %lt3A_1320 : vector<16xi32>
      %add3A_1322 = arith.constant 16 : i32
      %add3A_1323 = vector.broadcast %add3A_1322 : i32 to vector<16xi32>
      %add3A_1324 = arith.addi %add3A_1323, %iota3A : vector<16xi32>
      %add3A_1325 = arith.constant 700 : i32
      %add3A_1326 = vector.broadcast %add3A_1325 : i32 to vector<16xi32>
      %add3A_1327 = arith.addi %add3A_1326, %add3A_1324 : vector<16xi32>
      %lt3A_1328 = arith.constant 50 : i32
      %lt3A_1329 = vector.broadcast %lt3A_1328 : i32 to vector<16xi32>
      %lt3A_1330 = arith.cmpi slt, %add3A_1324, %lt3A_1329 : vector<16xi32>
      %add3A_1331 = arith.constant 32 : i32
      %add3A_1332 = vector.broadcast %add3A_1331 : i32 to vector<16xi32>
      %add3A_1333 = arith.addi %add3A_1332, %iota3A : vector<16xi32>
      %add3A_1334 = arith.constant 700 : i32
      %add3A_1335 = vector.broadcast %add3A_1334 : i32 to vector<16xi32>
      %add3A_1336 = arith.addi %add3A_1335, %add3A_1333 : vector<16xi32>
      %lt3A_1337 = arith.constant 50 : i32
      %lt3A_1338 = vector.broadcast %lt3A_1337 : i32 to vector<16xi32>
      %lt3A_1339 = arith.cmpi slt, %add3A_1333, %lt3A_1338 : vector<16xi32>
      %add3A_1340 = arith.constant 48 : i32
      %add3A_1341 = vector.broadcast %add3A_1340 : i32 to vector<16xi32>
      %add3A_1342 = arith.addi %add3A_1341, %iota3A : vector<16xi32>
      %add3A_1343 = arith.constant 700 : i32
      %add3A_1344 = vector.broadcast %add3A_1343 : i32 to vector<16xi32>
      %add3A_1345 = arith.addi %add3A_1344, %add3A_1342 : vector<16xi32>
      %lt3A_1346 = arith.constant 50 : i32
      %lt3A_1347 = vector.broadcast %lt3A_1346 : i32 to vector<16xi32>
      %lt3A_1348 = arith.cmpi slt, %add3A_1342, %lt3A_1347 : vector<16xi32>
      %broadcast_in_dim3A_1349 = arith.constant 14 : i32
      %broadcast_in_dim3A_1350 = vector.broadcast %broadcast_in_dim3A_1349 : i32 to vector<16xi32>
      %broadcast_in_dim3A_1351 = arith.constant 0.000000e+00 : f32
      %broadcast_in_dim3A_1352 = vector.broadcast %broadcast_in_dim3A_1351 : f32 to vector<16xf32>
      %scan3A_1353 = arith.constant 0 : i32
      %scan3A_1354 = arith.constant 64 : i32
      %scan3A_1355 = arith.addi %scan3A_1353, %scan3A_1354 : i32
      %scan3A_1356 = arith.constant 1 : i32
      %scan3A_1357:4 = scf.for %scan3A_1461 = %scan3A_1353 to %scan3A_1355 step %scan3A_1356 iter_args(%scan3A_1462 = %broadcast_in_dim3A_1352, %scan3A_1463 = %broadcast_in_dim3A_1352, %scan3A_1464 = %broadcast_in_dim3A_1352, %scan3A_1465 = %broadcast_in_dim3A_1352) -> (vector<16xf32>, vector<16xf32>, vector<16xf32>, vector<16xf32>)  : i32 {
        %broadcast_in_dim3A_1466 = vector.broadcast %scan3A_1461 : i32 to vector<16xi32>
        %gather3A = tpu.vector_load_idx %arg9[%broadcast_in_dim3A_1350, %broadcast_in_dim3A_1466] : memref<16x64xf32, #tpu.memory_space<vmem>>[vector<16xi32>, vector<16xi32>], vector<16xf32>,
        %gather3A_1467 = tpu.vector_load_idx %arg10[%add3A_1318, %broadcast_in_dim3A_1466] masked %lt3A_1321 : memref<800x64xf32, #tpu.memory_space<vmem>>[vector<16xi32>, vector<16xi32>], vector<16xf32>, vector<16xi1>
        %mul3A_1468 = arith.mulf %gather3A, %gather3A_1467 : vector<16xf32>
        %add3A_1469 = arith.addf %scan3A_1462, %mul3A_1468 : vector<16xf32>
        %gather3A_1470 = tpu.vector_load_idx %arg10[%add3A_1327, %broadcast_in_dim3A_1466] masked %lt3A_1330 : memref<800x64xf32, #tpu.memory_space<vmem>>[vector<16xi32>, vector<16xi32>], vector<16xf32>, vector<16xi1>
        %mul3A_1471 = arith.mulf %gather3A, %gather3A_1470 : vector<16xf32>
        %add3A_1472 = arith.addf %scan3A_1463, %mul3A_1471 : vector<16xf32>
        %gather3A_1473 = tpu.vector_load_idx %arg10[%add3A_1336, %broadcast_in_dim3A_1466] masked %lt3A_1339 : memref<800x64xf32, #tpu.memory_space<vmem>>[vector<16xi32>, vector<16xi32>], vector<16xf32>, vector<16xi1>
        %mul3A_1474 = arith.mulf %gather3A, %gather3A_1473 : vector<16xf32>
        %add3A_1475 = arith.addf %scan3A_1464, %mul3A_1474 : vector<16xf32>
        %gather3A_1476 = tpu.vector_load_idx %arg10[%add3A_1345, %broadcast_in_dim3A_1466] masked %lt3A_1348 : memref<800x64xf32, #tpu.memory_space<vmem>>[vector<16xi32>, vector<16xi32>], vector<16xf32>, vector<16xi1>
        %mul3A_1477 = arith.mulf %gather3A, %gather3A_1476 : vector<16xf32>
        %add3A_1478 = arith.addf %scan3A_1465, %mul3A_1477 : vector<16xf32>
        scf.yield %add3A_1469, %add3A_1472, %add3A_1475, %add3A_1478 : vector<16xf32>, vector<16xf32>, vector<16xf32>, vector<16xf32>
      }
      %scan3A_1358 = arith.constant 64 : i32
      %add3A_1359 = arith.constant 0 : i32
      %add3A_1360 = vector.broadcast %add3A_1359 : i32 to vector<16xi32>
      %add3A_1361 = arith.addi %add3A_1360, %iota3A : vector<16xi32>
      %add3A_1362 = arith.constant 700 : i32
      %add3A_1363 = vector.broadcast %add3A_1362 : i32 to vector<16xi32>
      %add3A_1364 = arith.addi %add3A_1363, %add3A_1361 : vector<16xi32>
      tpu.vector_store_idx %arg11[%add3A_1364], %scan3A_1357#0 masked %lt3A_1321 : memref<800xf32, #tpu.memory_space<vmem>>[vector<16xi32>], vector<16xf32>, vector<16xi1>
      %add3A_1365 = arith.constant 16 : i32
      %add3A_1366 = vector.broadcast %add3A_1365 : i32 to vector<16xi32>
      %add3A_1367 = arith.addi %add3A_1366, %iota3A : vector<16xi32>
      %add3A_1368 = arith.constant 700 : i32
      %add3A_1369 = vector.broadcast %add3A_1368 : i32 to vector<16xi32>
      %add3A_1370 = arith.addi %add3A_1369, %add3A_1367 : vector<16xi32>
      tpu.vector_store_idx %arg11[%add3A_1370], %scan3A_1357#1 masked %lt3A_1330 : memref<800xf32, #tpu.memory_space<vmem>>[vector<16xi32>], vector<16xf32>, vector<16xi1>
      %add3A_1371 = arith.constant 32 : i32
      %add3A_1372 = vector.broadcast %add3A_1371 : i32 to vector<16xi32>
      %add3A_1373 = arith.addi %add3A_1372, %iota3A : vector<16xi32>
      %add3A_1374 = arith.constant 700 : i32
      %add3A_1375 = vector.broadcast %add3A_1374 : i32 to vector<16xi32>
      %add3A_1376 = arith.addi %add3A_1375, %add3A_1373 : vector<16xi32>
      tpu.vector_store_idx %arg11[%add3A_1376], %scan3A_1357#2 masked %lt3A_1339 : memref<800xf32, #tpu.memory_space<vmem>>[vector<16xi32>], vector<16xf32>, vector<16xi1>
      %add3A_1377 = arith.constant 48 : i32
      %add3A_1378 = vector.broadcast %add3A_1377 : i32 to vector<16xi32>
      %add3A_1379 = arith.addi %add3A_1378, %iota3A : vector<16xi32>
      %add3A_1380 = arith.constant 700 : i32
      %add3A_1381 = vector.broadcast %add3A_1380 : i32 to vector<16xi32>
      %add3A_1382 = arith.addi %add3A_1381, %add3A_1379 : vector<16xi32>
      tpu.vector_store_idx %arg11[%add3A_1382], %scan3A_1357#3 masked %lt3A_1348 : memref<800xf32, #tpu.memory_space<vmem>>[vector<16xi32>], vector<16xf32>, vector<16xi1>
      %add3A_1383 = arith.constant 0 : i32
      %add3A_1384 = vector.broadcast %add3A_1383 : i32 to vector<16xi32>
      %add3A_1385 = arith.addi %add3A_1384, %iota3A : vector<16xi32>
      %add3A_1386 = arith.constant 750 : i32
      %add3A_1387 = vector.broadcast %add3A_1386 : i32 to vector<16xi32>
      %add3A_1388 = arith.addi %add3A_1387, %add3A_1385 : vector<16xi32>
      %lt3A_1389 = arith.constant 50 : i32
      %lt3A_1390 = vector.broadcast %lt3A_1389 : i32 to vector<16xi32>
      %lt3A_1391 = arith.cmpi slt, %add3A_1385, %lt3A_1390 : vector<16xi32>
      %add3A_1392 = arith.constant 16 : i32
      %add3A_1393 = vector.broadcast %add3A_1392 : i32 to vector<16xi32>
      %add3A_1394 = arith.addi %add3A_1393, %iota3A : vector<16xi32>
      %add3A_1395 = arith.constant 750 : i32
      %add3A_1396 = vector.broadcast %add3A_1395 : i32 to vector<16xi32>
      %add3A_1397 = arith.addi %add3A_1396, %add3A_1394 : vector<16xi32>
      %lt3A_1398 = arith.constant 50 : i32
      %lt3A_1399 = vector.broadcast %lt3A_1398 : i32 to vector<16xi32>
      %lt3A_1400 = arith.cmpi slt, %add3A_1394, %lt3A_1399 : vector<16xi32>
      %add3A_1401 = arith.constant 32 : i32
      %add3A_1402 = vector.broadcast %add3A_1401 : i32 to vector<16xi32>
      %add3A_1403 = arith.addi %add3A_1402, %iota3A : vector<16xi32>
      %add3A_1404 = arith.constant 750 : i32
      %add3A_1405 = vector.broadcast %add3A_1404 : i32 to vector<16xi32>
      %add3A_1406 = arith.addi %add3A_1405, %add3A_1403 : vector<16xi32>
      %lt3A_1407 = arith.constant 50 : i32
      %lt3A_1408 = vector.broadcast %lt3A_1407 : i32 to vector<16xi32>
      %lt3A_1409 = arith.cmpi slt, %add3A_1403, %lt3A_1408 : vector<16xi32>
      %add3A_1410 = arith.constant 48 : i32
      %add3A_1411 = vector.broadcast %add3A_1410 : i32 to vector<16xi32>
      %add3A_1412 = arith.addi %add3A_1411, %iota3A : vector<16xi32>
      %add3A_1413 = arith.constant 750 : i32
      %add3A_1414 = vector.broadcast %add3A_1413 : i32 to vector<16xi32>
      %add3A_1415 = arith.addi %add3A_1414, %add3A_1412 : vector<16xi32>
      %lt3A_1416 = arith.constant 50 : i32
      %lt3A_1417 = vector.broadcast %lt3A_1416 : i32 to vector<16xi32>
      %lt3A_1418 = arith.cmpi slt, %add3A_1412, %lt3A_1417 : vector<16xi32>
      %broadcast_in_dim3A_1419 = arith.constant 15 : i32
      %broadcast_in_dim3A_1420 = vector.broadcast %broadcast_in_dim3A_1419 : i32 to vector<16xi32>
      %broadcast_in_dim3A_1421 = arith.constant 0.000000e+00 : f32
      %broadcast_in_dim3A_1422 = vector.broadcast %broadcast_in_dim3A_1421 : f32 to vector<16xf32>
      %scan3A_1423 = arith.constant 0 : i32
      %scan3A_1424 = arith.constant 64 : i32
      %scan3A_1425 = arith.addi %scan3A_1423, %scan3A_1424 : i32
      %scan3A_1426 = arith.constant 1 : i32
      %scan3A_1427:4 = scf.for %scan3A_1461 = %scan3A_1423 to %scan3A_1425 step %scan3A_1426 iter_args(%scan3A_1462 = %broadcast_in_dim3A_1422, %scan3A_1463 = %broadcast_in_dim3A_1422, %scan3A_1464 = %broadcast_in_dim3A_1422, %scan3A_1465 = %broadcast_in_dim3A_1422) -> (vector<16xf32>, vector<16xf32>, vector<16xf32>, vector<16xf32>)  : i32 {
        %broadcast_in_dim3A_1466 = vector.broadcast %scan3A_1461 : i32 to vector<16xi32>
        %gather3A = tpu.vector_load_idx %arg9[%broadcast_in_dim3A_1420, %broadcast_in_dim3A_1466] : memref<16x64xf32, #tpu.memory_space<vmem>>[vector<16xi32>, vector<16xi32>], vector<16xf32>,
        %gather3A_1467 = tpu.vector_load_idx %arg10[%add3A_1388, %broadcast_in_dim3A_1466] masked %lt3A_1391 : memref<800x64xf32, #tpu.memory_space<vmem>>[vector<16xi32>, vector<16xi32>], vector<16xf32>, vector<16xi1>
        %mul3A_1468 = arith.mulf %gather3A, %gather3A_1467 : vector<16xf32>
        %add3A_1469 = arith.addf %scan3A_1462, %mul3A_1468 : vector<16xf32>
        %gather3A_1470 = tpu.vector_load_idx %arg10[%add3A_1397, %broadcast_in_dim3A_1466] masked %lt3A_1400 : memref<800x64xf32, #tpu.memory_space<vmem>>[vector<16xi32>, vector<16xi32>], vector<16xf32>, vector<16xi1>
        %mul3A_1471 = arith.mulf %gather3A, %gather3A_1470 : vector<16xf32>
        %add3A_1472 = arith.addf %scan3A_1463, %mul3A_1471 : vector<16xf32>
        %gather3A_1473 = tpu.vector_load_idx %arg10[%add3A_1406, %broadcast_in_dim3A_1466] masked %lt3A_1409 : memref<800x64xf32, #tpu.memory_space<vmem>>[vector<16xi32>, vector<16xi32>], vector<16xf32>, vector<16xi1>
        %mul3A_1474 = arith.mulf %gather3A, %gather3A_1473 : vector<16xf32>
        %add3A_1475 = arith.addf %scan3A_1464, %mul3A_1474 : vector<16xf32>
        %gather3A_1476 = tpu.vector_load_idx %arg10[%add3A_1415, %broadcast_in_dim3A_1466] masked %lt3A_1418 : memref<800x64xf32, #tpu.memory_space<vmem>>[vector<16xi32>, vector<16xi32>], vector<16xf32>, vector<16xi1>
        %mul3A_1477 = arith.mulf %gather3A, %gather3A_1476 : vector<16xf32>
        %add3A_1478 = arith.addf %scan3A_1465, %mul3A_1477 : vector<16xf32>
        scf.yield %add3A_1469, %add3A_1472, %add3A_1475, %add3A_1478 : vector<16xf32>, vector<16xf32>, vector<16xf32>, vector<16xf32>
      }
      %scan3A_1428 = arith.constant 64 : i32
      %add3A_1429 = arith.constant 0 : i32
      %add3A_1430 = vector.broadcast %add3A_1429 : i32 to vector<16xi32>
      %add3A_1431 = arith.addi %add3A_1430, %iota3A : vector<16xi32>
      %add3A_1432 = arith.constant 750 : i32
      %add3A_1433 = vector.broadcast %add3A_1432 : i32 to vector<16xi32>
      %add3A_1434 = arith.addi %add3A_1433, %add3A_1431 : vector<16xi32>
      tpu.vector_store_idx %arg11[%add3A_1434], %scan3A_1427#0 masked %lt3A_1391 : memref<800xf32, #tpu.memory_space<vmem>>[vector<16xi32>], vector<16xf32>, vector<16xi1>
      %add3A_1435 = arith.constant 16 : i32
      %add3A_1436 = vector.broadcast %add3A_1435 : i32 to vector<16xi32>
      %add3A_1437 = arith.addi %add3A_1436, %iota3A : vector<16xi32>
      %add3A_1438 = arith.constant 750 : i32
      %add3A_1439 = vector.broadcast %add3A_1438 : i32 to vector<16xi32>
      %add3A_1440 = arith.addi %add3A_1439, %add3A_1437 : vector<16xi32>
      tpu.vector_store_idx %arg11[%add3A_1440], %scan3A_1427#1 masked %lt3A_1400 : memref<800xf32, #tpu.memory_space<vmem>>[vector<16xi32>], vector<16xf32>, vector<16xi1>
      %add3A_1441 = arith.constant 32 : i32
      %add3A_1442 = vector.broadcast %add3A_1441 : i32 to vector<16xi32>
      %add3A_1443 = arith.addi %add3A_1442, %iota3A : vector<16xi32>
      %add3A_1444 = arith.constant 750 : i32
      %add3A_1445 = vector.broadcast %add3A_1444 : i32 to vector<16xi32>
      %add3A_1446 = arith.addi %add3A_1445, %add3A_1443 : vector<16xi32>
      tpu.vector_store_idx %arg11[%add3A_1446], %scan3A_1427#2 masked %lt3A_1409 : memref<800xf32, #tpu.memory_space<vmem>>[vector<16xi32>], vector<16xf32>, vector<16xi1>
      %add3A_1447 = arith.constant 48 : i32
      %add3A_1448 = vector.broadcast %add3A_1447 : i32 to vector<16xi32>
      %add3A_1449 = arith.addi %add3A_1448, %iota3A : vector<16xi32>
      %add3A_1450 = arith.constant 750 : i32
      %add3A_1451 = vector.broadcast %add3A_1450 : i32 to vector<16xi32>
      %add3A_1452 = arith.addi %add3A_1451, %add3A_1449 : vector<16xi32>
      tpu.vector_store_idx %arg11[%add3A_1452], %scan3A_1427#3 masked %lt3A_1418 : memref<800xf32, #tpu.memory_space<vmem>>[vector<16xi32>], vector<16xf32>, vector<16xi1>
      %mul3A_1453 = arith.constant 50 : i32
      %mul3A_1454 = arith.muli %add3A_10, %mul3A_1453 : i32
      %dma_start3A_1455 = tpu.memref_slice %arg6[%mul3A_1454] : memref<819200xf32, #tpu.memory_space<hbm>> -> memref<800xf32, #tpu.memory_space<hbm>>
      %dma_start3A_1456 = tpu.memref_slice %arg6[%mul3A_1454] : memref<819200xf32, #tpu.memory_space<hbm>> -> memref<800xf32, #tpu.memory_space<hbm>>
      tpu.enqueue_dma source(%arg11 : memref<800xf32, #tpu.memory_space<vmem>>) target(%dma_start3A_1456 : memref<800xf32, #tpu.memory_space<hbm>>) target_semaphore(%arg14 : memref<!tpu.dma_semaphore, #tpu.memory_space<semaphore_mem>>)
      %mul3A_1457 = arith.constant 50 : i32
      %mul3A_1458 = arith.muli %add3A_10, %mul3A_1457 : i32
      %dma_wait3A_1459 = tpu.memref_slice %arg6[%mul3A_1458] : memref<819200xf32, #tpu.memory_space<hbm>> -> memref<800xf32, #tpu.memory_space<hbm>>
      %dma_wait3A_1460 = tpu.memref_slice %arg6[%mul3A_1458] : memref<819200xf32, #tpu.memory_space<hbm>> -> memref<800xf32, #tpu.memory_space<hbm>>
      tpu.wait_dma2 semaphore(%arg14 : memref<!tpu.dma_semaphore, #tpu.memory_space<semaphore_mem>>) src(%arg11 : memref<800xf32, #tpu.memory_space<vmem>>) dst(%dma_wait3A_1460 : memref<800xf32, #tpu.memory_space<hbm>>)
    }
    %scan3A_4 = arith.constant 32 : i32
    return
  }
}

</mosaic_0001>

<sc_bundles>
// kernel: _sc_word2vec.3.cloned.1.call-start
scs
__scs_entry_jumppad:
0x0: {  	(pc) =	sbr.rel $0x88, $3  }
0x1: {  	(tag) =	ssettag $0x0;
	lr =	simm.s32 $0x1  }
0x2: {  	[smem:$0x3F9D] =	sst lr;
	_ =	strace $0xD0000000  }
0x3: {  	_ = 	snop  }
0x4: {  	_ = 	snop  }
0x5: {  	_ = 	snop  }
0x6: {  	_ = 	snop  }
0x7: {  	_ = 	snop  }
__scs_overlays_trampoline_lowered:
0x8: {  	[smem:$0x3FAC] =	sst s0  }
0x9: {  	[smem:$0x3FAD] =	sst s1  }
0xa: {  	[smem:$0x3FAE] =	sst s2  }
0xb: {  	[smem:$0x3FAF] =	sst s3  }
0xc: {  	[smem:$0x3FB0] =	sst s4  }
0xd: {  	[smem:$0x3FB1] =	sst s5  }
0xe: {  	[smem:$0x3FB2] =	sst s6  }
0xf: {  	[smem:$0x3FB3] =	sst s7  }
0x10: {  	[smem:$0x3FB4] =	sst s8  }
0x11: {  	[smem:$0x3FB5] =	sst s9;
	s0 =	simm.s32 @!p0 $0x0  }
0x12: {  	s1 =	sld [smem:$0x3F9B];
	s0 =	simm.s32 @p0 $0x1  }
0x13: {  	[smem:$0x3FB6] =	sst s0;
	s0 =	simm.s32 @!p1 $0x0  }
0x14: {  	s2 =	sld [smem:$0x3F9A];
	s0 =	simm.s32 @p1 $0x1  }
0x15: {  	[smem:$0x3FB7] =	sst s0;
	s0 =	simm.s32 @!p2 $0x0  }
0x16: {  	s3 =	sld [smem:$0x3FDB];
	s0 =	simm.s32 @p2 $0x1  }
0x17: {  	s4 =	simm.s32 $0x1BF5;
	[smem:$0x3FB9] =	sst s0  }
0x18: {  	s0 =	sld [smem:$0x3F9C];
	_ =	swait.ge [sflag:s4], $0x0  }
0x19: {  	s7 =	sld [smem:$0x3F9D]  }
0x1a: {  	s8 =	sadd.s32 $0xFFFFE003, lr  }
0x1b: {  	s9 =	sadd.s32 $0xFFFFFEF7, lr;
	s5 =	simm.s32 $0xFFFFFFFF;
	p2 =	slt.u32 s8, $0xFFFFF086  }
0x1c: {  	p1 =	slt.u32 s9, $0xF7A;
	s5 =	simm.s32 @!p2 $0x0  }
0x1d: {  	s5 =	simm.s32 @p1 $0x1;
	p0 =	seq.s32 s7, s2  }
0x1e: {  	s7 =	smul.u32 @!p0 $0xF7A, s2;
	p2 =	seq.s32 @!p0 s5, $0x0  }
0x1f: {  	s9 =	smul.u32 $0xF7A, s1;
	s8 =	simm.s32 @!p0 $0x1BF5;
	p2 =	por !p2, p0  }
0x20: {  	[sflag:s8] =	ssyncset.s32 @!p0 $0xFFFFF086;
	s6 =	sadd.s32 @!p0 s3, s7;
	s7 =	simm.s32 @!p0 $0x108  }
0x21: {  	s3 =	sadd.s32 s3, s9;
	s6 =	sadd.s32 @!p0 $0x88, s6;
	s7 =	simm.s32 @p2 $0x1082  }
0x22: {  	[simem:s7], [sflag:s8] =	dma.local @!p0 [hbm:s6], $0xF7A  }
0x23: {  	s9 =	sor.u32 $0xD0000000, s2;
	s6 =	simm.s32 $0x108;
	_ =	swait.ge @!p0 [sflag:s8], $0x0  }
0x24: {  	s3 =	sadd.s32 $0x88, s3;
	s6 =	simm.s32 @!p1 $0x1082;
	[sflag:s4] =	ssyncset.s32 $0xFFFFF086  }
0x25: {  	[simem:s6], [sflag:s4] =	dma.local [hbm:s3], $0xF7A  }
0x26: {  	[smem:$0x3F9D] =	sst s1;
	(tag) =	ssettag s2;
	_ =	strace s9  }
0x27: {  	s1 =	sld [smem:$0x3FAD]  }
0x28: {  	s2 =	sld [smem:$0x3FAE]  }
0x29: {  	s4 =	sld [smem:$0x3FB0]  }
0x2a: {  	p0 =	seq.s32 s5, $0x0;
	s5 =	sld [smem:$0x3FB1]  }
0x2b: {  	s6 =	sld [smem:$0x3FB2]  }
0x2c: {  	s7 =	sld [smem:$0x3FB3]  }
0x2d: {  	s3 =	simm.s32 $0x108;
	s8 =	sld [smem:$0x3FB4]  }
0x2e: {  	s3 =	simm.s32 @!p0 $0x1082;
	s9 =	sld [smem:$0x3FB5]  }
0x2f: {  	lr =	sadd.s32 s0, s3;
	s0 =	sld [smem:$0x3FAC]  }
0x30: {  	s3 =	sld [smem:$0x3FAF]  }
0x31: {  	[smem:$0x3FB8] =	sst s10  }
0x32: {  	s10 =	sld [smem:$0x3FB6];
	_ =	sdelay $0x3  }
0x33: {  	p0 =	seq.s32 s10, $0x1;
	s10 =	sld [smem:$0x3FB8];
	_ =	sdelay $0x3  }
0x34: {  	[smem:$0x3FB8] =	sst s10  }
0x35: {  	s10 =	sld [smem:$0x3FB7];
	_ =	sdelay $0x3  }
0x36: {  	p1 =	seq.s32 s10, $0x1;
	s10 =	sld [smem:$0x3FB8];
	_ =	sdelay $0x3  }
0x37: {  	[smem:$0x3FB8] =	sst s10  }
0x38: {  	s10 =	sld [smem:$0x3FB9]  }
0x39: {  	_ = 	snop;
	(pc) =	sbr.ind lr, $3  }
0x3a: {  	_ = 	snop  }
0x3b: {  	_ = 	snop  }
0x3c: {  	p2 =	seq.s32 s10, $0x1;
	s10 =	sld [smem:$0x3FB8]  }
0x3d: {  	_ =	shalt  }
0x3e: {  	_ =	shalt  }
0x3f: {  	_ =	shalt  }
0x40: {  	_ =	shalt  }
0x41: {  	_ =	shalt  }
0x42: {  	_ =	shalt  }
0x43: {  	_ =	shalt  }
0x44: {  	_ =	shalt  }
0x45: {  	_ =	shalt  }
0x46: {  	_ =	shalt  }
0x47: {  	_ =	shalt  }
0x48: {  	_ =	shalt  }
0x49: {  	_ =	shalt  }
0x4a: {  	_ =	shalt  }
0x4b: {  	_ =	shalt  }
0x4c: {  	_ =	shalt  }
0x4d: {  	_ =	shalt  }
0x4e: {  	_ =	shalt  }
0x4f: {  	_ =	shalt  }
0x50: {  	_ =	shalt  }
0x51: {  	_ =	shalt  }
0x52: {  	_ =	shalt  }
0x53: {  	_ =	shalt  }
0x54: {  	_ =	shalt  }
0x55: {  	_ =	shalt  }
0x56: {  	_ =	shalt  }
0x57: {  	_ =	shalt  }
0x58: {  	_ =	shalt  }
0x59: {  	_ =	shalt  }
0x5a: {  	_ =	shalt  }
0x5b: {  	_ =	shalt  }
0x5c: {  	_ =	shalt  }
0x5d: {  	_ =	shalt  }
0x5e: {  	_ =	shalt  }
0x5f: {  	_ =	shalt  }
0x60: {  	_ =	shalt  }
0x61: {  	_ =	shalt  }
0x62: {  	_ =	shalt  }
0x63: {  	_ =	shalt  }
0x64: {  	_ =	shalt  }
0x65: {  	_ =	shalt  }
0x66: {  	_ =	shalt  }
0x67: {  	_ =	shalt  }
0x68: {  	_ =	shalt  }
0x69: {  	_ =	shalt  }
0x6a: {  	_ =	shalt  }
0x6b: {  	_ =	shalt  }
0x6c: {  	_ =	shalt  }
0x6d: {  	_ =	shalt  }
0x6e: {  	_ =	shalt  }
0x6f: {  	_ =	shalt  }
0x70: {  	_ =	shalt  }
0x71: {  	_ =	shalt  }
0x72: {  	_ =	shalt  }
0x73: {  	_ =	shalt  }
0x74: {  	_ =	shalt  }
0x75: {  	_ =	shalt  }
0x76: {  	_ =	shalt  }
0x77: {  	_ =	shalt  }
0x78: {  	_ =	shalt  }
0x79: {  	_ =	shalt  }
0x7a: {  	_ =	shalt  }
0x7b: {  	_ =	shalt  }
0x7c: {  	_ =	shalt  }
0x7d: {  	_ =	shalt  }
0x7e: {  	_ =	shalt  }
0x7f: {  	_ =	shalt  }
0x80: {  	_ =	shalt  }
0x81: {  	_ =	shalt  }
0x82: {  	_ =	shalt  }
0x83: {  	_ =	shalt  }
0x84: {  	_ =	shalt  }
0x85: {  	_ =	shalt  }
0x86: {  	_ =	shalt  }
0x87: {  	_ =	shalt  }
.Lfunc_end0:
.L_simem_size_0:
called_computation_lowered:
.L_overlay_start_0:
0x88: {  	s2 =	sld [smem:$0x3FD9]  }
0x89: {  	s3 =	sld [smem:$0x3FFE];
	_ =	sdelay $0x1  }
0x8a: {  	s1 =	srdreg.scid  }
0x8b: {  	s0 =	sand.u32 $0x1, s1  }
0x8c: {  	s17 =	sshll.u32 s0, $0xA;
	s2 =	sadd.s32 s3, s2  }
0x8d: {  	s2 =	sadd.s32 s2, s17  }
0x8e: {  	[smem:$0x3FC4] =	sst s2  }
0x8f: {  	_ = 	snop  }
0x90: {  	s2 =	sld [smem:$0x3FC9]  }
0x91: {  	s18 =	sld [smem:$0x3FD0];
	(tm) =	ssettm $0x1  }
0x92: {  	s4 =	sld [smem:$0x3FFB];
	_ =	sdelay $0x3  }
0x93: {  	_ =	strace s4  }
0x94: {  	s4 =	sld [smem:$0x3FFC];
	_ =	sdelay $0x3  }
0x95: {  	_ =	strace s4  }
0x96: {  	s4 =	sld [smem:$0x3FFD];
	_ =	sdelay $0x3  }
0x97: {  	_ =	strace s4  }
0x98: {  	_ =	strace $0x8FFFFFFF  }
0x99: {  	s19 =	sld [smem:$0x3FDB];
	_ =	sdelay $0x1  }
0x9a: {  	s5 =	simm.s32 $_scs_section_size  }
0x9b: {  	s6 =	simm.s32 $_size__tile_overlayer_lowered;
	s7 =	simm.s32 $_tile_overlayer_lowered  }
0x9c: {  	s22 =	simm.s32 $0x1BFF;
	s21 =	sshll.u32 s7, $0x1;
	s4 =	sadd.s32 s5, s19  }
0x9d: {  	s8 =	simm.s32 $0x0;
	s20 =	sshll.u32 s6, $0x1;
	s6 =	sadd.s32 s21, s4  }
0x9e: {  	[timem:s8], [sflag:s22] =	dma.local [hbm:s6], s20  }
0x9f: {  	_ =	swait.ge [sflag:s22], s20  }
0xa0: {  	s5 =	ssub.s32 $0x0, s20;
	[sflag:s22] =	ssyncset.done $0x0  }
0xa1: {  	[sflag:s22] =	ssyncadd.s32 s5;
	_ =	sdelay $0x1  }
0xa2: {  	s23 =	simm.s32 $0x1B8B  }
0xa3: {  	_ =	swait.ge [sflag:s23], $0x1  }
0xa4: {  	[sflag:s23] =	ssyncset.done $0x0  }
0xa5: {  	s25 =	simm.s32 $0x1B8E;
	s24 =	sld [smem:$0x3FFE];
	[sflag:s23] =	ssyncadd.s32 $0xFFFFFFFF  }
0xa6: {  	s26 =	simm.s32 $execute0_lowered;
	[smem:$0x3FD2] =	sst s25  }
0xa7: {  	s6 =	sshll.u32 s26, $0x1;
	_ =	strace $0x80000046;
	[dreg:$0x1] =	wrdreg $0xFFFFFFFF  }
0xa8: {  	s28 =	simm.s32 $_size_execute0_lowered;
	s4 =	sadd.s32 s4, s6;
	[dreg:$0x0] =	wrdreg $0x0  }
0xa9: {  	s6 =	sshll.u32 s28, $0x1;
	[dreg:$0x2] =	wrdreg s4  }
0xaa: {  	[dreg:$0x3] =	wrdreg s6  }
0xab: {  	[dreg:$0x4] =	wrdreg $0xC0  }
0xac: {  	_ =	task [dreg:s8], $0x5FFFF  }
0xad: {  	[dreg:$0x1] =	wrdreg $0xFFFFFFFF  }
0xae: {  	[dreg:$0x0] =	wrdreg $0x60  }
0xaf: {  	[dreg:$0x2] =	wrdreg s2  }
0xb0: {  	[dreg:$0x3] =	wrdreg s24  }
0xb1: {  	[dreg:$0x4] =	wrdreg s18  }
0xb2: {  	[dreg:$0x5] =	wrdreg $0x9  }
0xb3: {  	_ =	task.clear_ibuf [dreg:s8], $0x6FFFF;
	_ =	strace $0x90000046  }
0xb4: {  	s29 =	simm.s32 $0x9;
	_ =	strace $0x80000048  }
0xb5: {  	_ =	swait.ge [sflag:s29], $0x1  }
0xb6: {  	[sflag:s29] =	ssyncadd.s32 $0xFFFFFFFF  }
0xb7: {  	_ =	strace $0x90000048  }
0xb8: {  	_ =	sfence  }
0xb9: {  	s30 =	sld [smem:$0x0];
	_ =	sdelay $0x2  }
0xba: {  	s31 =	sshll.u32 s1, $0xD;
	s1 =	sshrl.u32 s1, $0x2  }
0xbb: {  	s3 =	sand.u32 $0x4000, s31;
	s1 =	sadd.s32 s1, s30  }
0xbc: {  	s0 =	sor.u32 s3, s0;
	s1 =	sshll.u32 s1, $0x11  }
0xbd: {  	s0 =	sor.u32 s1, s0  }
0xbe: {  	s0 =	sadd.s32 $0x8F2B, s0  }
0xbf: {  	[sflag:s0] =	ssyncadd.remote.s32 $0x1  }
0xc0: {  	_ =	sfence.sel $0xFFFF  }
0xc1: {  	[dreg:$0x0] =	wrdreg $0xFFFFFFFF;
	(pc) =	sbr.abs _section_cstart, $3  }
0xc2: {  	[dreg:$0x1] =	wrdreg $0xFFFFFFFF  }
0xc3: {  	_ =	task.clear_ibuf [dreg:s8], $0x2FFFF;
	_ =	strace $0x9FFFFFFF  }
0xc4: {  	(tm) =	ssettm $0x7FFFFFFF  }
0xc5: {  	_ =	shalt  }
tec
execute0_lowered:
.L_overlay_start_1:
0x0: {  	(tag) =	ssettag $0x1  }
0x1: {  	v0 =	vlaneseq.u32  }
0x2: {  	v1 =	vmul.u32 $0x40, v0;
	v5 =	vor.u32 $0x10, v0  }
0x3: {  	s1 =	simm.s32 $0x0;
	v39 =	vadd.s32 $0xF8, v0;
	v44 =	vadd.s32 $0xFA, v0;
	v45 =	vadd.s32 $0x10A, v0  }
0x4: {  	[smem:$0x7FF] =	sst s1;
	v46 =	vadd.s32 $0x11A, v0;
	v47 =	vadd.s32 $0x12A, v0;
	[tilespmem:$0x1FEE0] =	vst v5;
	v5 =	vor.u32 $0x20, v0  }
0x5: {  	s0 =	rddreg [dreg:$0x1];
	v52 =	vadd.s32 $0x12C, v0;
	v53 =	vadd.s32 $0x13C, v0;
	_ =	strace $0x80000047;
	[tilespmem:$0x1FEF0] =	vst v5;
	v5 =	vor.u32 $0x30, v0  }
0x6: {  	v54 =	vadd.s32 $0x14C, v0;
	v55 =	vadd.s32 $0x15C, v0;
	[tilespmem:$0x1FF00] =	vst v5;
	v5 =	vadd.s32 $0x32, v0  }
0x7: {  	v2 =	vor.u32 $0x400, v1;
	v3 =	vor.u32 $0x800, v1;
	[tilespmem:$0x1FF10] =	vst v5;
	v5 =	vadd.s32 $0x42, v0  }
0x8: {  	v4 =	vor.u32 $0xC00, v1;
	v8 =	vadd.s32 $0xC80, v1;
	[tilespmem:$0x1FF20] =	vst v5;
	v5 =	vadd.s32 $0x52, v0  }
0x9: {  	s12 =	simm.s32 $0x390;
	s13 =	simm.s32 $0x32;
	v9 =	vadd.s32 $0x1080, v1;
	v10 =	vadd.s32 $0x1480, v1;
	[tilespmem:$0x1FF30] =	vst v5;
	v5 =	vadd.s32 $0x62, v0  }
0xa: {  	s14 =	simm.s32 $0x790;
	s6 =	simm.s32 $0x7810;
	v11 =	vadd.s32 $0x1880, v1;
	v16 =	vadd.s32 $0x1900, v1;
	[tilespmem:$0x1FF40] =	vst v5;
	v5 =	vadd.s32 $0x64, v0  }
0xb: {  	s29 =	srdreg.scid;
	s9 =	simm.s32 $0x240;
	s15 =	simm.s32 $0x2B0;
	v17 =	vadd.s32 $0x1D00, v1;
	v18 =	vadd.s32 $0x2100, v1;
	[tilespmem:$0x1FF50] =	vst v5;
	v5 =	vadd.s32 $0x74, v0  }
0xc: {  	s3 =	stileid.u32;
	s16 =	simm.s32 $0x9D90;
	s17 =	simm.s32 $0x2E8;
	v19 =	vadd.s32 $0x2500, v1;
	v24 =	vadd.s32 $0x2580, v1;
	[tilespmem:$0x1FF60] =	vst v5;
	v5 =	vadd.s32 $0x84, v0  }
0xd: {  	s10 =	simm.s32 $0x4;
	s18 =	simm.s32 $0xAA10;
	s19 =	simm.s32 $0x320;
	v25 =	vadd.s32 $0x2980, v1;
	v26 =	vadd.s32 $0x2D80, v1;
	[tilespmem:$0x1FF70] =	vst v5;
	v5 =	vadd.s32 $0x94, v0  }
0xe: {  	s11 =	simm.s32 $0x10;
	s20 =	simm.s32 $0xB690;
	s21 =	simm.s32 $0x358;
	v27 =	vadd.s32 $0x3180, v1;
	v32 =	vadd.s32 $0x3200, v1;
	[tilespmem:$0x1FF80] =	vst v5;
	v5 =	vadd.s32 $0x96, v0  }
0xf: {  	s22 =	simm.s32 $0xC310;
	s23 =	simm.s32 $0x1;
	s25 =	simm.s32 $0xCF90;
	v33 =	vadd.s32 $0x3600, v1;
	v34 =	vadd.s32 $0x3A00, v1;
	[tilespmem:$0x1FF90] =	vst v5;
	v5 =	vadd.s32 $0xA6, v0  }
0x10: {  	s24 =	simm.s32 $0x2;
	s1 =	sand.u32 $0x1, s29;
	s5 =	sadd.s32 $0x16E3C00, s0;
	v35 =	vadd.s32 $0x3E00, v1;
	v40 =	vadd.s32 $0x3E80, v1;
	[tilespmem:$0x1FFA0] =	vst v5;
	v5 =	vadd.s32 $0xB6, v0  }
0x11: {  	s26 =	simm.s32 $0x3;
	s7 =	sadd.s32 $0xF42A00, s0;
	s2 =	ssub.s32 $0x2, s1;
	v41 =	vadd.s32 $0x4280, v1;
	v42 =	vadd.s32 $0x4680, v1;
	[tilespmem:$0x1FFB0] =	vst v5;
	v5 =	vadd.s32 $0xC6, v0  }
0x12: {  	s4 =	sadd.s32 $0x600, s0;
	s31 =	sshll.u32 s3, $0xA;
	s30 =	sshrl.u32 s2, $0x1;
	v43 =	vadd.s32 $0x4A80, v1;
	v48 =	vadd.s32 $0x4B00, v1;
	[tilespmem:$0x1FFC0] =	vst v5;
	v5 =	vadd.s32 $0xC8, v0  }
0x13: {  	s3 =	simm.s32 $0x9110;
	s1 =	sshll.u32 s1, $0x9;
	v49 =	vadd.s32 $0x4F00, v1;
	v50 =	vadd.s32 $0x5300, v1;
	s0 =	ssub.s32 s2, s30;
	[tilespmem:$0x1FFD0] =	vst v5;
	v5 =	vadd.s32 $0xD8, v0  }
0x14: {  	s8 =	sor.u32 s1, s31;
	s1 =	simm.s32 $0x8490;
	v51 =	vadd.s32 $0x5700, v1;
	v56 =	vadd.s32 $0x5780, v1;
	s0 =	smax.u32 s0, $0x1;
	[tilespmem:$0x1FFE0] =	vst v5;
	v5 =	vadd.s32 $0xE8, v0  }
0x15: {  	v57 =	vadd.s32 $0x5B80, v1;
	v58 =	vadd.s32 $0x5F80, v1;
	v59 =	vadd.s32 $0x6380, v1;
	s2 =	simm.s32 $0x278;
	[dreg:$0x4] =	wrdreg s0;
	s0 =	simm.s32 $0x0;
	[tilespmem:$0x1FFF0] =	vst v5  }
.LBB2_1:
0x16: {  	[dreg:$0x5] =	wrdreg s0;
	s28 =	simm.s32 $0x0  }
.LBB2_2:
0x17: {  	s29 =	sshll.u32 s28, $0x4  }
0x18: {  	s29 =	sadd.s32 s8, s29  }
0x19: {  	s31 =	rddreg [dreg:$0x0];
	s30 =	sshrl.u32 s29, $0x3  }
0x1a: {  	s31 =	sadd.s32 s31, s30;
	s30 =	simm.s32 $0x0  }
0x1b: {  	[tilespmem:s30], [sflag:$0x4] =	stream.linear.gather [hbm4b:s31+s30], $0x10, $0x38;
	[tilespmem:$0xD2B0] =	vst v63  }
0x1c: {  	s0 =	smul.u32 $0x7, s29;
	_ =	swait.ge [sflag:s10], $0x10  }
0x1d: {  	[sflag:s10] =	ssyncset.done $0x0  }
0x1e: {  	s31 =	sadd.s32 s4, s0;
	[sflag:s10] =	ssyncadd.s32 $0xFFFFFFF0  }
0x1f: {  	[tilespmem:s11], [sflag:$0x4] =	stream.linear.gather [hbm4b:s31+s30], $0x380, $0x38;
	[tilespmem:$0xD2B0] =	vst v63  }
0x20: {  	_ =	swait.ge [sflag:s10], $0x380  }
0x21: {  	[sflag:s10] =	ssyncset.done $0x0  }
0x22: {  	[sflag:s10] =	ssyncadd.s32 $0xFFFFFC80  }
0x23: {  	[tilespmem:s12], [sflag:$0x1] =	stream.indirect.gather [hbm4b:s5+s11], $0x40, s30, s11, $0xb8;
	[tilespmem:$0xD2B0] =	vst v63  }
0x24: {  	_ = 	snop  }
0x25: {  	[tilespmem:s14], [sflag:$0x2] =	stream.indirect.gather [hbm4b:s7+s13], $0x40, s11, s13, $0xb8;
	[tilespmem:$0xD2B0] =	vst v63  }
0x26: {  	s0 =	simm.s32 $0x1410;
	s31 =	simm.s32 $0x48  }
0x27: {  	[tilespmem:s0], [sflag:$0x2] =	stream.indirect.gather [hbm4b:s7+s13], $0x40, s31, s13, $0xb8;
	[tilespmem:$0xD2B0] =	vst v63  }
0x28: {  	s0 =	simm.s32 $0x80;
	s31 =	simm.s32 $0x2090  }
0x29: {  	[tilespmem:s31], [sflag:$0x2] =	stream.indirect.gather [hbm4b:s7+s13], $0x40, s0, s13, $0xb8;
	[tilespmem:$0xD2B0] =	vst v63  }
0x2a: {  	s0 =	simm.s32 $0xB8;
	s31 =	simm.s32 $0x2D10  }
0x2b: {  	[tilespmem:s31], [sflag:$0x2] =	stream.indirect.gather [hbm4b:s7+s13], $0x40, s0, s13, $0xb8;
	[tilespmem:$0xD2B0] =	vst v63  }
0x2c: {  	s0 =	simm.s32 $0xF0;
	s31 =	simm.s32 $0x3990  }
0x2d: {  	[tilespmem:s31], [sflag:$0x2] =	stream.indirect.gather [hbm4b:s7+s13], $0x40, s0, s13, $0xb8;
	[tilespmem:$0xD2B0] =	vst v63  }
0x2e: {  	s0 =	simm.s32 $0x128;
	s31 =	simm.s32 $0x4610  }
0x2f: {  	[tilespmem:s31], [sflag:$0x2] =	stream.indirect.gather [hbm4b:s7+s13], $0x40, s0, s13, $0xb8;
	[tilespmem:$0xD2B0] =	vst v63  }
0x30: {  	s0 =	simm.s32 $0x160;
	s31 =	simm.s32 $0x5290  }
0x31: {  	[tilespmem:s31], [sflag:$0x2] =	stream.indirect.gather [hbm4b:s7+s13], $0x40, s0, s13, $0xb8;
	[tilespmem:$0xD2B0] =	vst v63  }
0x32: {  	s0 =	simm.s32 $0x198;
	s31 =	simm.s32 $0x5F10  }
0x33: {  	[tilespmem:s31], [sflag:$0x2] =	stream.indirect.gather [hbm4b:s7+s13], $0x40, s0, s13, $0xb8;
	[tilespmem:$0xD2B0] =	vst v63  }
0x34: {  	s0 =	simm.s32 $0x1D0;
	s31 =	simm.s32 $0x6B90  }
0x35: {  	[tilespmem:s31], [sflag:$0x2] =	stream.indirect.gather [hbm4b:s7+s13], $0x40, s0, s13, $0xb8;
	[tilespmem:$0xD2B0] =	vst v63  }
0x36: {  	s31 =	simm.s32 $0x208  }
0x37: {  	[tilespmem:s6], [sflag:$0x2] =	stream.indirect.gather [hbm4b:s7+s13], $0x40, s31, s13, $0xb8;
	[tilespmem:$0xD2B0] =	vst v63  }
0x38: {  	_ = 	snop  }
0x39: {  	[tilespmem:s1], [sflag:$0x2] =	stream.indirect.gather [hbm4b:s7+s13], $0x40, s9, s13, $0xb8;
	[tilespmem:$0xD2B0] =	vst v63  }
0x3a: {  	_ = 	snop  }
0x3b: {  	[tilespmem:s3], [sflag:$0x2] =	stream.indirect.gather [hbm4b:s7+s13], $0x40, s2, s13, $0xb8;
	[tilespmem:$0xD2B0] =	vst v63  }
0x3c: {  	_ = 	snop  }
0x3d: {  	[tilespmem:s16], [sflag:$0x2] =	stream.indirect.gather [hbm4b:s7+s13], $0x40, s15, s13, $0xb8;
	[tilespmem:$0xD2B0] =	vst v63  }
0x3e: {  	_ = 	snop  }
0x3f: {  	[tilespmem:s18], [sflag:$0x2] =	stream.indirect.gather [hbm4b:s7+s13], $0x40, s17, s13, $0xb8;
	[tilespmem:$0xD2B0] =	vst v63  }
0x40: {  	_ = 	snop  }
0x41: {  	[tilespmem:s20], [sflag:$0x2] =	stream.indirect.gather [hbm4b:s7+s13], $0x40, s19, s13, $0xb8;
	[tilespmem:$0xD2B0] =	vst v63  }
0x42: {  	_ = 	snop  }
0x43: {  	[tilespmem:s22], [sflag:$0x2] =	stream.indirect.gather [hbm4b:s7+s13], $0x40, s21, s13, $0xb8;
	[tilespmem:$0xD2B0] =	vst v63  }
0x44: {  	_ =	swait.ge [sflag:s23], $0x400  }
0x45: {  	[sflag:s23] =	ssyncset.done $0x0  }
0x46: {  	[sflag:s23] =	ssyncadd.s32 $0xFFFFFC00  }
0x47: {  	_ =	swait.ge [sflag:s24], $0xC80  }
0x48: {  	[sflag:s24] =	ssyncset.done $0x0  }
0x49: {  	[sflag:s24] =	ssyncadd.s32 $0xFFFFF380  }
0x4a: {  	_ =	swait.ge [sflag:s24], $0xC80  }
0x4b: {  	[sflag:s24] =	ssyncset.done $0x0  }
0x4c: {  	[sflag:s24] =	ssyncadd.s32 $0xFFFFF380  }
0x4d: {  	_ =	swait.ge [sflag:s24], $0xC80  }
0x4e: {  	[sflag:s24] =	ssyncset.done $0x0  }
0x4f: {  	[sflag:s24] =	ssyncadd.s32 $0xFFFFF380  }
0x50: {  	_ =	swait.ge [sflag:s24], $0xC80  }
0x51: {  	[sflag:s24] =	ssyncset.done $0x0  }
0x52: {  	[sflag:s24] =	ssyncadd.s32 $0xFFFFF380  }
0x53: {  	_ =	swait.ge [sflag:s24], $0xC80  }
0x54: {  	[sflag:s24] =	ssyncset.done $0x0  }
0x55: {  	[sflag:s24] =	ssyncadd.s32 $0xFFFFF380  }
0x56: {  	_ =	swait.ge [sflag:s24], $0xC80  }
0x57: {  	[sflag:s24] =	ssyncset.done $0x0  }
0x58: {  	[sflag:s24] =	ssyncadd.s32 $0xFFFFF380  }
0x59: {  	_ =	swait.ge [sflag:s24], $0xC80  }
0x5a: {  	[sflag:s24] =	ssyncset.done $0x0  }
0x5b: {  	[sflag:s24] =	ssyncadd.s32 $0xFFFFF380  }
0x5c: {  	_ =	swait.ge [sflag:s24], $0xC80  }
0x5d: {  	[sflag:s24] =	ssyncset.done $0x0  }
0x5e: {  	[sflag:s24] =	ssyncadd.s32 $0xFFFFF380  }
0x5f: {  	_ =	swait.ge [sflag:s24], $0xC80  }
0x60: {  	[sflag:s24] =	ssyncset.done $0x0  }
0x61: {  	[sflag:s24] =	ssyncadd.s32 $0xFFFFF380  }
0x62: {  	_ =	swait.ge [sflag:s24], $0xC80  }
0x63: {  	[sflag:s24] =	ssyncset.done $0x0  }
0x64: {  	[sflag:s24] =	ssyncadd.s32 $0xFFFFF380  }
0x65: {  	_ =	swait.ge [sflag:s24], $0xC80  }
0x66: {  	[sflag:s24] =	ssyncset.done $0x0  }
0x67: {  	[sflag:s24] =	ssyncadd.s32 $0xFFFFF380  }
0x68: {  	_ =	swait.ge [sflag:s24], $0xC80  }
0x69: {  	[sflag:s24] =	ssyncset.done $0x0  }
0x6a: {  	[sflag:s24] =	ssyncadd.s32 $0xFFFFF380  }
0x6b: {  	_ =	swait.ge [sflag:s24], $0xC80  }
0x6c: {  	[sflag:s24] =	ssyncset.done $0x0  }
0x6d: {  	[sflag:s24] =	ssyncadd.s32 $0xFFFFF380  }
0x6e: {  	_ =	swait.ge [sflag:s24], $0xC80  }
0x6f: {  	[sflag:s24] =	ssyncset.done $0x0  }
0x70: {  	[sflag:s24] =	ssyncadd.s32 $0xFFFFF380  }
0x71: {  	v5 =	vmov s30;
	_ =	swait.ge [sflag:s24], $0xC80  }
0x72: {  	v6 =	vand.u32 $0x3F, v5;
	[sflag:s24] =	ssyncset.done $0x0  }
0x73: {  	v7 =	vor.u32 v1, v6;
	[sflag:s24] =	ssyncadd.s32 $0xFFFFF380  }
0x74: {  	v12 =	vor.u32 v3, v6;
	_ =	swait.ge [sflag:s24], $0xC80  }
0x75: {  	[sflag:s24] =	ssyncset.done $0x0  }
0x76: {  	v13 =	vor.u32 v2, v6;
	s30 =	simm.s32 $0x1;
	[sflag:s24] =	ssyncadd.s32 $0xFFFFF380  }
0x77: {  	v14 =	vor.u32 v4, v6;
	v20 =	vmov s30;
	v6 =	vld.idx.msk [tilespmem:v5+s12+$0x0], $0xffff  }
0x78: {  	v5 =	vand.u32 $0x3F, v20;
	v22 =	vld.idx.msk [tilespmem:v7+s14+$0x0], $0xffff  }
0x79: {  	v28 =	vld.idx.msk [tilespmem:v12+s14+$0x0], $0xffff;
	v23 =	vor.u32 v1, v5  }
0x7a: {  	s30 =	simm.s32 $0x2;
	v31 =	vor.u32 v3, v5  }
0x7b: {  	v15 =	vmov s30;
	v13 =	vld.idx.msk [tilespmem:v13+s14+$0x0], $0xffff;
	v29 =	vor.u32 v2, v5  }
0x7c: {  	v62 =	vand.u32 $0x3F, v15;
	v14 =	vld.idx.msk [tilespmem:v14+s14+$0x0], $0x3;
	v21 =	vor.u32 v4, v5  }
0x7d: {  	v60 =	vor.u32 v1, v62;
	v30 =	vor.u32 v2, v62;
	v5 =	vld.idx.msk [tilespmem:v20+s12+$0x0], $0xffff  }
0x7e: {  	v7 =	vimm.f32 $0.0e+00;
	v61 =	vmul.f32 v22, v6;
	v63 =	vmul.f32 v28, v6;
	v12 =	vld.idx.msk [tilespmem:v23+s14+$0x0], $0xffff  }
0x7f: {  	s30 =	simm.s32 $0x3;
	v28 =	vimm.f32 $0.0e+00;
	v22 =	vimm.f32 $0.0e+00;
	v20 =	vld.idx.msk [tilespmem:v31+s14+$0x0], $0xffff;
	v23 =	vimm.f32 $0.0e+00  }
.LBB2_3:
0x80: {  	p0 =	sne.s32 s30, $0x3F;
	v31 =	vor.u32 v3, v62;
	v62 =	vor.u32 v4, v62;
	v36 =	vmul.f32 v13, v6;
	v13 =	vld.idx.msk [tilespmem:v29+s14+$0x0], $0xffff;
	s31 =	smov.u32 s30;
	s30 =	sadd.s32 $0x1, s30  }
.Ltmp0:
0x81: {  	v37 =	vmul.f32 v14, v6;
	v29 =	vmovc v30;
	v7 =	vadd.f32 v63, v7;
	v14 =	vld.idx.msk [tilespmem:v21+s14+$0x0], $0x3;
	v21 =	vmov v62;
	(pc) =	sbr.rel @p0 .LBB2_3-.Ltmp0, $4  }
0x82: {  	v23 =	vadd.f32 v61, v23;
	v28 =	vadd.f32 v36, v28  }
0x83: {  	v22 =	vadd.f32 v37, v22;
	v6 =	vmov v5;
	v5 =	vld.idx.msk [tilespmem:v15+s12+$0x0], $0xffff;
	v15 =	vmov s31  }
0x84: {  	v61 =	vmul.f32 v12, v6;
	v62 =	vand.u32 $0x3F, v15;
	v12 =	vld.idx.msk [tilespmem:v60+s14+$0x0], $0xffff  }
0x85: {  	v63 =	vmul.f32 v20, v6;
	v60 =	vor.u32 v1, v62;
	v30 =	vor.u32 v2, v62;
	v20 =	vld.idx.msk [tilespmem:v31+s14+$0x0], $0xffff  }
0x86: {  	_ =	sdelay $0x3  }
0x87: {  	v29 =	vld.idx.msk [tilespmem:v29+s14+$0x0], $0xffff  }
0x88: {  	v21 =	vld.idx.msk [tilespmem:v21+s14+$0x0], $0x3  }
0x89: {  	v15 =	vld.idx.msk [tilespmem:v15+s12+$0x0], $0xffff  }
0x8a: {  	v60 =	vld.idx.msk [tilespmem:v60+s14+$0x0], $0xffff;
	_ =	sdelay $0x1  }
0x8b: {  	v31 =	vor.u32 v3, v62;
	v13 =	vmul.f32 v13, v6;
	v6 =	vmul.f32 v14, v6  }
0x8c: {  	v36 =	vor.u32 v4, v62;
	v23 =	vadd.f32 v61, v23;
	v12 =	vmul.f32 v12, v5  }
0x8d: {  	v6 =	vadd.f32 v6, v22;
	v20 =	vmul.f32 v20, v5;
	v22 =	vmul.f32 v29, v5  }
0x8e: {  	v5 =	vmul.f32 v21, v5;
	v12 =	vadd.f32 v12, v23;
	v21 =	vmul.f32 v60, v15  }
0x8f: {  	v14 =	vld.idx.msk [tilespmem:v30+s14+$0x0], $0xffff  }
0x90: {  	v13 =	vadd.f32 v13, v28;
	v28 =	vld.idx.msk [tilespmem:v31+s14+$0x0], $0xffff;
	v12 =	vadd.f32 v21, v12  }
0x91: {  	v29 =	vld.idx.msk [tilespmem:v36+s14+$0x0], $0x3  }
0x92: {  	[tilespmem:v0+s25+$0x0] =	vst.idx.msk $0xffff, v12;
	v12 =	vld [tilespmem:$0x1FEE0];
	_ =	sdelay $0x3  }
0x93: {  	v14 =	vmul.f32 v14, v15;
	v13 =	vadd.f32 v22, v13;
	_ =	sdelay $0x1  }
0x94: {  	v13 =	vadd.f32 v14, v13;
	_ =	sdelay $0x1  }
0x95: {  	[tilespmem:v12+s25+$0x0] =	vst.idx.msk $0xffff, v13;
	v13 =	vld [tilespmem:$0x1FEF0];
	_ =	sdelay $0x1  }
0x96: {  	v7 =	vadd.f32 v63, v7;
	_ =	sdelay $0x1  }
0x97: {  	v7 =	vadd.f32 v20, v7;
	v5 =	vadd.f32 v5, v6;
	v6 =	vmul.f32 v28, v15;
	_ =	sdelay $0x1  }
0x98: {  	v6 =	vadd.f32 v6, v7;
	_ =	sdelay $0x1  }
0x99: {  	s30 =	simm.s32 $0x0;
	[tilespmem:v13+s25+$0x0] =	vst.idx.msk $0xffff, v6;
	v13 =	vld [tilespmem:$0x1FF00]  }
0x9a: {  	v20 =	vmov s30  }
0x9b: {  	v20 =	vand.u32 $0x3F, v20  }
0x9c: {  	v20 =	vbroadcast v20, $0x0  }
0x9d: {  	v15 =	vmul.f32 v29, v15  }
0x9e: {  	s30 =	simm.s32 $0x1;
	v14 =	vor.u32 $0x40, v20  }
0x9f: {  	v7 =	vor.u32 v8, v20;
	v5 =	vadd.f32 v15, v5;
	v12 =	vmov s30  }
0xa0: {  	v12 =	vand.u32 $0x3F, v12;
	v6 =	vor.u32 v11, v20  }
0xa1: {  	v12 =	vbroadcast v12, $0x0;
	[tilespmem:v13+s25+$0x0] =	vst.idx.msk $0x3, v5;
	v5 =	vor.u32 v9, v20  }
0xa2: {  	v13 =	vor.u32 v10, v20  }
0xa3: {  	s30 =	simm.s32 $0x2;
	v20 =	vor.u32 v8, v12;
	v61 =	vld.idx.msk [tilespmem:v14+s12+$0x0], $0xffff  }
0xa4: {  	v14 =	vor.u32 $0x40, v12;
	v15 =	vld.idx.msk [tilespmem:v7+s14+$0x0], $0xffff;
	v7 =	vmov s30  }
0xa5: {  	v63 =	vor.u32 v11, v12;
	v6 =	vld.idx.msk [tilespmem:v6+s14+$0x0], $0x3;
	v21 =	vand.u32 $0x3F, v7  }
0xa6: {  	v29 =	vbroadcast v21, $0x0;
	v21 =	vor.u32 v9, v12;
	v7 =	vld.idx.msk [tilespmem:v5+s14+$0x0], $0xffff  }
0xa7: {  	v60 =	vimm.f32 $0.0e+00;
	v22 =	vor.u32 v10, v12;
	v13 =	vld.idx.msk [tilespmem:v13+s14+$0x0], $0xffff  }
0xa8: {  	v23 =	vor.u32 $0x40, v29;
	v62 =	vor.u32 v8, v29;
	v12 =	vld.idx.msk [tilespmem:v20+s14+$0x0], $0xffff;
	v20 =	vimm.f32 $0.0e+00  }
0xa9: {  	s30 =	simm.s32 $0x3;
	v5 =	vld.idx.msk [tilespmem:v14+s12+$0x0], $0xffff;
	v28 =	vmul.f32 v15, v61;
	v15 =	vimm.f32 $0.0e+00;
	v14 =	vimm.f32 $0.0e+00  }
.LBB2_5:
0xaa: {  	p0 =	sne.s32 s30, $0x3F;
	v30 =	vor.u32 v9, v29;
	v31 =	vor.u32 v10, v29;
	v36 =	vmul.f32 v6, v61;
	v6 =	vld.idx.msk [tilespmem:v63+s14+$0x0], $0x3;
	s31 =	smov.u32 s30;
	s30 =	sadd.s32 $0x1, s30  }
.Ltmp1:
0xab: {  	v63 =	vor.u32 v11, v29;
	v38 =	vmul.f32 v7, v61;
	v37 =	vmov s31;
	v7 =	vld.idx.msk [tilespmem:v21+s14+$0x0], $0xffff;
	v21 =	vmovc v30;
	(pc) =	sbr.rel @p0 .LBB2_5-.Ltmp1, $4  }
0xac: {  	v30 =	vmul.f32 v13, v61;
	v29 =	vand.u32 $0x3F, v37;
	v13 =	vld.idx.msk [tilespmem:v22+s14+$0x0], $0xffff;
	v60 =	vadd.f32 v36, v60;
	v22 =	vmovc v31  }
0xad: {  	v15 =	vadd.f32 v28, v15;
	v29 =	vbroadcast v29, $0x0  }
0xae: {  	v20 =	vadd.f32 v38, v20;
	v14 =	vadd.f32 v30, v14;
	v61 =	vmov v5;
	v5 =	vld.idx.msk [tilespmem:v23+s12+$0x0], $0xffff  }
0xaf: {  	v28 =	vmul.f32 v12, v61;
	v23 =	vor.u32 $0x40, v29;
	v12 =	vld.idx.msk [tilespmem:v62+s14+$0x0], $0xffff;
	v62 =	vor.u32 v8, v29  }
0xb0: {  	_ =	sdelay $0x2  }
0xb1: {  	v36 =	vor.u32 v10, v29  }
0xb2: {  	v31 =	vld.idx.msk [tilespmem:v63+s14+$0x0], $0x3  }
0xb3: {  	v21 =	vld.idx.msk [tilespmem:v21+s14+$0x0], $0xffff  }
0xb4: {  	v22 =	vld.idx.msk [tilespmem:v22+s14+$0x0], $0xffff  }
0xb5: {  	v23 =	vld.idx.msk [tilespmem:v23+s12+$0x0], $0xffff  }
0xb6: {  	v7 =	vmul.f32 v7, v61;
	v15 =	vadd.f32 v28, v15;
	v28 =	vld.idx.msk [tilespmem:v36+s14+$0x0], $0xffff  }
0xb7: {  	v13 =	vmul.f32 v13, v61  }
0xb8: {  	v7 =	vadd.f32 v7, v20;
	v12 =	vmul.f32 v12, v5;
	v20 =	vmul.f32 v31, v5  }
0xb9: {  	v13 =	vadd.f32 v13, v14;
	v21 =	vmul.f32 v21, v5;
	v5 =	vmul.f32 v22, v5;
	_ =	sdelay $0x1  }
0xba: {  	v5 =	vadd.f32 v5, v13;
	v13 =	vmul.f32 v28, v23  }
0xbb: {  	v37 =	vld.idx.msk [tilespmem:v62+s14+$0x0], $0xffff  }
0xbc: {  	v5 =	vadd.f32 v13, v5;
	v13 =	vld [tilespmem:$0x1FF10]  }
0xbd: {  	v30 =	vor.u32 v9, v29  }
0xbe: {  	v29 =	vor.u32 v11, v29;
	_ =	sdelay $0x1  }
0xbf: {  	v12 =	vadd.f32 v12, v15;
	v15 =	vmul.f32 v37, v23;
	_ =	sdelay $0x1  }
0xc0: {  	v30 =	vld.idx.msk [tilespmem:v30+s14+$0x0], $0xffff;
	v12 =	vadd.f32 v15, v12  }
0xc1: {  	v14 =	vld.idx.msk [tilespmem:v29+s14+$0x0], $0x3  }
0xc2: {  	[tilespmem:v13+s25+$0x0] =	vst.idx.msk $0xffff, v12;
	v13 =	vld [tilespmem:$0x1FF20];
	_ =	sdelay $0x3  }
0xc3: {  	v7 =	vadd.f32 v21, v7;
	v21 =	vmul.f32 v30, v23;
	_ =	sdelay $0x1  }
0xc4: {  	v7 =	vadd.f32 v21, v7;
	_ =	sdelay $0x1  }
0xc5: {  	[tilespmem:v13+s25+$0x0] =	vst.idx.msk $0xffff, v7;
	v13 =	vld [tilespmem:$0x1FF30];
	_ =	sdelay $0x4  }
0xc6: {  	v6 =	vmul.f32 v6, v61;
	_ =	sdelay $0x1  }
0xc7: {  	v6 =	vadd.f32 v6, v60  }
0xc8: {  	s30 =	simm.s32 $0x0;
	[tilespmem:v13+s25+$0x0] =	vst.idx.msk $0xffff, v5;
	v13 =	vld [tilespmem:$0x1FF40]  }
0xc9: {  	v6 =	vadd.f32 v20, v6;
	v20 =	vmov s30  }
0xca: {  	v20 =	vand.u32 $0x3F, v20  }
0xcb: {  	v20 =	vbroadcast v20, $0x0  }
0xcc: {  	v14 =	vmul.f32 v14, v23  }
0xcd: {  	s30 =	simm.s32 $0x1;
	v15 =	vor.u32 $0x80, v20  }
0xce: {  	v6 =	vadd.f32 v14, v6;
	v12 =	vor.u32 v16, v20;
	v7 =	vmov s30  }
0xcf: {  	v7 =	vand.u32 $0x3F, v7;
	v5 =	vor.u32 v19, v20  }
0xd0: {  	v14 =	vbroadcast v7, $0x0;
	[tilespmem:v13+s25+$0x0] =	vst.idx.msk $0x3, v6;
	v13 =	vor.u32 v17, v20  }
0xd1: {  	v20 =	vor.u32 v18, v20  }
0xd2: {  	s30 =	simm.s32 $0x2;
	v61 =	vld.idx.msk [tilespmem:v15+s12+$0x0], $0xffff;
	v15 =	vor.u32 $0x80, v14  }
0xd3: {  	v7 =	vmov s30;
	v30 =	vor.u32 v16, v14;
	v12 =	vld.idx.msk [tilespmem:v12+s14+$0x0], $0xffff  }
0xd4: {  	v63 =	vor.u32 v19, v14;
	v6 =	vld.idx.msk [tilespmem:v5+s14+$0x0], $0x3;
	v5 =	vand.u32 $0x3F, v7  }
0xd5: {  	v21 =	vor.u32 v17, v14;
	v29 =	vbroadcast v5, $0x0;
	v7 =	vld.idx.msk [tilespmem:v13+s14+$0x0], $0xffff  }
0xd6: {  	v60 =	vimm.f32 $0.0e+00;
	v22 =	vor.u32 v18, v14;
	v13 =	vld.idx.msk [tilespmem:v20+s14+$0x0], $0xffff  }
0xd7: {  	v14 =	vimm.f32 $0.0e+00;
	v23 =	vor.u32 $0x80, v29;
	v62 =	vor.u32 v16, v29;
	v5 =	vld.idx.msk [tilespmem:v15+s12+$0x0], $0xffff  }
0xd8: {  	s30 =	simm.s32 $0x3;
	v20 =	vimm.f32 $0.0e+00;
	v28 =	vmul.f32 v12, v61;
	v12 =	vld.idx.msk [tilespmem:v30+s14+$0x0], $0xffff;
	v15 =	vimm.f32 $0.0e+00  }
.LBB2_7:
0xd9: {  	p0 =	sne.s32 s30, $0x3F;
	v30 =	vor.u32 v17, v29;
	v31 =	vor.u32 v18, v29;
	v36 =	vmul.f32 v6, v61;
	v6 =	vld.idx.msk [tilespmem:v63+s14+$0x0], $0x3;
	s31 =	smov.u32 s30;
	s30 =	sadd.s32 $0x1, s30  }
.Ltmp2:
0xda: {  	v63 =	vor.u32 v19, v29;
	v38 =	vmul.f32 v7, v61;
	v37 =	vmov s31;
	v7 =	vld.idx.msk [tilespmem:v21+s14+$0x0], $0xffff;
	v21 =	vmovc v30;
	(pc) =	sbr.rel @p0 .LBB2_7-.Ltmp2, $4  }
0xdb: {  	v30 =	vmul.f32 v13, v61;
	v29 =	vand.u32 $0x3F, v37;
	v13 =	vld.idx.msk [tilespmem:v22+s14+$0x0], $0xffff;
	v60 =	vadd.f32 v36, v60;
	v22 =	vmovc v31  }
0xdc: {  	v15 =	vadd.f32 v28, v15;
	v29 =	vbroadcast v29, $0x0  }
0xdd: {  	v20 =	vadd.f32 v38, v20;
	v14 =	vadd.f32 v30, v14;
	v61 =	vmov v5;
	v5 =	vld.idx.msk [tilespmem:v23+s12+$0x0], $0xffff  }
0xde: {  	v28 =	vmul.f32 v12, v61;
	v23 =	vor.u32 $0x80, v29;
	v12 =	vld.idx.msk [tilespmem:v62+s14+$0x0], $0xffff;
	v62 =	vor.u32 v16, v29  }
0xdf: {  	_ =	sdelay $0x2  }
0xe0: {  	v36 =	vor.u32 v18, v29  }
0xe1: {  	v31 =	vld.idx.msk [tilespmem:v63+s14+$0x0], $0x3  }
0xe2: {  	v21 =	vld.idx.msk [tilespmem:v21+s14+$0x0], $0xffff  }
0xe3: {  	v22 =	vld.idx.msk [tilespmem:v22+s14+$0x0], $0xffff  }
0xe4: {  	v23 =	vld.idx.msk [tilespmem:v23+s12+$0x0], $0xffff  }
0xe5: {  	v7 =	vmul.f32 v7, v61;
	v15 =	vadd.f32 v28, v15;
	v28 =	vld.idx.msk [tilespmem:v36+s14+$0x0], $0xffff  }
0xe6: {  	v13 =	vmul.f32 v13, v61  }
0xe7: {  	v7 =	vadd.f32 v7, v20;
	v12 =	vmul.f32 v12, v5;
	v20 =	vmul.f32 v31, v5  }
0xe8: {  	v13 =	vadd.f32 v13, v14;
	v21 =	vmul.f32 v21, v5;
	v5 =	vmul.f32 v22, v5;
	_ =	sdelay $0x1  }
0xe9: {  	v5 =	vadd.f32 v5, v13;
	v13 =	vmul.f32 v28, v23  }
0xea: {  	v37 =	vld.idx.msk [tilespmem:v62+s14+$0x0], $0xffff  }
0xeb: {  	v5 =	vadd.f32 v13, v5;
	v13 =	vld [tilespmem:$0x1FF50]  }
0xec: {  	v30 =	vor.u32 v17, v29  }
0xed: {  	v29 =	vor.u32 v19, v29;
	_ =	sdelay $0x1  }
0xee: {  	v12 =	vadd.f32 v12, v15;
	v15 =	vmul.f32 v37, v23;
	_ =	sdelay $0x1  }
0xef: {  	v30 =	vld.idx.msk [tilespmem:v30+s14+$0x0], $0xffff;
	v12 =	vadd.f32 v15, v12  }
0xf0: {  	v14 =	vld.idx.msk [tilespmem:v29+s14+$0x0], $0x3  }
0xf1: {  	[tilespmem:v13+s25+$0x0] =	vst.idx.msk $0xffff, v12;
	v13 =	vld [tilespmem:$0x1FF60];
	_ =	sdelay $0x3  }
0xf2: {  	v7 =	vadd.f32 v21, v7;
	v21 =	vmul.f32 v30, v23;
	_ =	sdelay $0x1  }
0xf3: {  	v7 =	vadd.f32 v21, v7;
	_ =	sdelay $0x1  }
0xf4: {  	[tilespmem:v13+s25+$0x0] =	vst.idx.msk $0xffff, v7;
	v13 =	vld [tilespmem:$0x1FF70];
	_ =	sdelay $0x4  }
0xf5: {  	v6 =	vmul.f32 v6, v61;
	_ =	sdelay $0x1  }
0xf6: {  	v6 =	vadd.f32 v6, v60  }
0xf7: {  	s30 =	simm.s32 $0x0;
	[tilespmem:v13+s25+$0x0] =	vst.idx.msk $0xffff, v5;
	v13 =	vld [tilespmem:$0x1FF80]  }
0xf8: {  	v6 =	vadd.f32 v20, v6;
	v20 =	vmov s30  }
0xf9: {  	v20 =	vand.u32 $0x3F, v20  }
0xfa: {  	v20 =	vbroadcast v20, $0x0  }
0xfb: {  	v14 =	vmul.f32 v14, v23  }
0xfc: {  	s30 =	simm.s32 $0x1;
	v15 =	vor.u32 $0xC0, v20  }
0xfd: {  	v6 =	vadd.f32 v14, v6;
	v12 =	vor.u32 v24, v20;
	v7 =	vmov s30  }
0xfe: {  	v7 =	vand.u32 $0x3F, v7;
	v5 =	vor.u32 v27, v20  }
0xff: {  	v14 =	vbroadcast v7, $0x0;
	[tilespmem:v13+s25+$0x0] =	vst.idx.msk $0x3, v6;
	v13 =	vor.u32 v25, v20  }
0x100: {  	v20 =	vor.u32 v26, v20  }
0x101: {  	s30 =	simm.s32 $0x2;
	v61 =	vld.idx.msk [tilespmem:v15+s12+$0x0], $0xffff;
	v15 =	vor.u32 $0xC0, v14  }
0x102: {  	v7 =	vmov s30;
	v30 =	vor.u32 v24, v14;
	v12 =	vld.idx.msk [tilespmem:v12+s14+$0x0], $0xffff  }
0x103: {  	v63 =	vor.u32 v27, v14;
	v6 =	vld.idx.msk [tilespmem:v5+s14+$0x0], $0x3;
	v5 =	vand.u32 $0x3F, v7  }
0x104: {  	v21 =	vor.u32 v25, v14;
	v29 =	vbroadcast v5, $0x0;
	v7 =	vld.idx.msk [tilespmem:v13+s14+$0x0], $0xffff  }
0x105: {  	v60 =	vimm.f32 $0.0e+00;
	v22 =	vor.u32 v26, v14;
	v13 =	vld.idx.msk [tilespmem:v20+s14+$0x0], $0xffff  }
0x106: {  	v14 =	vimm.f32 $0.0e+00;
	v23 =	vor.u32 $0xC0, v29;
	v62 =	vor.u32 v24, v29;
	v5 =	vld.idx.msk [tilespmem:v15+s12+$0x0], $0xffff  }
0x107: {  	s30 =	simm.s32 $0x3;
	v20 =	vimm.f32 $0.0e+00;
	v28 =	vmul.f32 v12, v61;
	v12 =	vld.idx.msk [tilespmem:v30+s14+$0x0], $0xffff;
	v15 =	vimm.f32 $0.0e+00  }
.LBB2_9:
0x108: {  	p0 =	sne.s32 s30, $0x3F;
	v30 =	vor.u32 v25, v29;
	v31 =	vor.u32 v26, v29;
	v36 =	vmul.f32 v6, v61;
	v6 =	vld.idx.msk [tilespmem:v63+s14+$0x0], $0x3;
	s31 =	smov.u32 s30;
	s30 =	sadd.s32 $0x1, s30  }
.Ltmp3:
0x109: {  	v63 =	vor.u32 v27, v29;
	v38 =	vmul.f32 v7, v61;
	v37 =	vmov s31;
	v7 =	vld.idx.msk [tilespmem:v21+s14+$0x0], $0xffff;
	v21 =	vmovc v30;
	(pc) =	sbr.rel @p0 .LBB2_9-.Ltmp3, $4  }
0x10a: {  	v30 =	vmul.f32 v13, v61;
	v29 =	vand.u32 $0x3F, v37;
	v13 =	vld.idx.msk [tilespmem:v22+s14+$0x0], $0xffff;
	v60 =	vadd.f32 v36, v60;
	v22 =	vmovc v31  }
0x10b: {  	v15 =	vadd.f32 v28, v15;
	v29 =	vbroadcast v29, $0x0  }
0x10c: {  	v20 =	vadd.f32 v38, v20;
	v14 =	vadd.f32 v30, v14;
	v61 =	vmov v5;
	v5 =	vld.idx.msk [tilespmem:v23+s12+$0x0], $0xffff  }
0x10d: {  	v28 =	vmul.f32 v12, v61;
	v23 =	vor.u32 $0xC0, v29;
	v12 =	vld.idx.msk [tilespmem:v62+s14+$0x0], $0xffff;
	v62 =	vor.u32 v24, v29  }
0x10e: {  	_ =	sdelay $0x2  }
0x10f: {  	v36 =	vor.u32 v26, v29  }
0x110: {  	v31 =	vld.idx.msk [tilespmem:v63+s14+$0x0], $0x3  }
0x111: {  	v21 =	vld.idx.msk [tilespmem:v21+s14+$0x0], $0xffff  }
0x112: {  	v22 =	vld.idx.msk [tilespmem:v22+s14+$0x0], $0xffff  }
0x113: {  	v23 =	vld.idx.msk [tilespmem:v23+s12+$0x0], $0xffff  }
0x114: {  	v7 =	vmul.f32 v7, v61;
	v15 =	vadd.f32 v28, v15;
	v28 =	vld.idx.msk [tilespmem:v36+s14+$0x0], $0xffff  }
0x115: {  	v13 =	vmul.f32 v13, v61  }
0x116: {  	v7 =	vadd.f32 v7, v20;
	v12 =	vmul.f32 v12, v5;
	v20 =	vmul.f32 v31, v5  }
0x117: {  	v13 =	vadd.f32 v13, v14;
	v21 =	vmul.f32 v21, v5;
	v5 =	vmul.f32 v22, v5;
	_ =	sdelay $0x1  }
0x118: {  	v5 =	vadd.f32 v5, v13;
	v13 =	vmul.f32 v28, v23  }
0x119: {  	v37 =	vld.idx.msk [tilespmem:v62+s14+$0x0], $0xffff  }
0x11a: {  	v5 =	vadd.f32 v13, v5;
	v13 =	vld [tilespmem:$0x1FF90]  }
0x11b: {  	v30 =	vor.u32 v25, v29  }
0x11c: {  	v29 =	vor.u32 v27, v29;
	_ =	sdelay $0x1  }
0x11d: {  	v12 =	vadd.f32 v12, v15;
	v15 =	vmul.f32 v37, v23;
	_ =	sdelay $0x1  }
0x11e: {  	v30 =	vld.idx.msk [tilespmem:v30+s14+$0x0], $0xffff;
	v12 =	vadd.f32 v15, v12  }
0x11f: {  	v14 =	vld.idx.msk [tilespmem:v29+s14+$0x0], $0x3  }
0x120: {  	[tilespmem:v13+s25+$0x0] =	vst.idx.msk $0xffff, v12;
	v13 =	vld [tilespmem:$0x1FFA0];
	_ =	sdelay $0x3  }
0x121: {  	v7 =	vadd.f32 v21, v7;
	v21 =	vmul.f32 v30, v23;
	_ =	sdelay $0x1  }
0x122: {  	v7 =	vadd.f32 v21, v7;
	_ =	sdelay $0x1  }
0x123: {  	[tilespmem:v13+s25+$0x0] =	vst.idx.msk $0xffff, v7;
	v13 =	vld [tilespmem:$0x1FFB0];
	_ =	sdelay $0x4  }
0x124: {  	v6 =	vmul.f32 v6, v61;
	_ =	sdelay $0x1  }
0x125: {  	v6 =	vadd.f32 v6, v60  }
0x126: {  	s30 =	simm.s32 $0x0;
	[tilespmem:v13+s25+$0x0] =	vst.idx.msk $0xffff, v5;
	v13 =	vld [tilespmem:$0x1FFC0]  }
0x127: {  	v6 =	vadd.f32 v20, v6;
	v20 =	vmov s30  }
0x128: {  	v20 =	vand.u32 $0x3F, v20  }
0x129: {  	v20 =	vbroadcast v20, $0x0  }
0x12a: {  	v14 =	vmul.f32 v14, v23  }
0x12b: {  	s30 =	simm.s32 $0x1;
	v15 =	vor.u32 $0x100, v20  }
0x12c: {  	v6 =	vadd.f32 v14, v6;
	v12 =	vor.u32 v32, v20;
	v7 =	vmov s30  }
0x12d: {  	v7 =	vand.u32 $0x3F, v7;
	v5 =	vor.u32 v35, v20  }
0x12e: {  	v14 =	vbroadcast v7, $0x0;
	[tilespmem:v13+s25+$0x0] =	vst.idx.msk $0x3, v6;
	v13 =	vor.u32 v33, v20  }
0x12f: {  	v20 =	vor.u32 v34, v20  }
0x130: {  	s30 =	simm.s32 $0x2;
	v61 =	vld.idx.msk [tilespmem:v15+s12+$0x0], $0xffff;
	v15 =	vor.u32 $0x100, v14  }
0x131: {  	v7 =	vmov s30;
	v30 =	vor.u32 v32, v14;
	v12 =	vld.idx.msk [tilespmem:v12+s14+$0x0], $0xffff  }
0x132: {  	v63 =	vor.u32 v35, v14;
	v6 =	vld.idx.msk [tilespmem:v5+s14+$0x0], $0x3;
	v5 =	vand.u32 $0x3F, v7  }
0x133: {  	v21 =	vor.u32 v33, v14;
	v29 =	vbroadcast v5, $0x0;
	v7 =	vld.idx.msk [tilespmem:v13+s14+$0x0], $0xffff  }
0x134: {  	v60 =	vimm.f32 $0.0e+00;
	v22 =	vor.u32 v34, v14;
	v13 =	vld.idx.msk [tilespmem:v20+s14+$0x0], $0xffff  }
0x135: {  	v14 =	vimm.f32 $0.0e+00;
	v23 =	vor.u32 $0x100, v29;
	v62 =	vor.u32 v32, v29;
	v5 =	vld.idx.msk [tilespmem:v15+s12+$0x0], $0xffff  }
0x136: {  	s30 =	simm.s32 $0x3;
	v20 =	vimm.f32 $0.0e+00;
	v28 =	vmul.f32 v12, v61;
	v12 =	vld.idx.msk [tilespmem:v30+s14+$0x0], $0xffff;
	v15 =	vimm.f32 $0.0e+00  }
.LBB2_11:
0x137: {  	p0 =	sne.s32 s30, $0x3F;
	v30 =	vor.u32 v33, v29;
	v31 =	vor.u32 v34, v29;
	v36 =	vmul.f32 v6, v61;
	v6 =	vld.idx.msk [tilespmem:v63+s14+$0x0], $0x3;
	s31 =	smov.u32 s30;
	s30 =	sadd.s32 $0x1, s30  }
.Ltmp4:
0x138: {  	v63 =	vor.u32 v35, v29;
	v38 =	vmul.f32 v7, v61;
	v37 =	vmov s31;
	v7 =	vld.idx.msk [tilespmem:v21+s14+$0x0], $0xffff;
	v21 =	vmovc v30;
	(pc) =	sbr.rel @p0 .LBB2_11-.Ltmp4, $4  }
0x139: {  	v30 =	vmul.f32 v13, v61;
	v29 =	vand.u32 $0x3F, v37;
	v13 =	vld.idx.msk [tilespmem:v22+s14+$0x0], $0xffff;
	v60 =	vadd.f32 v36, v60;
	v22 =	vmovc v31  }
0x13a: {  	v15 =	vadd.f32 v28, v15;
	v29 =	vbroadcast v29, $0x0  }
0x13b: {  	v20 =	vadd.f32 v38, v20;
	v14 =	vadd.f32 v30, v14;
	v61 =	vmov v5;
	v5 =	vld.idx.msk [tilespmem:v23+s12+$0x0], $0xffff  }
0x13c: {  	v28 =	vmul.f32 v12, v61;
	v23 =	vor.u32 $0x100, v29;
	v12 =	vld.idx.msk [tilespmem:v62+s14+$0x0], $0xffff;
	v62 =	vor.u32 v32, v29  }
0x13d: {  	_ =	sdelay $0x2  }
0x13e: {  	v36 =	vor.u32 v34, v29  }
0x13f: {  	v31 =	vld.idx.msk [tilespmem:v63+s14+$0x0], $0x3  }
0x140: {  	v21 =	vld.idx.msk [tilespmem:v21+s14+$0x0], $0xffff  }
0x141: {  	v22 =	vld.idx.msk [tilespmem:v22+s14+$0x0], $0xffff  }
0x142: {  	v23 =	vld.idx.msk [tilespmem:v23+s12+$0x0], $0xffff  }
0x143: {  	v7 =	vmul.f32 v7, v61;
	v15 =	vadd.f32 v28, v15;
	v28 =	vld.idx.msk [tilespmem:v36+s14+$0x0], $0xffff  }
0x144: {  	v13 =	vmul.f32 v13, v61  }
0x145: {  	v7 =	vadd.f32 v7, v20;
	v12 =	vmul.f32 v12, v5;
	v20 =	vmul.f32 v31, v5  }
0x146: {  	v13 =	vadd.f32 v13, v14;
	v21 =	vmul.f32 v21, v5;
	v5 =	vmul.f32 v22, v5;
	_ =	sdelay $0x1  }
0x147: {  	v5 =	vadd.f32 v5, v13;
	v13 =	vmul.f32 v28, v23  }
0x148: {  	v37 =	vld.idx.msk [tilespmem:v62+s14+$0x0], $0xffff  }
0x149: {  	v5 =	vadd.f32 v13, v5;
	v13 =	vld [tilespmem:$0x1FFD0]  }
0x14a: {  	v30 =	vor.u32 v33, v29  }
0x14b: {  	v29 =	vor.u32 v35, v29;
	_ =	sdelay $0x1  }
0x14c: {  	v12 =	vadd.f32 v12, v15;
	v15 =	vmul.f32 v37, v23;
	_ =	sdelay $0x1  }
0x14d: {  	v30 =	vld.idx.msk [tilespmem:v30+s14+$0x0], $0xffff;
	v12 =	vadd.f32 v15, v12  }
0x14e: {  	v14 =	vld.idx.msk [tilespmem:v29+s14+$0x0], $0x3  }
0x14f: {  	[tilespmem:v13+s25+$0x0] =	vst.idx.msk $0xffff, v12;
	v13 =	vld [tilespmem:$0x1FFE0];
	_ =	sdelay $0x3  }
0x150: {  	v7 =	vadd.f32 v21, v7;
	v21 =	vmul.f32 v30, v23  }
0x151: {  	v6 =	vmul.f32 v6, v61  }
0x152: {  	v7 =	vadd.f32 v21, v7  }
0x153: {  	v6 =	vadd.f32 v6, v60  }
0x154: {  	s30 =	simm.s32 $0x0;
	[tilespmem:v13+s25+$0x0] =	vst.idx.msk $0xffff, v7;
	v13 =	vld [tilespmem:$0x1FFF0]  }
0x155: {  	v6 =	vadd.f32 v20, v6;
	v20 =	vmov s30  }
0x156: {  	v20 =	vand.u32 $0x3F, v20  }
0x157: {  	v20 =	vbroadcast v20, $0x0;
	_ =	sdelay $0x1  }
0x158: {  	v14 =	vmul.f32 v14, v23;
	v15 =	vor.u32 $0x140, v20  }
0x159: {  	s30 =	simm.s32 $0x1;
	v12 =	vor.u32 v40, v20  }
0x15a: {  	v6 =	vadd.f32 v14, v6;
	v7 =	vmov s30  }
0x15b: {  	v7 =	vand.u32 $0x3F, v7;
	[tilespmem:v13+s25+$0x0] =	vst.idx.msk $0xffff, v5;
	v5 =	vor.u32 v43, v20  }
0x15c: {  	v14 =	vbroadcast v7, $0x0;
	v13 =	vor.u32 v41, v20;
	[tilespmem:v39+s25+$0x0] =	vst.idx.msk $0x3, v6  }
0x15d: {  	v20 =	vor.u32 v42, v20;
	v61 =	vld.idx.msk [tilespmem:v15+s12+$0x0], $0xffff  }
0x15e: {  	v15 =	vor.u32 $0x140, v14;
	v12 =	vld.idx.msk [tilespmem:v12+s14+$0x0], $0xffff  }
0x15f: {  	s30 =	simm.s32 $0x2;
	v30 =	vor.u32 v40, v14  }
0x160: {  	v7 =	vmov s30;
	v63 =	vor.u32 v43, v14;
	v6 =	vld.idx.msk [tilespmem:v5+s14+$0x0], $0x3  }
0x161: {  	v21 =	vor.u32 v41, v14;
	v5 =	vand.u32 $0x3F, v7;
	v7 =	vld.idx.msk [tilespmem:v13+s14+$0x0], $0xffff  }
0x162: {  	v60 =	vimm.f32 $0.0e+00;
	v22 =	vor.u32 v42, v14;
	v13 =	vld.idx.msk [tilespmem:v20+s14+$0x0], $0xffff;
	v29 =	vbroadcast v5, $0x0  }
0x163: {  	v14 =	vimm.f32 $0.0e+00;
	v20 =	vimm.f32 $0.0e+00;
	v5 =	vld.idx.msk [tilespmem:v15+s12+$0x0], $0xffff;
	v28 =	vmul.f32 v12, v61  }
0x164: {  	s30 =	simm.s32 $0x3;
	v12 =	vld.idx.msk [tilespmem:v30+s14+$0x0], $0xffff;
	v15 =	vimm.f32 $0.0e+00;
	v23 =	vor.u32 $0x140, v29;
	v62 =	vor.u32 v40, v29  }
.LBB2_13:
0x165: {  	p0 =	sne.s32 s30, $0x3F;
	v30 =	vor.u32 v41, v29;
	v31 =	vor.u32 v42, v29;
	v36 =	vmul.f32 v6, v61;
	v6 =	vld.idx.msk [tilespmem:v63+s14+$0x0], $0x3;
	s31 =	smov.u32 s30;
	s30 =	sadd.s32 $0x1, s30  }
.Ltmp5:
0x166: {  	v63 =	vor.u32 v43, v29;
	v38 =	vmul.f32 v7, v61;
	v37 =	vmov s31;
	v7 =	vld.idx.msk [tilespmem:v21+s14+$0x0], $0xffff;
	v21 =	vmovc v30;
	(pc) =	sbr.rel @p0 .LBB2_13-.Ltmp5, $4  }
0x167: {  	v30 =	vmul.f32 v13, v61;
	v29 =	vand.u32 $0x3F, v37;
	v13 =	vld.idx.msk [tilespmem:v22+s14+$0x0], $0xffff;
	v60 =	vadd.f32 v36, v60;
	v22 =	vmovc v31  }
0x168: {  	v15 =	vadd.f32 v28, v15;
	v29 =	vbroadcast v29, $0x0  }
0x169: {  	v20 =	vadd.f32 v38, v20;
	v14 =	vadd.f32 v30, v14;
	v61 =	vmov v5;
	v5 =	vld.idx.msk [tilespmem:v23+s12+$0x0], $0xffff  }
0x16a: {  	v28 =	vmul.f32 v12, v61;
	v23 =	vor.u32 $0x140, v29;
	v12 =	vld.idx.msk [tilespmem:v62+s14+$0x0], $0xffff;
	v62 =	vor.u32 v40, v29  }
0x16b: {  	_ =	sdelay $0x3  }
0x16c: {  	v30 =	vor.u32 v41, v29;
	v31 =	vld.idx.msk [tilespmem:v63+s14+$0x0], $0x3  }
0x16d: {  	v36 =	vor.u32 v42, v29;
	v21 =	vld.idx.msk [tilespmem:v21+s14+$0x0], $0xffff  }
0x16e: {  	v29 =	vor.u32 v43, v29;
	v22 =	vld.idx.msk [tilespmem:v22+s14+$0x0], $0xffff  }
0x16f: {  	v23 =	vld.idx.msk [tilespmem:v23+s12+$0x0], $0xffff  }
0x170: {  	v6 =	vmul.f32 v6, v61;
	v7 =	vmul.f32 v7, v61;
	v37 =	vld.idx.msk [tilespmem:v62+s14+$0x0], $0xffff  }
0x171: {  	v13 =	vmul.f32 v13, v61;
	v15 =	vadd.f32 v28, v15;
	v30 =	vld.idx.msk [tilespmem:v30+s14+$0x0], $0xffff  }
0x172: {  	v6 =	vadd.f32 v6, v60;
	v7 =	vadd.f32 v7, v20;
	v20 =	vmul.f32 v31, v5;
	v28 =	vld.idx.msk [tilespmem:v36+s14+$0x0], $0xffff  }
0x173: {  	s30 =	simm.s32 $0x0;
	v13 =	vadd.f32 v13, v14;
	v12 =	vmul.f32 v12, v5;
	v14 =	vld.idx.msk [tilespmem:v29+s14+$0x0], $0x3;
	v21 =	vmul.f32 v21, v5  }
0x174: {  	v5 =	vmul.f32 v22, v5;
	v6 =	vadd.f32 v20, v6;
	v20 =	vmov s30  }
0x175: {  	v12 =	vadd.f32 v12, v15;
	v15 =	vmul.f32 v37, v23;
	v20 =	vand.u32 $0x3F, v20  }
0x176: {  	v7 =	vadd.f32 v21, v7;
	v20 =	vbroadcast v20, $0x0;
	v21 =	vmul.f32 v30, v23  }
0x177: {  	v5 =	vadd.f32 v5, v13;
	v12 =	vadd.f32 v15, v12;
	v13 =	vmul.f32 v28, v23  }
0x178: {  	v14 =	vmul.f32 v14, v23;
	v15 =	vor.u32 $0x180, v20;
	v7 =	vadd.f32 v21, v7  }
0x179: {  	s30 =	simm.s32 $0x1;
	[tilespmem:v44+s25+$0x0] =	vst.idx.msk $0xffff, v12;
	v12 =	vor.u32 v48, v20;
	v5 =	vadd.f32 v13, v5  }
0x17a: {  	v6 =	vadd.f32 v14, v6;
	[tilespmem:v45+s25+$0x0] =	vst.idx.msk $0xffff, v7;
	v7 =	vmov s30  }
0x17b: {  	[tilespmem:v46+s25+$0x0] =	vst.idx.msk $0xffff, v5;
	v5 =	vor.u32 v51, v20;
	v7 =	vand.u32 $0x3F, v7  }
0x17c: {  	v13 =	vor.u32 v49, v20;
	[tilespmem:v47+s25+$0x0] =	vst.idx.msk $0x3, v6;
	v14 =	vbroadcast v7, $0x0  }
0x17d: {  	v20 =	vor.u32 v50, v20;
	v61 =	vld.idx.msk [tilespmem:v15+s12+$0x0], $0xffff  }
0x17e: {  	v12 =	vld.idx.msk [tilespmem:v12+s14+$0x0], $0xffff;
	v15 =	vor.u32 $0x180, v14  }
0x17f: {  	s30 =	simm.s32 $0x2;
	v30 =	vor.u32 v48, v14  }
0x180: {  	v7 =	vmov s30;
	v63 =	vor.u32 v51, v14;
	v6 =	vld.idx.msk [tilespmem:v5+s14+$0x0], $0x3  }
0x181: {  	v21 =	vor.u32 v49, v14;
	v5 =	vand.u32 $0x3F, v7;
	v7 =	vld.idx.msk [tilespmem:v13+s14+$0x0], $0xffff  }
0x182: {  	v60 =	vimm.f32 $0.0e+00;
	v22 =	vor.u32 v50, v14;
	v13 =	vld.idx.msk [tilespmem:v20+s14+$0x0], $0xffff;
	v29 =	vbroadcast v5, $0x0  }
0x183: {  	v14 =	vimm.f32 $0.0e+00;
	v20 =	vimm.f32 $0.0e+00;
	v28 =	vmul.f32 v12, v61;
	v5 =	vld.idx.msk [tilespmem:v15+s12+$0x0], $0xffff  }
0x184: {  	s30 =	simm.s32 $0x3;
	v23 =	vor.u32 $0x180, v29;
	v62 =	vor.u32 v48, v29;
	v12 =	vld.idx.msk [tilespmem:v30+s14+$0x0], $0xffff;
	v15 =	vimm.f32 $0.0e+00  }
.LBB2_15:
0x185: {  	p0 =	sne.s32 s30, $0x3F;
	v30 =	vor.u32 v49, v29;
	v31 =	vor.u32 v50, v29;
	v36 =	vmul.f32 v6, v61;
	v6 =	vld.idx.msk [tilespmem:v63+s14+$0x0], $0x3;
	s31 =	smov.u32 s30;
	s30 =	sadd.s32 $0x1, s30  }
.Ltmp6:
0x186: {  	v63 =	vor.u32 v51, v29;
	v38 =	vmul.f32 v7, v61;
	v37 =	vmov s31;
	v7 =	vld.idx.msk [tilespmem:v21+s14+$0x0], $0xffff;
	v21 =	vmovc v30;
	(pc) =	sbr.rel @p0 .LBB2_15-.Ltmp6, $4  }
0x187: {  	v30 =	vmul.f32 v13, v61;
	v29 =	vand.u32 $0x3F, v37;
	v13 =	vld.idx.msk [tilespmem:v22+s14+$0x0], $0xffff;
	v60 =	vadd.f32 v36, v60;
	v22 =	vmovc v31  }
0x188: {  	v15 =	vadd.f32 v28, v15;
	v29 =	vbroadcast v29, $0x0  }
0x189: {  	v20 =	vadd.f32 v38, v20;
	v14 =	vadd.f32 v30, v14;
	v61 =	vmov v5;
	v5 =	vld.idx.msk [tilespmem:v23+s12+$0x0], $0xffff  }
0x18a: {  	v28 =	vmul.f32 v12, v61;
	v23 =	vor.u32 $0x180, v29;
	v12 =	vld.idx.msk [tilespmem:v62+s14+$0x0], $0xffff;
	v62 =	vor.u32 v48, v29  }
0x18b: {  	_ =	sdelay $0x3  }
0x18c: {  	v30 =	vor.u32 v49, v29;
	v31 =	vld.idx.msk [tilespmem:v63+s14+$0x0], $0x3  }
0x18d: {  	v36 =	vor.u32 v50, v29;
	v21 =	vld.idx.msk [tilespmem:v21+s14+$0x0], $0xffff  }
0x18e: {  	v29 =	vor.u32 v51, v29;
	v22 =	vld.idx.msk [tilespmem:v22+s14+$0x0], $0xffff  }
0x18f: {  	v23 =	vld.idx.msk [tilespmem:v23+s12+$0x0], $0xffff  }
0x190: {  	v6 =	vmul.f32 v6, v61;
	v7 =	vmul.f32 v7, v61;
	v37 =	vld.idx.msk [tilespmem:v62+s14+$0x0], $0xffff  }
0x191: {  	v13 =	vmul.f32 v13, v61;
	v15 =	vadd.f32 v28, v15;
	v30 =	vld.idx.msk [tilespmem:v30+s14+$0x0], $0xffff  }
0x192: {  	v6 =	vadd.f32 v6, v60;
	v7 =	vadd.f32 v7, v20;
	v20 =	vmul.f32 v31, v5;
	v28 =	vld.idx.msk [tilespmem:v36+s14+$0x0], $0xffff  }
0x193: {  	s30 =	simm.s32 $0x0;
	v13 =	vadd.f32 v13, v14;
	v12 =	vmul.f32 v12, v5;
	v14 =	vld.idx.msk [tilespmem:v29+s14+$0x0], $0x3;
	v21 =	vmul.f32 v21, v5  }
0x194: {  	v5 =	vmul.f32 v22, v5;
	v6 =	vadd.f32 v20, v6;
	v20 =	vmov s30  }
0x195: {  	v12 =	vadd.f32 v12, v15;
	v15 =	vmul.f32 v37, v23;
	v20 =	vand.u32 $0x3F, v20  }
0x196: {  	v7 =	vadd.f32 v21, v7;
	v20 =	vbroadcast v20, $0x0;
	v21 =	vmul.f32 v30, v23  }
0x197: {  	v5 =	vadd.f32 v5, v13;
	v12 =	vadd.f32 v15, v12;
	v13 =	vmul.f32 v28, v23  }
0x198: {  	v14 =	vmul.f32 v14, v23;
	v15 =	vor.u32 $0x1C0, v20;
	v7 =	vadd.f32 v21, v7  }
0x199: {  	s30 =	simm.s32 $0x1;
	[tilespmem:v52+s25+$0x0] =	vst.idx.msk $0xffff, v12;
	v12 =	vor.u32 v56, v20;
	v5 =	vadd.f32 v13, v5  }
0x19a: {  	v6 =	vadd.f32 v14, v6;
	[tilespmem:v53+s25+$0x0] =	vst.idx.msk $0xffff, v7;
	v7 =	vmov s30  }
0x19b: {  	[tilespmem:v54+s25+$0x0] =	vst.idx.msk $0xffff, v5;
	v5 =	vor.u32 v59, v20;
	v7 =	vand.u32 $0x3F, v7  }
0x19c: {  	v13 =	vor.u32 v57, v20;
	[tilespmem:v55+s25+$0x0] =	vst.idx.msk $0x3, v6;
	v14 =	vbroadcast v7, $0x0  }
0x19d: {  	v22 =	vor.u32 v58, v20;
	v61 =	vld.idx.msk [tilespmem:v15+s12+$0x0], $0xffff  }
0x19e: {  	v28 =	vld.idx.msk [tilespmem:v12+s14+$0x0], $0xffff;
	v15 =	vor.u32 $0x1C0, v14  }
0x19f: {  	s30 =	simm.s32 $0x2;
	v30 =	vor.u32 v56, v14  }
0x1a0: {  	v7 =	vmov s30;
	v63 =	vor.u32 v59, v14;
	v6 =	vld.idx.msk [tilespmem:v5+s14+$0x0], $0x3  }
0x1a1: {  	v20 =	vor.u32 v57, v14;
	v5 =	vand.u32 $0x3F, v7;
	v7 =	vld.idx.msk [tilespmem:v13+s14+$0x0], $0xffff  }
0x1a2: {  	v60 =	vimm.f32 $0.0e+00;
	v12 =	vld.idx.msk [tilespmem:v22+s14+$0x0], $0xffff;
	v21 =	vor.u32 v58, v14;
	v29 =	vbroadcast v5, $0x0  }
0x1a3: {  	v22 =	vimm.f32 $0.0e+00;
	v13 =	vimm.f32 $0.0e+00;
	v28 =	vmul.f32 v28, v61;
	v5 =	vld.idx.msk [tilespmem:v15+s12+$0x0], $0xffff  }
0x1a4: {  	s30 =	simm.s32 $0x3;
	v23 =	vor.u32 $0x1C0, v29;
	v62 =	vor.u32 v56, v29;
	v14 =	vld.idx.msk [tilespmem:v30+s14+$0x0], $0xffff;
	v15 =	vimm.f32 $0.0e+00  }
.LBB2_17:
0x1a5: {  	p0 =	sne.s32 s30, $0x3F;
	v30 =	vor.u32 v57, v29;
	v31 =	vor.u32 v58, v29;
	v36 =	vmul.f32 v6, v61;
	v6 =	vld.idx.msk [tilespmem:v63+s14+$0x0], $0x3;
	s31 =	smov.u32 s30;
	s30 =	sadd.s32 $0x1, s30  }
.Ltmp7:
0x1a6: {  	v63 =	vor.u32 v59, v29;
	v38 =	vmul.f32 v7, v61;
	v37 =	vmov s31;
	v7 =	vld.idx.msk [tilespmem:v20+s14+$0x0], $0xffff;
	v20 =	vmovc v30;
	(pc) =	sbr.rel @p0 .LBB2_17-.Ltmp7, $4  }
0x1a7: {  	v30 =	vmul.f32 v12, v61;
	v29 =	vand.u32 $0x3F, v37;
	v12 =	vld.idx.msk [tilespmem:v21+s14+$0x0], $0xffff;
	v60 =	vadd.f32 v36, v60;
	v21 =	vmovc v31  }
0x1a8: {  	v22 =	vadd.f32 v28, v22;
	v29 =	vbroadcast v29, $0x0  }
0x1a9: {  	v15 =	vadd.f32 v38, v15;
	v13 =	vadd.f32 v30, v13;
	v61 =	vmov v5;
	v5 =	vld.idx.msk [tilespmem:v23+s12+$0x0], $0xffff  }
0x1aa: {  	v28 =	vmul.f32 v14, v61;
	v23 =	vor.u32 $0x1C0, v29;
	v14 =	vld.idx.msk [tilespmem:v62+s14+$0x0], $0xffff;
	v62 =	vor.u32 v56, v29  }
0x1ab: {  	_ =	sdelay $0x3  }
0x1ac: {  	v30 =	vld.idx.msk [tilespmem:v63+s14+$0x0], $0x3;
	v31 =	vor.u32 v59, v29  }
0x1ad: {  	v36 =	vor.u32 v57, v29;
	v20 =	vld.idx.msk [tilespmem:v20+s14+$0x0], $0xffff  }
0x1ae: {  	v29 =	vor.u32 v58, v29;
	v21 =	vld.idx.msk [tilespmem:v21+s14+$0x0], $0xffff  }
0x1af: {  	v23 =	vld.idx.msk [tilespmem:v23+s12+$0x0], $0xffff  }
0x1b0: {  	v7 =	vmul.f32 v7, v61;
	v37 =	vld.idx.msk [tilespmem:v62+s14+$0x0], $0xffff  }
0x1b1: {  	v6 =	vmul.f32 v6, v61;
	v12 =	vmul.f32 v12, v61;
	v22 =	vadd.f32 v28, v22;
	v28 =	vld.idx.msk [tilespmem:v31+s14+$0x0], $0x3  }
0x1b2: {  	v7 =	vadd.f32 v7, v15;
	v14 =	vmul.f32 v14, v5;
	v15 =	vmul.f32 v30, v5;
	v30 =	vld.idx.msk [tilespmem:v36+s14+$0x0], $0xffff  }
0x1b3: {  	s30 =	simm.s32 $0x0;
	v6 =	vadd.f32 v6, v60;
	v12 =	vadd.f32 v12, v13;
	v13 =	vmul.f32 v20, v5;
	v20 =	vld.idx.msk [tilespmem:v29+s14+$0x0], $0xffff  }
0x1b4: {  	v5 =	vmul.f32 v21, v5;
	v21 =	vmov s30;
	v14 =	vadd.f32 v14, v22  }
0x1b5: {  	v21 =	vand.u32 $0x3F, v21;
	v6 =	vadd.f32 v15, v6;
	v7 =	vadd.f32 v13, v7  }
0x1b6: {  	v5 =	vadd.f32 v5, v12;
	v12 =	vmul.f32 v37, v23;
	v15 =	vadd.s32 $0x15E, v0  }
0x1b7: {  	v21 =	vbroadcast v21, $0x0;
	v13 =	vmul.f32 v28, v23;
	v28 =	vadd.s32 $0x16E, v0  }
0x1b8: {  	v22 =	vmul.f32 v30, v23;
	v20 =	vmul.f32 v20, v23;
	v23 =	vadd.s32 $0x17E, v0  }
0x1b9: {  	v12 =	vadd.f32 v12, v14;
	v6 =	vadd.f32 v13, v6;
	v13 =	vadd.s32 $0x18E, v0  }
0x1ba: {  	v60 =	vor.u32 $0x7000, v1;
	v14 =	vor.u32 $0x200, v21;
	v7 =	vadd.f32 v22, v7  }
0x1bb: {  	v62 =	vor.u32 $0x6800, v1;
	v5 =	vadd.f32 v20, v5;
	[tilespmem:v15+s25+$0x0] =	vst.idx.msk $0xffff, v12;
	v12 =	vor.u32 v60, v21  }
0x1bc: {  	v20 =	vor.u32 v62, v21;
	[tilespmem:v28+s25+$0x0] =	vst.idx.msk $0xffff, v7  }
0x1bd: {  	v61 =	vor.u32 $0x6400, v1;
	s30 =	simm.s32 $0x1;
	[tilespmem:v23+s25+$0x0] =	vst.idx.msk $0xffff, v5  }
0x1be: {  	v63 =	vor.u32 $0x6C00, v1;
	v15 =	vmov s30;
	v7 =	vor.u32 v61, v21;
	[tilespmem:v13+s25+$0x0] =	vst.idx.msk $0x3, v6  }
0x1bf: {  	v5 =	vand.u32 $0x3F, v15;
	v13 =	vor.u32 v63, v21;
	v6 =	vld.idx.msk [tilespmem:v14+s12+$0x0], $0xffff  }
0x1c0: {  	v15 =	vbroadcast v5, $0x0;
	v12 =	vld.idx.msk [tilespmem:v12+s14+$0x0], $0x3  }
0x1c1: {  	v5 =	vimm.f32 $0.0e+00;
	v21 =	vld.idx.msk [tilespmem:v20+s14+$0x0], $0xffff;
	v20 =	vimm.f32 $0.0e+00  }
0x1c2: {  	s30 =	simm.s32 $0x2;
	v29 =	vor.u32 $0x200, v15;
	v28 =	vor.u32 v61, v15;
	v22 =	vor.u32 v62, v15  }
0x1c3: {  	v30 =	vor.u32 v60, v15;
	v23 =	vor.u32 v63, v15;
	v14 =	vld.idx.msk [tilespmem:v7+s14+$0x0], $0xffff;
	v7 =	vmov s30  }
0x1c4: {  	s30 =	simm.s32 $0x3;
	v31 =	vand.u32 $0x3F, v7;
	v7 =	vimm.f32 $0.0e+00;
	v15 =	vld.idx.msk [tilespmem:v13+s14+$0x0], $0xffff;
	v13 =	vimm.f32 $0.0e+00  }
.LBB2_19:
0x1c5: {  	v37 =	vmul.f32 v12, v6;
	_ =	sdelay $0x2  }
0x1c6: {  	p0 =	sne.s32 s30, $0x3F;
	v31 =	vbroadcast v31, $0x0;
	v36 =	vld.idx.msk [tilespmem:v29+s12+$0x0], $0xffff  }
0x1c7: {  	v38 =	vmul.f32 v14, v6;
	v12 =	vld.idx.msk [tilespmem:v30+s14+$0x0], $0x3;
	v5 =	vadd.f32 v37, v5;
	v37 =	vmov v21  }
.Ltmp8:
0x1c8: {  	v29 =	vor.u32 $0x200, v31;
	v14 =	vld.idx.msk [tilespmem:v28+s14+$0x0], $0xffff;
	v37 =	vmul.f32 v37, v6;
	v6 =	vmul.f32 v15, v6;
	(pc) =	sbr.rel @p0 .LBB2_19-.Ltmp8, $4  }
0x1c9: {  	v28 =	vor.u32 v61, v31;
	v30 =	vor.u32 v60, v31;
	v21 =	vld.idx.msk [tilespmem:v22+s14+$0x0], $0xffff;
	v22 =	vor.u32 v62, v31  }
0x1ca: {  	v15 =	vld.idx.msk [tilespmem:v23+s14+$0x0], $0xffff;
	v23 =	vor.u32 v63, v31  }
0x1cb: {  	v20 =	vadd.f32 v38, v20;
	v31 =	vmov s30  }
0x1cc: {  	s30 =	sadd.s32 $0x1, s30;
	v31 =	vand.u32 $0x3F, v31;
	v13 =	vadd.f32 v37, v13;
	v7 =	vadd.f32 v6, v7;
	v6 =	vmovc v36  }
0x1cd: {  	_ =	sdelay $0x1  }
0x1ce: {  	v31 =	vbroadcast v31, $0x0;
	_ =	sdelay $0x1  }
0x1cf: {  	v29 =	vld.idx.msk [tilespmem:v29+s12+$0x0], $0xffff;
	v36 =	vor.u32 $0x200, v31  }
0x1d0: {  	v30 =	vld.idx.msk [tilespmem:v30+s14+$0x0], $0x3;
	v37 =	vor.u32 v60, v31  }
0x1d1: {  	v28 =	vld.idx.msk [tilespmem:v28+s14+$0x0], $0xffff  }
0x1d2: {  	v22 =	vld.idx.msk [tilespmem:v22+s14+$0x0], $0xffff;
	v38 =	vor.u32 v61, v31  }
0x1d3: {  	v23 =	vld.idx.msk [tilespmem:v23+s14+$0x0], $0xffff;
	v60 =	vor.u32 v62, v31  }
0x1d4: {  	v12 =	vmul.f32 v12, v6;
	v14 =	vmul.f32 v14, v6;
	v31 =	vor.u32 v63, v31;
	v36 =	vld.idx.msk [tilespmem:v36+s12+$0x0], $0xffff  }
0x1d5: {  	v21 =	vmul.f32 v21, v6;
	v37 =	vld.idx.msk [tilespmem:v37+s14+$0x0], $0x3  }
0x1d6: {  	v5 =	vadd.f32 v12, v5;
	v6 =	vmul.f32 v15, v6;
	v12 =	vadd.f32 v14, v20  }
0x1d7: {  	v13 =	vadd.f32 v21, v13;
	v15 =	vmul.f32 v30, v29;
	v20 =	vmul.f32 v28, v29;
	v14 =	vld.idx.msk [tilespmem:v38+s14+$0x0], $0xffff  }
0x1d8: {  	v6 =	vadd.f32 v6, v7;
	v21 =	vmul.f32 v22, v29;
	v22 =	vmul.f32 v23, v29;
	v7 =	vld.idx.msk [tilespmem:v60+s14+$0x0], $0xffff  }
0x1d9: {  	s30 =	simm.s32 $0x0;
	v5 =	vadd.f32 v15, v5;
	v15 =	vld.idx.msk [tilespmem:v31+s14+$0x0], $0xffff;
	v12 =	vadd.f32 v20, v12  }
0x1da: {  	v6 =	vadd.f32 v22, v6;
	v22 =	vmov s30;
	v20 =	vmul.f32 v37, v36  }
0x1db: {  	v13 =	vadd.f32 v21, v13;
	v21 =	vor.u32 $0x190, v0;
	v22 =	vand.u32 $0x3F, v22  }
0x1dc: {  	v14 =	vmul.f32 v14, v36;
	v5 =	vadd.f32 v20, v5;
	v20 =	vor.u32 $0x1A0, v0  }
0x1dd: {  	v23 =	vor.u32 $0x1B0, v0;
	v22 =	vbroadcast v22, $0x0;
	v7 =	vmul.f32 v7, v36  }
0x1de: {  	v15 =	vmul.f32 v15, v36;
	v12 =	vadd.f32 v14, v12;
	v14 =	vor.u32 $0x1C0, v0  }
0x1df: {  	v60 =	vadd.s32 $0x7C80, v1;
	v7 =	vadd.f32 v7, v13;
	v13 =	vor.u32 $0x240, v22  }
0x1e0: {  	v6 =	vadd.f32 v15, v6;
	[tilespmem:v21+s25+$0x0] =	vst.idx.msk $0xffff, v12;
	v12 =	vor.u32 v60, v22  }
0x1e1: {  	v61 =	vadd.s32 $0x7080, v1;
	s30 =	simm.s32 $0x1;
	[tilespmem:v20+s25+$0x0] =	vst.idx.msk $0xffff, v7  }
0x1e2: {  	v62 =	vadd.s32 $0x7480, v1;
	v15 =	vmov s30;
	v7 =	vor.u32 v61, v22;
	[tilespmem:v23+s25+$0x0] =	vst.idx.msk $0xffff, v6  }
0x1e3: {  	v63 =	vadd.s32 $0x7880, v1;
	v20 =	vor.u32 v62, v22;
	v6 =	vand.u32 $0x3F, v15;
	[tilespmem:v14+s25+$0x0] =	vst.idx.msk $0x3, v5  }
0x1e4: {  	v15 =	vor.u32 v63, v22;
	v23 =	vbroadcast v6, $0x0;
	v6 =	vld.idx.msk [tilespmem:v13+s12+$0x0], $0xffff  }
0x1e5: {  	v12 =	vld.idx.msk [tilespmem:v12+s14+$0x0], $0x3  }
0x1e6: {  	v5 =	vimm.f32 $0.0e+00;
	v13 =	vimm.f32 $0.0e+00  }
0x1e7: {  	s30 =	simm.s32 $0x2;
	v29 =	vor.u32 $0x240, v23;
	v28 =	vor.u32 v61, v23;
	v22 =	vor.u32 v62, v23;
	v14 =	vld.idx.msk [tilespmem:v7+s14+$0x0], $0xffff  }
0x1e8: {  	v30 =	vor.u32 v60, v23;
	v23 =	vor.u32 v63, v23;
	v7 =	vmov s30;
	v21 =	vld.idx.msk [tilespmem:v20+s14+$0x0], $0xffff  }
0x1e9: {  	s30 =	simm.s32 $0x3;
	v20 =	vimm.f32 $0.0e+00;
	v31 =	vand.u32 $0x3F, v7;
	v15 =	vld.idx.msk [tilespmem:v15+s14+$0x0], $0xffff;
	v7 =	vimm.f32 $0.0e+00  }
.LBB2_21:
0x1ea: {  	v37 =	vmul.f32 v12, v6;
	_ =	sdelay $0x2  }
0x1eb: {  	p0 =	sne.s32 s30, $0x3F;
	v31 =	vbroadcast v31, $0x0;
	v36 =	vld.idx.msk [tilespmem:v29+s12+$0x0], $0xffff  }
0x1ec: {  	v38 =	vmul.f32 v14, v6;
	v12 =	vld.idx.msk [tilespmem:v30+s14+$0x0], $0x3;
	v5 =	vadd.f32 v37, v5;
	v37 =	vmov v21  }
.Ltmp9:
0x1ed: {  	v29 =	vor.u32 $0x240, v31;
	v14 =	vld.idx.msk [tilespmem:v28+s14+$0x0], $0xffff;
	v37 =	vmul.f32 v37, v6;
	v6 =	vmul.f32 v15, v6;
	(pc) =	sbr.rel @p0 .LBB2_21-.Ltmp9, $4  }
0x1ee: {  	v28 =	vor.u32 v61, v31;
	v30 =	vor.u32 v60, v31;
	v21 =	vld.idx.msk [tilespmem:v22+s14+$0x0], $0xffff;
	v22 =	vor.u32 v62, v31  }
0x1ef: {  	v15 =	vld.idx.msk [tilespmem:v23+s14+$0x0], $0xffff;
	v23 =	vor.u32 v63, v31  }
0x1f0: {  	v20 =	vadd.f32 v38, v20;
	v31 =	vmov s30  }
0x1f1: {  	s30 =	sadd.s32 $0x1, s30;
	v31 =	vand.u32 $0x3F, v31;
	v13 =	vadd.f32 v37, v13;
	v7 =	vadd.f32 v6, v7;
	v6 =	vmovc v36  }
0x1f2: {  	_ =	sdelay $0x1  }
0x1f3: {  	v31 =	vbroadcast v31, $0x0;
	_ =	sdelay $0x1  }
0x1f4: {  	v29 =	vld.idx.msk [tilespmem:v29+s12+$0x0], $0xffff;
	v36 =	vor.u32 $0x240, v31  }
0x1f5: {  	v30 =	vld.idx.msk [tilespmem:v30+s14+$0x0], $0x3;
	v37 =	vor.u32 v60, v31  }
0x1f6: {  	v28 =	vld.idx.msk [tilespmem:v28+s14+$0x0], $0xffff  }
0x1f7: {  	v22 =	vld.idx.msk [tilespmem:v22+s14+$0x0], $0xffff;
	v38 =	vor.u32 v61, v31  }
0x1f8: {  	v23 =	vld.idx.msk [tilespmem:v23+s14+$0x0], $0xffff;
	v60 =	vor.u32 v62, v31  }
0x1f9: {  	v12 =	vmul.f32 v12, v6;
	v14 =	vmul.f32 v14, v6;
	v31 =	vor.u32 v63, v31;
	v36 =	vld.idx.msk [tilespmem:v36+s12+$0x0], $0xffff  }
0x1fa: {  	v21 =	vmul.f32 v21, v6;
	v37 =	vld.idx.msk [tilespmem:v37+s14+$0x0], $0x3  }
0x1fb: {  	v5 =	vadd.f32 v12, v5;
	v6 =	vmul.f32 v15, v6;
	v12 =	vadd.f32 v14, v20  }
0x1fc: {  	v13 =	vadd.f32 v21, v13;
	v15 =	vmul.f32 v30, v29;
	v20 =	vmul.f32 v28, v29;
	v14 =	vld.idx.msk [tilespmem:v38+s14+$0x0], $0xffff  }
0x1fd: {  	v6 =	vadd.f32 v6, v7;
	v21 =	vmul.f32 v22, v29;
	v22 =	vmul.f32 v23, v29;
	v7 =	vld.idx.msk [tilespmem:v60+s14+$0x0], $0xffff  }
0x1fe: {  	s30 =	simm.s32 $0x0;
	v5 =	vadd.f32 v15, v5;
	v15 =	vld.idx.msk [tilespmem:v31+s14+$0x0], $0xffff;
	v12 =	vadd.f32 v20, v12  }
0x1ff: {  	v6 =	vadd.f32 v22, v6;
	v22 =	vmov s30;
	v20 =	vmul.f32 v37, v36  }
0x200: {  	v13 =	vadd.f32 v21, v13;
	v21 =	vadd.s32 $0x1C2, v0;
	v22 =	vand.u32 $0x3F, v22  }
0x201: {  	v14 =	vmul.f32 v14, v36;
	v5 =	vadd.f32 v20, v5;
	v20 =	vadd.s32 $0x1D2, v0  }
0x202: {  	v23 =	vadd.s32 $0x1E2, v0;
	v22 =	vbroadcast v22, $0x0;
	v7 =	vmul.f32 v7, v36  }
0x203: {  	v15 =	vmul.f32 v15, v36;
	v12 =	vadd.f32 v14, v12;
	v14 =	vadd.s32 $0x1F2, v0  }
0x204: {  	v60 =	vadd.s32 $0x8900, v1;
	v7 =	vadd.f32 v7, v13;
	v13 =	vor.u32 $0x280, v22  }
0x205: {  	v6 =	vadd.f32 v15, v6;
	[tilespmem:v21+s25+$0x0] =	vst.idx.msk $0xffff, v12;
	v12 =	vor.u32 v60, v22  }
0x206: {  	v61 =	vadd.s32 $0x7D00, v1;
	s30 =	simm.s32 $0x1;
	[tilespmem:v20+s25+$0x0] =	vst.idx.msk $0xffff, v7  }
0x207: {  	v62 =	vadd.s32 $0x8100, v1;
	v15 =	vmov s30;
	v7 =	vor.u32 v61, v22;
	[tilespmem:v23+s25+$0x0] =	vst.idx.msk $0xffff, v6  }
0x208: {  	v63 =	vadd.s32 $0x8500, v1;
	v20 =	vor.u32 v62, v22;
	v6 =	vand.u32 $0x3F, v15;
	[tilespmem:v14+s25+$0x0] =	vst.idx.msk $0x3, v5  }
0x209: {  	v15 =	vor.u32 v63, v22;
	v23 =	vbroadcast v6, $0x0;
	v6 =	vld.idx.msk [tilespmem:v13+s12+$0x0], $0xffff  }
0x20a: {  	v12 =	vld.idx.msk [tilespmem:v12+s14+$0x0], $0x3  }
0x20b: {  	v5 =	vimm.f32 $0.0e+00;
	v13 =	vimm.f32 $0.0e+00  }
0x20c: {  	s30 =	simm.s32 $0x2;
	v29 =	vor.u32 $0x280, v23;
	v28 =	vor.u32 v61, v23;
	v22 =	vor.u32 v62, v23;
	v14 =	vld.idx.msk [tilespmem:v7+s14+$0x0], $0xffff  }
0x20d: {  	v30 =	vor.u32 v60, v23;
	v23 =	vor.u32 v63, v23;
	v7 =	vmov s30;
	v21 =	vld.idx.msk [tilespmem:v20+s14+$0x0], $0xffff  }
0x20e: {  	s30 =	simm.s32 $0x3;
	v20 =	vimm.f32 $0.0e+00;
	v31 =	vand.u32 $0x3F, v7;
	v15 =	vld.idx.msk [tilespmem:v15+s14+$0x0], $0xffff;
	v7 =	vimm.f32 $0.0e+00  }
.LBB2_23:
0x20f: {  	v37 =	vmul.f32 v12, v6;
	_ =	sdelay $0x2  }
0x210: {  	p0 =	sne.s32 s30, $0x3F;
	v31 =	vbroadcast v31, $0x0;
	v36 =	vld.idx.msk [tilespmem:v29+s12+$0x0], $0xffff  }
0x211: {  	v38 =	vmul.f32 v14, v6;
	v12 =	vld.idx.msk [tilespmem:v30+s14+$0x0], $0x3;
	v5 =	vadd.f32 v37, v5;
	v37 =	vmov v21  }
.Ltmp10:
0x212: {  	v29 =	vor.u32 $0x280, v31;
	v14 =	vld.idx.msk [tilespmem:v28+s14+$0x0], $0xffff;
	v37 =	vmul.f32 v37, v6;
	v6 =	vmul.f32 v15, v6;
	(pc) =	sbr.rel @p0 .LBB2_23-.Ltmp10, $4  }
0x213: {  	v28 =	vor.u32 v61, v31;
	v30 =	vor.u32 v60, v31;
	v21 =	vld.idx.msk [tilespmem:v22+s14+$0x0], $0xffff;
	v22 =	vor.u32 v62, v31  }
0x214: {  	v15 =	vld.idx.msk [tilespmem:v23+s14+$0x0], $0xffff;
	v23 =	vor.u32 v63, v31  }
0x215: {  	v20 =	vadd.f32 v38, v20;
	v31 =	vmov s30  }
0x216: {  	s30 =	sadd.s32 $0x1, s30;
	v31 =	vand.u32 $0x3F, v31;
	v13 =	vadd.f32 v37, v13;
	v7 =	vadd.f32 v6, v7;
	v6 =	vmovc v36  }
0x217: {  	_ =	sdelay $0x1  }
0x218: {  	v31 =	vbroadcast v31, $0x0;
	_ =	sdelay $0x1  }
0x219: {  	v29 =	vld.idx.msk [tilespmem:v29+s12+$0x0], $0xffff;
	v36 =	vor.u32 $0x280, v31  }
0x21a: {  	v30 =	vld.idx.msk [tilespmem:v30+s14+$0x0], $0x3;
	v37 =	vor.u32 v60, v31  }
0x21b: {  	v28 =	vld.idx.msk [tilespmem:v28+s14+$0x0], $0xffff  }
0x21c: {  	v22 =	vld.idx.msk [tilespmem:v22+s14+$0x0], $0xffff;
	v38 =	vor.u32 v61, v31  }
0x21d: {  	v23 =	vld.idx.msk [tilespmem:v23+s14+$0x0], $0xffff;
	v60 =	vor.u32 v62, v31  }
0x21e: {  	v12 =	vmul.f32 v12, v6;
	v14 =	vmul.f32 v14, v6;
	v31 =	vor.u32 v63, v31;
	v36 =	vld.idx.msk [tilespmem:v36+s12+$0x0], $0xffff  }
0x21f: {  	v21 =	vmul.f32 v21, v6;
	v37 =	vld.idx.msk [tilespmem:v37+s14+$0x0], $0x3  }
0x220: {  	v5 =	vadd.f32 v12, v5;
	v6 =	vmul.f32 v15, v6;
	v12 =	vadd.f32 v14, v20  }
0x221: {  	v13 =	vadd.f32 v21, v13;
	v15 =	vmul.f32 v30, v29;
	v20 =	vmul.f32 v28, v29;
	v14 =	vld.idx.msk [tilespmem:v38+s14+$0x0], $0xffff  }
0x222: {  	v6 =	vadd.f32 v6, v7;
	v21 =	vmul.f32 v22, v29;
	v22 =	vmul.f32 v23, v29;
	v7 =	vld.idx.msk [tilespmem:v60+s14+$0x0], $0xffff  }
0x223: {  	s30 =	simm.s32 $0x0;
	v5 =	vadd.f32 v15, v5;
	v15 =	vld.idx.msk [tilespmem:v31+s14+$0x0], $0xffff;
	v12 =	vadd.f32 v20, v12  }
0x224: {  	v6 =	vadd.f32 v22, v6;
	v22 =	vmov s30;
	v20 =	vmul.f32 v37, v36  }
0x225: {  	v13 =	vadd.f32 v21, v13;
	v21 =	vadd.s32 $0x1F4, v0;
	v22 =	vand.u32 $0x3F, v22  }
0x226: {  	v14 =	vmul.f32 v14, v36;
	v5 =	vadd.f32 v20, v5;
	v20 =	vadd.s32 $0x204, v0  }
0x227: {  	v23 =	vadd.s32 $0x214, v0;
	v22 =	vbroadcast v22, $0x0;
	v7 =	vmul.f32 v7, v36  }
0x228: {  	v15 =	vmul.f32 v15, v36;
	v12 =	vadd.f32 v14, v12;
	v14 =	vadd.s32 $0x224, v0  }
0x229: {  	v60 =	vadd.s32 $0x9580, v1;
	v7 =	vadd.f32 v7, v13;
	v13 =	vor.u32 $0x2C0, v22  }
0x22a: {  	v6 =	vadd.f32 v15, v6;
	[tilespmem:v21+s25+$0x0] =	vst.idx.msk $0xffff, v12;
	v12 =	vor.u32 v60, v22  }
0x22b: {  	v61 =	vadd.s32 $0x8980, v1;
	s30 =	simm.s32 $0x1;
	[tilespmem:v20+s25+$0x0] =	vst.idx.msk $0xffff, v7  }
0x22c: {  	v62 =	vadd.s32 $0x8D80, v1;
	v15 =	vmov s30;
	v7 =	vor.u32 v61, v22;
	[tilespmem:v23+s25+$0x0] =	vst.idx.msk $0xffff, v6  }
0x22d: {  	v63 =	vadd.s32 $0x9180, v1;
	v20 =	vor.u32 v62, v22;
	v6 =	vand.u32 $0x3F, v15;
	[tilespmem:v14+s25+$0x0] =	vst.idx.msk $0x3, v5  }
0x22e: {  	v15 =	vor.u32 v63, v22;
	v23 =	vbroadcast v6, $0x0;
	v6 =	vld.idx.msk [tilespmem:v13+s12+$0x0], $0xffff  }
0x22f: {  	v12 =	vld.idx.msk [tilespmem:v12+s14+$0x0], $0x3  }
0x230: {  	v5 =	vimm.f32 $0.0e+00;
	v13 =	vimm.f32 $0.0e+00  }
0x231: {  	s30 =	simm.s32 $0x2;
	v29 =	vor.u32 $0x2C0, v23;
	v28 =	vor.u32 v61, v23;
	v22 =	vor.u32 v62, v23;
	v14 =	vld.idx.msk [tilespmem:v7+s14+$0x0], $0xffff  }
0x232: {  	v30 =	vor.u32 v60, v23;
	v23 =	vor.u32 v63, v23;
	v7 =	vmov s30;
	v21 =	vld.idx.msk [tilespmem:v20+s14+$0x0], $0xffff  }
0x233: {  	s30 =	simm.s32 $0x3;
	v20 =	vimm.f32 $0.0e+00;
	v31 =	vand.u32 $0x3F, v7;
	v15 =	vld.idx.msk [tilespmem:v15+s14+$0x0], $0xffff;
	v7 =	vimm.f32 $0.0e+00  }
.LBB2_25:
0x234: {  	v37 =	vmul.f32 v12, v6;
	_ =	sdelay $0x2  }
0x235: {  	p0 =	sne.s32 s30, $0x3F;
	v31 =	vbroadcast v31, $0x0;
	v36 =	vld.idx.msk [tilespmem:v29+s12+$0x0], $0xffff  }
0x236: {  	v38 =	vmul.f32 v14, v6;
	v12 =	vld.idx.msk [tilespmem:v30+s14+$0x0], $0x3;
	v5 =	vadd.f32 v37, v5;
	v37 =	vmov v21  }
.Ltmp11:
0x237: {  	v29 =	vor.u32 $0x2C0, v31;
	v14 =	vld.idx.msk [tilespmem:v28+s14+$0x0], $0xffff;
	v37 =	vmul.f32 v37, v6;
	v6 =	vmul.f32 v15, v6;
	(pc) =	sbr.rel @p0 .LBB2_25-.Ltmp11, $4  }
0x238: {  	v28 =	vor.u32 v61, v31;
	v30 =	vor.u32 v60, v31;
	v21 =	vld.idx.msk [tilespmem:v22+s14+$0x0], $0xffff;
	v22 =	vor.u32 v62, v31  }
0x239: {  	v15 =	vld.idx.msk [tilespmem:v23+s14+$0x0], $0xffff;
	v23 =	vor.u32 v63, v31  }
0x23a: {  	v20 =	vadd.f32 v38, v20;
	v31 =	vmov s30  }
0x23b: {  	s30 =	sadd.s32 $0x1, s30;
	v31 =	vand.u32 $0x3F, v31;
	v13 =	vadd.f32 v37, v13;
	v7 =	vadd.f32 v6, v7;
	v6 =	vmovc v36  }
0x23c: {  	_ =	sdelay $0x1  }
0x23d: {  	v31 =	vbroadcast v31, $0x0;
	_ =	sdelay $0x1  }
0x23e: {  	v29 =	vld.idx.msk [tilespmem:v29+s12+$0x0], $0xffff;
	v36 =	vor.u32 $0x2C0, v31  }
0x23f: {  	v30 =	vld.idx.msk [tilespmem:v30+s14+$0x0], $0x3;
	v37 =	vor.u32 v60, v31  }
0x240: {  	v28 =	vld.idx.msk [tilespmem:v28+s14+$0x0], $0xffff  }
0x241: {  	v22 =	vld.idx.msk [tilespmem:v22+s14+$0x0], $0xffff;
	v38 =	vor.u32 v61, v31  }
0x242: {  	v23 =	vld.idx.msk [tilespmem:v23+s14+$0x0], $0xffff;
	v60 =	vor.u32 v62, v31  }
0x243: {  	v12 =	vmul.f32 v12, v6;
	v14 =	vmul.f32 v14, v6;
	v31 =	vor.u32 v63, v31;
	v36 =	vld.idx.msk [tilespmem:v36+s12+$0x0], $0xffff  }
0x244: {  	v21 =	vmul.f32 v21, v6;
	v37 =	vld.idx.msk [tilespmem:v37+s14+$0x0], $0x3  }
0x245: {  	v5 =	vadd.f32 v12, v5;
	v6 =	vmul.f32 v15, v6;
	v12 =	vadd.f32 v14, v20  }
0x246: {  	v13 =	vadd.f32 v21, v13;
	v15 =	vmul.f32 v30, v29;
	v20 =	vmul.f32 v28, v29;
	v14 =	vld.idx.msk [tilespmem:v38+s14+$0x0], $0xffff  }
0x247: {  	v6 =	vadd.f32 v6, v7;
	v21 =	vmul.f32 v22, v29;
	v22 =	vmul.f32 v23, v29;
	v7 =	vld.idx.msk [tilespmem:v60+s14+$0x0], $0xffff  }
0x248: {  	s30 =	simm.s32 $0x0;
	v5 =	vadd.f32 v15, v5;
	v15 =	vld.idx.msk [tilespmem:v31+s14+$0x0], $0xffff;
	v12 =	vadd.f32 v20, v12  }
0x249: {  	v6 =	vadd.f32 v22, v6;
	v22 =	vmov s30;
	v20 =	vmul.f32 v37, v36  }
0x24a: {  	v13 =	vadd.f32 v21, v13;
	v21 =	vadd.s32 $0x226, v0;
	v22 =	vand.u32 $0x3F, v22  }
0x24b: {  	v14 =	vmul.f32 v14, v36;
	v5 =	vadd.f32 v20, v5;
	v20 =	vadd.s32 $0x236, v0  }
0x24c: {  	v23 =	vadd.s32 $0x246, v0;
	v22 =	vbroadcast v22, $0x0;
	v7 =	vmul.f32 v7, v36  }
0x24d: {  	v15 =	vmul.f32 v15, v36;
	v12 =	vadd.f32 v14, v12;
	v14 =	vadd.s32 $0x256, v0  }
0x24e: {  	v60 =	vadd.s32 $0xA200, v1;
	v7 =	vadd.f32 v7, v13;
	v13 =	vor.u32 $0x300, v22  }
0x24f: {  	v6 =	vadd.f32 v15, v6;
	[tilespmem:v21+s25+$0x0] =	vst.idx.msk $0xffff, v12;
	v12 =	vor.u32 v60, v22  }
0x250: {  	v61 =	vadd.s32 $0x9600, v1;
	s30 =	simm.s32 $0x1;
	[tilespmem:v20+s25+$0x0] =	vst.idx.msk $0xffff, v7  }
0x251: {  	v62 =	vadd.s32 $0x9A00, v1;
	v15 =	vmov s30;
	v7 =	vor.u32 v61, v22;
	[tilespmem:v23+s25+$0x0] =	vst.idx.msk $0xffff, v6  }
0x252: {  	v63 =	vadd.s32 $0x9E00, v1;
	v20 =	vor.u32 v62, v22;
	v6 =	vand.u32 $0x3F, v15;
	[tilespmem:v14+s25+$0x0] =	vst.idx.msk $0x3, v5  }
0x253: {  	v15 =	vor.u32 v63, v22;
	v23 =	vbroadcast v6, $0x0;
	v6 =	vld.idx.msk [tilespmem:v13+s12+$0x0], $0xffff  }
0x254: {  	v12 =	vld.idx.msk [tilespmem:v12+s14+$0x0], $0x3  }
0x255: {  	v5 =	vimm.f32 $0.0e+00;
	v13 =	vimm.f32 $0.0e+00  }
0x256: {  	s30 =	simm.s32 $0x2;
	v29 =	vor.u32 $0x300, v23;
	v28 =	vor.u32 v61, v23;
	v22 =	vor.u32 v62, v23;
	v14 =	vld.idx.msk [tilespmem:v7+s14+$0x0], $0xffff  }
0x257: {  	v30 =	vor.u32 v60, v23;
	v23 =	vor.u32 v63, v23;
	v7 =	vmov s30;
	v21 =	vld.idx.msk [tilespmem:v20+s14+$0x0], $0xffff  }
0x258: {  	s30 =	simm.s32 $0x3;
	v20 =	vimm.f32 $0.0e+00;
	v31 =	vand.u32 $0x3F, v7;
	v15 =	vld.idx.msk [tilespmem:v15+s14+$0x0], $0xffff;
	v7 =	vimm.f32 $0.0e+00  }
.LBB2_27:
0x259: {  	v37 =	vmul.f32 v12, v6;
	_ =	sdelay $0x2  }
0x25a: {  	p0 =	sne.s32 s30, $0x3F;
	v31 =	vbroadcast v31, $0x0;
	v36 =	vld.idx.msk [tilespmem:v29+s12+$0x0], $0xffff  }
0x25b: {  	v38 =	vmul.f32 v14, v6;
	v12 =	vld.idx.msk [tilespmem:v30+s14+$0x0], $0x3;
	v5 =	vadd.f32 v37, v5;
	v37 =	vmov v21  }
.Ltmp12:
0x25c: {  	v29 =	vor.u32 $0x300, v31;
	v14 =	vld.idx.msk [tilespmem:v28+s14+$0x0], $0xffff;
	v37 =	vmul.f32 v37, v6;
	v6 =	vmul.f32 v15, v6;
	(pc) =	sbr.rel @p0 .LBB2_27-.Ltmp12, $4  }
0x25d: {  	v28 =	vor.u32 v61, v31;
	v30 =	vor.u32 v60, v31;
	v21 =	vld.idx.msk [tilespmem:v22+s14+$0x0], $0xffff;
	v22 =	vor.u32 v62, v31  }
0x25e: {  	v15 =	vld.idx.msk [tilespmem:v23+s14+$0x0], $0xffff;
	v23 =	vor.u32 v63, v31  }
0x25f: {  	v20 =	vadd.f32 v38, v20;
	v31 =	vmov s30  }
0x260: {  	s30 =	sadd.s32 $0x1, s30;
	v31 =	vand.u32 $0x3F, v31;
	v13 =	vadd.f32 v37, v13;
	v7 =	vadd.f32 v6, v7;
	v6 =	vmovc v36  }
0x261: {  	_ =	sdelay $0x1  }
0x262: {  	v31 =	vbroadcast v31, $0x0;
	_ =	sdelay $0x1  }
0x263: {  	v29 =	vld.idx.msk [tilespmem:v29+s12+$0x0], $0xffff;
	v36 =	vor.u32 $0x300, v31  }
0x264: {  	v30 =	vld.idx.msk [tilespmem:v30+s14+$0x0], $0x3;
	v37 =	vor.u32 v60, v31  }
0x265: {  	v28 =	vld.idx.msk [tilespmem:v28+s14+$0x0], $0xffff  }
0x266: {  	v22 =	vld.idx.msk [tilespmem:v22+s14+$0x0], $0xffff;
	v38 =	vor.u32 v61, v31  }
0x267: {  	v23 =	vld.idx.msk [tilespmem:v23+s14+$0x0], $0xffff;
	v60 =	vor.u32 v62, v31  }
0x268: {  	v12 =	vmul.f32 v12, v6;
	v14 =	vmul.f32 v14, v6;
	v31 =	vor.u32 v63, v31;
	v36 =	vld.idx.msk [tilespmem:v36+s12+$0x0], $0xffff  }
0x269: {  	v21 =	vmul.f32 v21, v6;
	v37 =	vld.idx.msk [tilespmem:v37+s14+$0x0], $0x3  }
0x26a: {  	v5 =	vadd.f32 v12, v5;
	v6 =	vmul.f32 v15, v6;
	v12 =	vadd.f32 v14, v20  }
0x26b: {  	v13 =	vadd.f32 v21, v13;
	v15 =	vmul.f32 v30, v29;
	v20 =	vmul.f32 v28, v29;
	v14 =	vld.idx.msk [tilespmem:v38+s14+$0x0], $0xffff  }
0x26c: {  	v6 =	vadd.f32 v6, v7;
	v21 =	vmul.f32 v22, v29;
	v22 =	vmul.f32 v23, v29;
	v7 =	vld.idx.msk [tilespmem:v60+s14+$0x0], $0xffff  }
0x26d: {  	s30 =	simm.s32 $0x0;
	v5 =	vadd.f32 v15, v5;
	v15 =	vld.idx.msk [tilespmem:v31+s14+$0x0], $0xffff;
	v12 =	vadd.f32 v20, v12  }
0x26e: {  	v6 =	vadd.f32 v22, v6;
	v22 =	vmov s30;
	v20 =	vmul.f32 v37, v36  }
0x26f: {  	v13 =	vadd.f32 v21, v13;
	v21 =	vadd.s32 $0x258, v0;
	v22 =	vand.u32 $0x3F, v22  }
0x270: {  	v14 =	vmul.f32 v14, v36;
	v5 =	vadd.f32 v20, v5;
	v20 =	vadd.s32 $0x268, v0  }
0x271: {  	v23 =	vadd.s32 $0x278, v0;
	v22 =	vbroadcast v22, $0x0;
	v7 =	vmul.f32 v7, v36  }
0x272: {  	v15 =	vmul.f32 v15, v36;
	v12 =	vadd.f32 v14, v12;
	v14 =	vadd.s32 $0x288, v0  }
0x273: {  	v60 =	vadd.s32 $0xAE80, v1;
	v7 =	vadd.f32 v7, v13;
	v13 =	vor.u32 $0x340, v22  }
0x274: {  	v6 =	vadd.f32 v15, v6;
	[tilespmem:v21+s25+$0x0] =	vst.idx.msk $0xffff, v12;
	v12 =	vor.u32 v60, v22  }
0x275: {  	v61 =	vadd.s32 $0xA280, v1;
	s30 =	simm.s32 $0x1;
	[tilespmem:v20+s25+$0x0] =	vst.idx.msk $0xffff, v7  }
0x276: {  	v62 =	vadd.s32 $0xA680, v1;
	v15 =	vmov s30;
	v7 =	vor.u32 v61, v22;
	[tilespmem:v23+s25+$0x0] =	vst.idx.msk $0xffff, v6  }
0x277: {  	v63 =	vadd.s32 $0xAA80, v1;
	v20 =	vor.u32 v62, v22;
	v6 =	vand.u32 $0x3F, v15;
	[tilespmem:v14+s25+$0x0] =	vst.idx.msk $0x3, v5  }
0x278: {  	v15 =	vor.u32 v63, v22;
	v23 =	vbroadcast v6, $0x0;
	v6 =	vld.idx.msk [tilespmem:v13+s12+$0x0], $0xffff  }
0x279: {  	v12 =	vld.idx.msk [tilespmem:v12+s14+$0x0], $0x3  }
0x27a: {  	v5 =	vimm.f32 $0.0e+00;
	v13 =	vimm.f32 $0.0e+00  }
0x27b: {  	s30 =	simm.s32 $0x2;
	v29 =	vor.u32 $0x340, v23;
	v28 =	vor.u32 v61, v23;
	v22 =	vor.u32 v62, v23;
	v14 =	vld.idx.msk [tilespmem:v7+s14+$0x0], $0xffff  }
0x27c: {  	v30 =	vor.u32 v60, v23;
	v23 =	vor.u32 v63, v23;
	v7 =	vmov s30;
	v21 =	vld.idx.msk [tilespmem:v20+s14+$0x0], $0xffff  }
0x27d: {  	s30 =	simm.s32 $0x3;
	v20 =	vimm.f32 $0.0e+00;
	v31 =	vand.u32 $0x3F, v7;
	v15 =	vld.idx.msk [tilespmem:v15+s14+$0x0], $0xffff;
	v7 =	vimm.f32 $0.0e+00  }
.LBB2_29:
0x27e: {  	v37 =	vmul.f32 v12, v6;
	_ =	sdelay $0x2  }
0x27f: {  	p0 =	sne.s32 s30, $0x3F;
	v31 =	vbroadcast v31, $0x0;
	v36 =	vld.idx.msk [tilespmem:v29+s12+$0x0], $0xffff  }
0x280: {  	v38 =	vmul.f32 v14, v6;
	v12 =	vld.idx.msk [tilespmem:v30+s14+$0x0], $0x3;
	v5 =	vadd.f32 v37, v5;
	v37 =	vmov v21  }
.Ltmp13:
0x281: {  	v29 =	vor.u32 $0x340, v31;
	v14 =	vld.idx.msk [tilespmem:v28+s14+$0x0], $0xffff;
	v37 =	vmul.f32 v37, v6;
	v6 =	vmul.f32 v15, v6;
	(pc) =	sbr.rel @p0 .LBB2_29-.Ltmp13, $4  }
0x282: {  	v28 =	vor.u32 v61, v31;
	v30 =	vor.u32 v60, v31;
	v21 =	vld.idx.msk [tilespmem:v22+s14+$0x0], $0xffff;
	v22 =	vor.u32 v62, v31  }
0x283: {  	v15 =	vld.idx.msk [tilespmem:v23+s14+$0x0], $0xffff;
	v23 =	vor.u32 v63, v31  }
0x284: {  	v20 =	vadd.f32 v38, v20;
	v31 =	vmov s30  }
0x285: {  	s30 =	sadd.s32 $0x1, s30;
	v31 =	vand.u32 $0x3F, v31;
	v13 =	vadd.f32 v37, v13;
	v7 =	vadd.f32 v6, v7;
	v6 =	vmovc v36  }
0x286: {  	_ =	sdelay $0x1  }
0x287: {  	v31 =	vbroadcast v31, $0x0;
	_ =	sdelay $0x1  }
0x288: {  	v29 =	vld.idx.msk [tilespmem:v29+s12+$0x0], $0xffff;
	v36 =	vor.u32 $0x340, v31  }
0x289: {  	v30 =	vld.idx.msk [tilespmem:v30+s14+$0x0], $0x3;
	v37 =	vor.u32 v60, v31  }
0x28a: {  	v28 =	vld.idx.msk [tilespmem:v28+s14+$0x0], $0xffff  }
0x28b: {  	v22 =	vld.idx.msk [tilespmem:v22+s14+$0x0], $0xffff;
	v38 =	vor.u32 v61, v31  }
0x28c: {  	v23 =	vld.idx.msk [tilespmem:v23+s14+$0x0], $0xffff;
	v60 =	vor.u32 v62, v31  }
0x28d: {  	v12 =	vmul.f32 v12, v6;
	v14 =	vmul.f32 v14, v6;
	v31 =	vor.u32 v63, v31;
	v36 =	vld.idx.msk [tilespmem:v36+s12+$0x0], $0xffff  }
0x28e: {  	v21 =	vmul.f32 v21, v6;
	v37 =	vld.idx.msk [tilespmem:v37+s14+$0x0], $0x3  }
0x28f: {  	v5 =	vadd.f32 v12, v5;
	v6 =	vmul.f32 v15, v6;
	v12 =	vadd.f32 v14, v20  }
0x290: {  	v13 =	vadd.f32 v21, v13;
	v15 =	vmul.f32 v30, v29;
	v20 =	vmul.f32 v28, v29;
	v14 =	vld.idx.msk [tilespmem:v38+s14+$0x0], $0xffff  }
0x291: {  	v6 =	vadd.f32 v6, v7;
	v21 =	vmul.f32 v22, v29;
	v22 =	vmul.f32 v23, v29;
	v7 =	vld.idx.msk [tilespmem:v60+s14+$0x0], $0xffff  }
0x292: {  	s30 =	simm.s32 $0x0;
	v5 =	vadd.f32 v15, v5;
	v15 =	vld.idx.msk [tilespmem:v31+s14+$0x0], $0xffff;
	v12 =	vadd.f32 v20, v12  }
0x293: {  	v6 =	vadd.f32 v22, v6;
	v22 =	vmov s30;
	v20 =	vmul.f32 v37, v36  }
0x294: {  	v13 =	vadd.f32 v21, v13;
	v21 =	vadd.s32 $0x28A, v0;
	v22 =	vand.u32 $0x3F, v22  }
0x295: {  	v14 =	vmul.f32 v14, v36;
	v5 =	vadd.f32 v20, v5;
	v20 =	vadd.s32 $0x29A, v0  }
0x296: {  	v23 =	vadd.s32 $0x2AA, v0;
	v22 =	vbroadcast v22, $0x0;
	v7 =	vmul.f32 v7, v36  }
0x297: {  	v15 =	vmul.f32 v15, v36;
	v12 =	vadd.f32 v14, v12;
	v14 =	vadd.s32 $0x2BA, v0  }
0x298: {  	v60 =	vadd.s32 $0xBB00, v1;
	v7 =	vadd.f32 v7, v13;
	v13 =	vor.u32 $0x380, v22  }
0x299: {  	v6 =	vadd.f32 v15, v6;
	[tilespmem:v21+s25+$0x0] =	vst.idx.msk $0xffff, v12;
	v12 =	vor.u32 v60, v22  }
0x29a: {  	v61 =	vadd.s32 $0xAF00, v1;
	s30 =	simm.s32 $0x1;
	[tilespmem:v20+s25+$0x0] =	vst.idx.msk $0xffff, v7  }
0x29b: {  	v62 =	vadd.s32 $0xB300, v1;
	v15 =	vmov s30;
	v7 =	vor.u32 v61, v22;
	[tilespmem:v23+s25+$0x0] =	vst.idx.msk $0xffff, v6  }
0x29c: {  	v63 =	vadd.s32 $0xB700, v1;
	v20 =	vor.u32 v62, v22;
	v6 =	vand.u32 $0x3F, v15;
	[tilespmem:v14+s25+$0x0] =	vst.idx.msk $0x3, v5  }
0x29d: {  	v15 =	vor.u32 v63, v22;
	v23 =	vbroadcast v6, $0x0;
	v6 =	vld.idx.msk [tilespmem:v13+s12+$0x0], $0xffff  }
0x29e: {  	v12 =	vld.idx.msk [tilespmem:v12+s14+$0x0], $0x3  }
0x29f: {  	v5 =	vimm.f32 $0.0e+00;
	v13 =	vimm.f32 $0.0e+00  }
0x2a0: {  	s30 =	simm.s32 $0x2;
	v29 =	vor.u32 $0x380, v23;
	v28 =	vor.u32 v61, v23;
	v22 =	vor.u32 v62, v23;
	v14 =	vld.idx.msk [tilespmem:v7+s14+$0x0], $0xffff  }
0x2a1: {  	v30 =	vor.u32 v60, v23;
	v23 =	vor.u32 v63, v23;
	v7 =	vmov s30;
	v21 =	vld.idx.msk [tilespmem:v20+s14+$0x0], $0xffff  }
0x2a2: {  	s30 =	simm.s32 $0x3;
	v20 =	vimm.f32 $0.0e+00;
	v31 =	vand.u32 $0x3F, v7;
	v15 =	vld.idx.msk [tilespmem:v15+s14+$0x0], $0xffff;
	v7 =	vimm.f32 $0.0e+00  }
.LBB2_31:
0x2a3: {  	v37 =	vmul.f32 v12, v6;
	_ =	sdelay $0x2  }
0x2a4: {  	p0 =	sne.s32 s30, $0x3F;
	v31 =	vbroadcast v31, $0x0;
	v36 =	vld.idx.msk [tilespmem:v29+s12+$0x0], $0xffff  }
0x2a5: {  	v38 =	vmul.f32 v14, v6;
	v12 =	vld.idx.msk [tilespmem:v30+s14+$0x0], $0x3;
	v5 =	vadd.f32 v37, v5;
	v37 =	vmov v21  }
.Ltmp14:
0x2a6: {  	v29 =	vor.u32 $0x380, v31;
	v14 =	vld.idx.msk [tilespmem:v28+s14+$0x0], $0xffff;
	v37 =	vmul.f32 v37, v6;
	v6 =	vmul.f32 v15, v6;
	(pc) =	sbr.rel @p0 .LBB2_31-.Ltmp14, $4  }
0x2a7: {  	v28 =	vor.u32 v61, v31;
	v30 =	vor.u32 v60, v31;
	v21 =	vld.idx.msk [tilespmem:v22+s14+$0x0], $0xffff;
	v22 =	vor.u32 v62, v31  }
0x2a8: {  	v15 =	vld.idx.msk [tilespmem:v23+s14+$0x0], $0xffff;
	v23 =	vor.u32 v63, v31  }
0x2a9: {  	v20 =	vadd.f32 v38, v20;
	v31 =	vmov s30  }
0x2aa: {  	s30 =	sadd.s32 $0x1, s30;
	v31 =	vand.u32 $0x3F, v31;
	v13 =	vadd.f32 v37, v13;
	v7 =	vadd.f32 v6, v7;
	v6 =	vmovc v36  }
0x2ab: {  	_ =	sdelay $0x1  }
0x2ac: {  	v31 =	vbroadcast v31, $0x0;
	_ =	sdelay $0x1  }
0x2ad: {  	v29 =	vld.idx.msk [tilespmem:v29+s12+$0x0], $0xffff;
	v36 =	vor.u32 $0x380, v31  }
0x2ae: {  	v30 =	vld.idx.msk [tilespmem:v30+s14+$0x0], $0x3;
	v37 =	vor.u32 v60, v31  }
0x2af: {  	v28 =	vld.idx.msk [tilespmem:v28+s14+$0x0], $0xffff  }
0x2b0: {  	v22 =	vld.idx.msk [tilespmem:v22+s14+$0x0], $0xffff;
	v38 =	vor.u32 v61, v31  }
0x2b1: {  	v23 =	vld.idx.msk [tilespmem:v23+s14+$0x0], $0xffff;
	v60 =	vor.u32 v62, v31  }
0x2b2: {  	v12 =	vmul.f32 v12, v6;
	v14 =	vmul.f32 v14, v6;
	v31 =	vor.u32 v63, v31;
	v36 =	vld.idx.msk [tilespmem:v36+s12+$0x0], $0xffff  }
0x2b3: {  	v21 =	vmul.f32 v21, v6;
	v37 =	vld.idx.msk [tilespmem:v37+s14+$0x0], $0x3  }
0x2b4: {  	v5 =	vadd.f32 v12, v5;
	v6 =	vmul.f32 v15, v6;
	v12 =	vadd.f32 v14, v20  }
0x2b5: {  	v13 =	vadd.f32 v21, v13;
	v15 =	vmul.f32 v30, v29;
	v20 =	vmul.f32 v28, v29;
	v14 =	vld.idx.msk [tilespmem:v38+s14+$0x0], $0xffff  }
0x2b6: {  	v6 =	vadd.f32 v6, v7;
	v21 =	vmul.f32 v22, v29;
	v22 =	vmul.f32 v23, v29;
	v7 =	vld.idx.msk [tilespmem:v60+s14+$0x0], $0xffff  }
0x2b7: {  	s30 =	simm.s32 $0x0;
	v5 =	vadd.f32 v15, v5;
	v15 =	vld.idx.msk [tilespmem:v31+s14+$0x0], $0xffff;
	v12 =	vadd.f32 v20, v12  }
0x2b8: {  	v6 =	vadd.f32 v22, v6;
	v22 =	vmov s30;
	v20 =	vmul.f32 v37, v36  }
0x2b9: {  	v13 =	vadd.f32 v21, v13;
	v21 =	vadd.s32 $0x2BC, v0;
	v22 =	vand.u32 $0x3F, v22  }
0x2ba: {  	v14 =	vmul.f32 v14, v36;
	v5 =	vadd.f32 v20, v5;
	v20 =	vadd.s32 $0x2CC, v0  }
0x2bb: {  	v23 =	vadd.s32 $0x2DC, v0;
	v22 =	vbroadcast v22, $0x0;
	v7 =	vmul.f32 v7, v36  }
0x2bc: {  	v15 =	vmul.f32 v15, v36;
	v12 =	vadd.f32 v14, v12;
	v14 =	vadd.s32 $0x2EC, v0  }
0x2bd: {  	v60 =	vadd.s32 $0xC780, v1;
	v7 =	vadd.f32 v7, v13;
	v13 =	vor.u32 $0x3C0, v22  }
0x2be: {  	v6 =	vadd.f32 v15, v6;
	[tilespmem:v21+s25+$0x0] =	vst.idx.msk $0xffff, v12;
	v12 =	vor.u32 v60, v22  }
0x2bf: {  	v61 =	vadd.s32 $0xBB80, v1;
	s30 =	simm.s32 $0x1;
	[tilespmem:v20+s25+$0x0] =	vst.idx.msk $0xffff, v7  }
0x2c0: {  	v62 =	vadd.s32 $0xBF80, v1;
	v15 =	vor.u32 v61, v22;
	v7 =	vmov s30;
	[tilespmem:v23+s25+$0x0] =	vst.idx.msk $0xffff, v6  }
0x2c1: {  	v63 =	vadd.s32 $0xC380, v1;
	v20 =	vor.u32 v62, v22;
	v6 =	vand.u32 $0x3F, v7;
	[tilespmem:v14+s25+$0x0] =	vst.idx.msk $0x3, v5  }
0x2c2: {  	v14 =	vor.u32 v63, v22;
	v23 =	vbroadcast v6, $0x0;
	v6 =	vld.idx.msk [tilespmem:v13+s12+$0x0], $0xffff  }
0x2c3: {  	s30 =	simm.s32 $0x2;
	v7 =	vld.idx.msk [tilespmem:v12+s14+$0x0], $0x3  }
0x2c4: {  	v5 =	vimm.f32 $0.0e+00;
	v12 =	vmov s30  }
0x2c5: {  	v13 =	vld.idx.msk [tilespmem:v15+s14+$0x0], $0xffff;
	v15 =	vimm.f32 $0.0e+00;
	v29 =	vor.u32 $0x3C0, v23;
	v28 =	vor.u32 v61, v23  }
0x2c6: {  	v22 =	vor.u32 v62, v23;
	v30 =	vor.u32 v60, v23;
	v23 =	vor.u32 v63, v23;
	v21 =	vld.idx.msk [tilespmem:v20+s14+$0x0], $0xffff  }
0x2c7: {  	s30 =	simm.s32 $0x3;
	v31 =	vand.u32 $0x3F, v12;
	v12 =	vimm.f32 $0.0e+00;
	v20 =	vld.idx.msk [tilespmem:v14+s14+$0x0], $0xffff;
	v14 =	vimm.f32 $0.0e+00  }
.LBB2_33:
0x2c8: {  	v37 =	vmul.f32 v7, v6;
	_ =	sdelay $0x2  }
0x2c9: {  	p0 =	sne.s32 s30, $0x3F;
	v31 =	vbroadcast v31, $0x0;
	v36 =	vld.idx.msk [tilespmem:v29+s12+$0x0], $0xffff  }
0x2ca: {  	v38 =	vmul.f32 v13, v6;
	v7 =	vld.idx.msk [tilespmem:v30+s14+$0x0], $0x3;
	v5 =	vadd.f32 v37, v5;
	v37 =	vmov v21  }
.Ltmp15:
0x2cb: {  	v29 =	vor.u32 $0x3C0, v31;
	v13 =	vld.idx.msk [tilespmem:v28+s14+$0x0], $0xffff;
	v37 =	vmul.f32 v37, v6;
	v6 =	vmul.f32 v20, v6;
	(pc) =	sbr.rel @p0 .LBB2_33-.Ltmp15, $4  }
0x2cc: {  	v28 =	vor.u32 v61, v31;
	v30 =	vor.u32 v60, v31;
	v21 =	vld.idx.msk [tilespmem:v22+s14+$0x0], $0xffff;
	v22 =	vor.u32 v62, v31  }
0x2cd: {  	v20 =	vld.idx.msk [tilespmem:v23+s14+$0x0], $0xffff;
	v23 =	vor.u32 v63, v31  }
0x2ce: {  	v14 =	vadd.f32 v38, v14;
	v31 =	vmov s30  }
0x2cf: {  	s30 =	sadd.s32 $0x1, s30;
	v31 =	vand.u32 $0x3F, v31;
	v15 =	vadd.f32 v37, v15;
	v12 =	vadd.f32 v6, v12;
	v6 =	vmovc v36  }
0x2d0: {  	_ =	sdelay $0x1  }
0x2d1: {  	v31 =	vbroadcast v31, $0x0;
	_ =	sdelay $0x1  }
0x2d2: {  	v29 =	vld.idx.msk [tilespmem:v29+s12+$0x0], $0xffff;
	v36 =	vor.u32 $0x3C0, v31  }
0x2d3: {  	v30 =	vld.idx.msk [tilespmem:v30+s14+$0x0], $0x3;
	v37 =	vor.u32 v61, v31  }
0x2d4: {  	v28 =	vld.idx.msk [tilespmem:v28+s14+$0x0], $0xffff;
	v38 =	vor.u32 v62, v31  }
0x2d5: {  	v22 =	vld.idx.msk [tilespmem:v22+s14+$0x0], $0xffff;
	v61 =	vor.u32 v63, v31  }
0x2d6: {  	v23 =	vld.idx.msk [tilespmem:v23+s14+$0x0], $0xffff;
	v31 =	vor.u32 v60, v31  }
0x2d7: {  	v7 =	vmul.f32 v7, v6;
	v36 =	vld.idx.msk [tilespmem:v36+s12+$0x0], $0xffff  }
0x2d8: {  	v13 =	vmul.f32 v13, v6;
	v21 =	vmul.f32 v21, v6;
	v37 =	vld.idx.msk [tilespmem:v37+s14+$0x0], $0xffff  }
0x2d9: {  	v5 =	vadd.f32 v7, v5;
	v6 =	vmul.f32 v20, v6;
	v7 =	vld.idx.msk [tilespmem:v38+s14+$0x0], $0xffff  }
0x2da: {  	v13 =	vadd.f32 v13, v14;
	v62 =	vadd.f32 v21, v15;
	v15 =	vmul.f32 v28, v29;
	v20 =	vld.idx.msk [tilespmem:v61+s14+$0x0], $0xffff  }
0x2db: {  	v6 =	vadd.f32 v6, v12;
	v63 =	vmul.f32 v30, v29;
	v22 =	vmul.f32 v22, v29;
	v38 =	vld.idx.msk [tilespmem:v31+s14+$0x0], $0x3  }
0x2dc: {  	v23 =	vmul.f32 v23, v29;
	v13 =	vadd.f32 v15, v13;
	v15 =	vadd.s32 $0x2EE, v0  }
0x2dd: {  	v28 =	vadd.s32 $0x2FE, v0;
	v14 =	vadd.f32 v22, v62;
	v60 =	vmul.f32 v37, v36  }
0x2de: {  	v6 =	vadd.f32 v23, v6;
	v61 =	vadd.s32 $0x30E, v0;
	v7 =	vmul.f32 v7, v36  }
0x2df: {  	v62 =	vadd.s32 $0x31E, v0;
	v20 =	vmul.f32 v20, v36;
	v13 =	vadd.f32 v60, v13  }
0x2e0: {  	v5 =	vadd.f32 v63, v5;
	v63 =	vmul.f32 v38, v36;
	v7 =	vadd.f32 v7, v14  }
0x2e1: {  	s29 =	smul.u32 $0x32, s29;
	v6 =	vadd.f32 v20, v6;
	[tilespmem:v15+s25+$0x0] =	vst.idx.msk $0xffff, v13  }
0x2e2: {  	s28 =	sadd.s32 $0x1, s28;
	v5 =	vadd.f32 v63, v5;
	[tilespmem:v28+s25+$0x0] =	vst.idx.msk $0xffff, v7  }
0x2e3: {  	s30 =	rddreg [dreg:$0x2];
	p0 =	sne.s32 s28, $0x20;
	s29 =	sshrl.u32 s29, $0x3;
	[tilespmem:v61+s25+$0x0] =	vst.idx.msk $0xffff, v6  }
.Ltmp16:
0x2e4: {  	s31 =	simm.s32 $0x0;
	s29 =	sadd.s32 s30, s29;
	[tilespmem:v62+s25+$0x0] =	vst.idx.msk $0x3, v5;
	(pc) =	sbr.rel @p0 .LBB2_2-.Ltmp16, $4  }
0x2e5: {  	[hbm4b:s29+s31] =	stream.linear.scatter [tilespmem:s25], [sflag:$0x3], $0x320, $0x38;
	[tilespmem:$0xD2B0] =	vst v63  }
0x2e6: {  	_ =	swait.ge [sflag:s26], $0x320  }
0x2e7: {  	[sflag:s26] =	ssyncset.done $0x0  }
0x2e8: {  	[sflag:s26] =	ssyncadd.s32 $0xFFFFFCE0  }
0x2e9: {  	s0 =	rddreg [dreg:$0x5]  }
0x2ea: {  	s28 =	rddreg [dreg:$0x4];
	s0 =	sadd.s32 $0x1, s0  }
0x2eb: {  	p0 =	sne.s32 s0, s28  }
.Ltmp17:
0x2ec: {  	_ = 	snop;
	(pc) =	sbr.rel @p0 .LBB2_1-.Ltmp17, $1  }
0x2ed: {  	_ =	sdelay $0x3  }
0x2ee: {  	_ =	sfence.sel $0x180000  }
0x2ef: {  	[bflag:$0x0] =	sbarrier.arrive $0xFFFF  }
0x2f0: {  	_ =	strace $0x90000047  }
0x2f1: {  	s0 =	stileid.u32;
	[bflag:$0x2] =	sbarrier.arrive $0xFFFF  }
0x2f2: {  	p0 =	sne.s32 s0, $0x0;
	s0 =	rddreg [dreg:$0x3]  }
0x2f3: {  	s0 =	sadd.s32 @!p0 $0x100000, s0  }
0x2f4: {  	[sflag:s0] =	ssyncadd.tile.s32 @!p0 $0x1;
	_ =	shalt  }
.Lfunc_end2:
_tile_overlayer_lowered:
.L_overlay_start_2:
0x2f5: {  	(tag) =	ssettag $0x2  }
0x2f6: {  	s0 =	rddreg [dreg:$0x0];
	s2 =	stileid.u32  }
0x2f7: {  	s1 =	rddreg [dreg:$0x1];
	p0 =	sne.s32 s2, $0x0  }
0x2f8: {  	s3 =	rddreg [dreg:$0x2];
	[bflag:$0x3] =	sbarrier.arrive $0xFFFF;
	s2 =	simm.s32 @!p0 $0x1C04  }
0x2f9: {  	[timem:s3], [sflag:s2] =	dma.local @!p0 [hbm:s0], s1  }
0x2fa: {  	s0 =	simm.s32 @!p0 $0x4  }
0x2fb: {  	_ =	swait.ge @!p0 [sflag:s0], s1  }
0x2fc: {  	s1 =	ssub.s32 @!p0 $0x0, s1;
	[sflag:s0] =	ssyncset.done @!p0 $0x0  }
0x2fd: {  	[sflag:s0] =	ssyncadd.s32 @!p0 s1  }
0x2fe: {  	[bflag:$0x3] =	sbarrier.arrive $0xFFFF  }
0x2ff: {  	_ =	shalt  }

</sc_bundles>
